<compile_context>
chip_gen: v7x
topology: tpu7x:2x2x1
jax: 0.10.2.dev20260603
libtpu: 0.0.44.dev20260713+nightly
codegen_flags: <defaults>
</compile_context>

<pallas_src>
import functools

import jax
import jax.numpy as jnp
from jax import lax
from jax.experimental import pallas as pl
from jax.experimental.pallas import tpu as pltpu
from jax.experimental.pallas import tpu_sc as plsc

USERS = 1000000
BATCH = 16384
D = 64
NC = 2
NS = 16
NW = NC * NS
BPW = BATCH // NW
NBLK = BPW // 16
MCHUNK = 128
NMCH = BPW // MCHUNK

_MESH = plsc.VectorSubcoreMesh(core_axis_name="c", subcore_axis_name="s")


@functools.partial(
    pl.kernel,
    mesh=_MESH,
    compiler_params=pltpu.CompilerParams(
        use_tc_tiling_on_sc=False, needs_layout_passes=False),
    out_type=(
        jax.ShapeDtypeStruct((BATCH, D), jnp.float32),
        jax.ShapeDtypeStruct((BATCH, D), jnp.float32),
    ),
    scratch_types=[
        pltpu.VMEM((BPW,), jnp.int32),
        pltpu.VMEM((2, 16, D, 16), jnp.float32),
        pltpu.VMEM((BPW, D), jnp.float32),
        pltpu.VMEM((BPW,), jnp.int32),
        pltpu.VMEM((BPW, D), jnp.float32),
        pltpu.SemaphoreType.DMA,
        pltpu.SemaphoreType.DMA,
    ],
)
def _sc_gather(user_tab_t, movie_table, user_ids, movie_ids,
               user_out, movie_gath,
               uids, sbuf, urows, midx, mrows, usem, msem):
    wid = lax.axis_index("s") * NC + lax.axis_index("c")
    base = wid * BPW
    pltpu.sync_copy(user_ids.at[pl.ds(base, BPW)], uids)
    pltpu.sync_copy(movie_ids.at[pl.ds(base, BPW)], midx)

    mcopies = []
    for j in range(NMCH):
        sl = pl.ds(j * MCHUNK, MCHUNK)
        mcopies.append(pltpu.async_copy(
            movie_table.at[midx.at[sl]], mrows.at[sl], msem))

    rows16 = jax.lax.iota(jnp.int32, 16)

    def fire(b, buf):
        uvec = uids[pl.ds(b * 16, 16)]
        cols = jnp.bitwise_and(uvec, jnp.int32(~15))
        for k in range(16):
            col = pl.multiple_of(cols[k], 16)
            pltpu.async_copy(
                user_tab_t.at[:, pl.ds(col, 16)],
                sbuf.at[buf, k], usem)

    def extract(b, buf):
        uvec = uids[pl.ds(b * 16, 16)]
        lanes = jnp.bitwise_and(uvec, jnp.int32(15))
        for k in range(16):
            pltpu.make_async_copy(
                user_tab_t.at[:, pl.ds(0, 16)], sbuf.at[buf, k], usem).wait()
        for k in range(16):
            lane = jnp.broadcast_to(lanes[k], (16,))
            i = b * 16 + k
            for r in range(D // 16):
                vals = plsc.load_gather(
                    sbuf.at[buf, k], [r * 16 + rows16, lane])
                urows[i, pl.ds(r * 16, 16)] = vals

    fire(0, 0)

    def blk(b, _):
        buf = lax.rem(b, 2)
        nbuf = lax.rem(b + 1, 2)

        @pl.when(b + 1 < NBLK)
        def _():
            fire(b + 1, nbuf)

        extract(b, buf)
        return ()

    lax.fori_loop(0, NBLK, blk, ())

    for c in mcopies:
        c.wait()
    pltpu.sync_copy(urows, user_out.at[pl.ds(base, BPW)])
    pltpu.sync_copy(mrows, movie_gath.at[pl.ds(base, BPW)])


def _tc_body(x_ref, w_ref, b_ref, g_ref, o_ref):
    o_ref[...] = (
        jnp.dot(x_ref[...], w_ref[...], preferred_element_type=jnp.float32)
        + b_ref[...] + g_ref[...]
    )


def kernel(movie_x, user_table, movie_table, W, b, user_node_id, movie_node_id):
    user_out, movie_gath = _sc_gather(
        user_table.T, movie_table, user_node_id, movie_node_id)
    BM = 2048
    movie_out = pl.pallas_call(
        _tc_body,
        grid=(BATCH // BM,),
        in_specs=[
            pl.BlockSpec((BM, 20), lambda i: (i, 0)),
            pl.BlockSpec((20, D), lambda i: (0, 0)),
            pl.BlockSpec((1, D), lambda i: (0, 0)),
            pl.BlockSpec((BM, D), lambda i: (i, 0)),
        ],
        out_specs=pl.BlockSpec((BM, D), lambda i: (i, 0)),
        out_shape=jax.ShapeDtypeStruct((BATCH, D), jnp.float32),
    )(movie_x, W, b.reshape(1, D), movie_gath)
    return (user_out, movie_out)

# --- scband reference (transcript-rebuilt; emitter-appended) ---
"""Pipeline reference for scband-movie-lens-embedding-78262894068025 (READ-ONLY COPY).

The authoritative reference and input builder live on the scoring server;
editing this copy changes nothing except your own understanding.
"""

import jax, jax.numpy as jnp
import numpy as np

USERS = 1000000
MOVIES = 100000
OUT_DIM = 64
BATCH = 16384

def setup_inputs(seed: int = 0) -> dict:
    key = jax.random.key(seed)
    k1, k2, k3, k4, k5, k6, k7 = jax.random.split(key, 7)
    user_node_id = jax.random.randint(k1, (BATCH,), 0, USERS, dtype=jnp.int64 if jax.config.jax_enable_x64 else jnp.int32).astype(jnp.int32)
    movie_node_id = jax.random.randint(k2, (BATCH,), 0, MOVIES).astype(jnp.int32)
    movie_x = jax.random.normal(k3, (BATCH, 20), dtype=jnp.float32)
    user_table = jax.random.normal(k4, (USERS, OUT_DIM), dtype=jnp.float32) * 0.02
    movie_table = jax.random.normal(k5, (MOVIES, OUT_DIM), dtype=jnp.float32) * 0.02
    W = jax.random.normal(k6, (20, OUT_DIM), dtype=jnp.float32) * 0.1
    b = jax.random.normal(k7, (OUT_DIM,), dtype=jnp.float32) * 0.01
    return {
        "movie_x": movie_x,
        "user_table": user_table,
        "movie_table": movie_table,
        "W": W,
        "b": b,
        "user_node_id": user_node_id,
        "movie_node_id": movie_node_id,
    }

def reference(movie_x, user_table, movie_table, W, b, user_node_id, movie_node_id):
    # user embedding lookup: user_emb(data['user'].node_id)
    user_out = jnp.take(user_table, user_node_id, axis=0)
    # movie branch: movie_lin(data['movie'].x) + movie_emb(data['movie'].node_id)
    movie_out = movie_x @ W + b + jnp.take(movie_table, movie_node_id, axis=0)
    return (user_out, movie_out)

if __name__ == "__main__":
    import jax
    _d = setup_inputs()
    print(jax.jit(kernel)(*tuple(_d.values())))

</pallas_src>

<mosaic_0001>
#map = affine_map<(d0, d1) -> (0, 0)>
#map1 = affine_map<(d0, d1) -> (0)>
module attributes {stable_mosaic.version = 14 : i64} {
  func.func @_sc_gather(%arg0: i32, %arg1: i32, %arg2: memref<64x1000000xf32, #tpu.memory_space<hbm>>, %arg3: memref<100000x64xf32, #tpu.memory_space<hbm>>, %arg4: memref<16384xi32, #tpu.memory_space<hbm>>, %arg5: memref<16384xi32, #tpu.memory_space<hbm>>, %arg6: memref<16384x64xf32, #tpu.memory_space<hbm>>, %arg7: memref<16384x64xf32, #tpu.memory_space<hbm>>, %arg8: memref<512xi32, #tpu.memory_space<vmem>>, %arg9: memref<2x16x64x16xf32, #tpu.memory_space<vmem>>, %arg10: memref<512x64xf32, #tpu.memory_space<vmem>>, %arg11: memref<512xi32, #tpu.memory_space<vmem>>, %arg12: memref<512x64xf32, #tpu.memory_space<vmem>>, %arg13: memref<!tpu.dma_semaphore, #tpu.memory_space<semaphore_mem>>, %arg14: memref<!tpu.dma_semaphore, #tpu.memory_space<semaphore_mem>>) attributes {dimension_semantics = [#tpu.dimension_semantics<core_parallel>, #tpu.dimension_semantics<subcore_parallel>], iteration_bounds = array<i64: 2, 16>, scalar_prefetch = 0 : i64, scratch_operands = 7 : i64, tpu.core_type = #tpu.core_type<sc_vector_subcore>, window_params = [{transform_indices = #map}, {transform_indices = #map}, {transform_indices = #map1}, {transform_indices = #map1}, {transform_indices = #map}, {transform_indices = #map}]} {
    %mul3A = arith.constant 2 : i32
    %mul3A_0 = arith.muli %arg1, %mul3A : i32
    %add3A = arith.addi %mul3A_0, %arg0 : i32
    %mul3A_1 = arith.constant 512 : i32
    %mul3A_2 = arith.muli %add3A, %mul3A_1 : i32
    "tpu.region"() ({
      %run_scoped3A = tpu.sem_alloc : memref<!tpu.dma_semaphore, #tpu.memory_space<semaphore_mem>>
      %dma_start3A_341 = tpu.memref_slice %arg4[%mul3A_2] : memref<16384xi32, #tpu.memory_space<hbm>> -> memref<512xi32, #tpu.memory_space<hbm>>
      %dma_start3A_342 = tpu.memref_slice %arg4[%mul3A_2] : memref<16384xi32, #tpu.memory_space<hbm>> -> memref<512xi32, #tpu.memory_space<hbm>>
      tpu.enqueue_dma source(%dma_start3A_342 : memref<512xi32, #tpu.memory_space<hbm>>) target(%arg8 : memref<512xi32, #tpu.memory_space<vmem>>) target_semaphore(%run_scoped3A : memref<!tpu.dma_semaphore, #tpu.memory_space<semaphore_mem>>)
      %dma_wait3A_343 = tpu.memref_slice %arg4[%mul3A_2] : memref<16384xi32, #tpu.memory_space<hbm>> -> memref<512xi32, #tpu.memory_space<hbm>>
      %dma_wait3A_344 = tpu.memref_slice %arg4[%mul3A_2] : memref<16384xi32, #tpu.memory_space<hbm>> -> memref<512xi32, #tpu.memory_space<hbm>>
      tpu.wait_dma2 semaphore(%run_scoped3A : memref<!tpu.dma_semaphore, #tpu.memory_space<semaphore_mem>>) src(%dma_wait3A_344 : memref<512xi32, #tpu.memory_space<hbm>>) dst(%arg8 : memref<512xi32, #tpu.memory_space<vmem>>)
      tpu.yield
    }) : () -> ()
    "tpu.region"() ({
      %run_scoped3A = tpu.sem_alloc : memref<!tpu.dma_semaphore, #tpu.memory_space<semaphore_mem>>
      %dma_start3A_341 = tpu.memref_slice %arg5[%mul3A_2] : memref<16384xi32, #tpu.memory_space<hbm>> -> memref<512xi32, #tpu.memory_space<hbm>>
      %dma_start3A_342 = tpu.memref_slice %arg5[%mul3A_2] : memref<16384xi32, #tpu.memory_space<hbm>> -> memref<512xi32, #tpu.memory_space<hbm>>
      tpu.enqueue_dma source(%dma_start3A_342 : memref<512xi32, #tpu.memory_space<hbm>>) target(%arg11 : memref<512xi32, #tpu.memory_space<vmem>>) target_semaphore(%run_scoped3A : memref<!tpu.dma_semaphore, #tpu.memory_space<semaphore_mem>>)
      %dma_wait3A_343 = tpu.memref_slice %arg5[%mul3A_2] : memref<16384xi32, #tpu.memory_space<hbm>> -> memref<512xi32, #tpu.memory_space<hbm>>
      %dma_wait3A_344 = tpu.memref_slice %arg5[%mul3A_2] : memref<16384xi32, #tpu.memory_space<hbm>> -> memref<512xi32, #tpu.memory_space<hbm>>
      tpu.wait_dma2 semaphore(%run_scoped3A : memref<!tpu.dma_semaphore, #tpu.memory_space<semaphore_mem>>) src(%dma_wait3A_344 : memref<512xi32, #tpu.memory_space<hbm>>) dst(%arg11 : memref<512xi32, #tpu.memory_space<vmem>>)
      tpu.yield
    }) : () -> ()
    %dma_start3A = arith.constant 0 : i32
    %dma_start3A_3 = arith.constant 0 : i32
    %dma_start3A_4 = tpu.memref_slice %arg12[%dma_start3A, %dma_start3A_3] : memref<512x64xf32, #tpu.memory_space<vmem>> -> memref<128x64xf32, #tpu.memory_space<vmem>>
    %dma_start3A_5 = arith.constant 0 : i32
    %dma_start3A_6 = tpu.memref_slice %arg11[%dma_start3A_5] : memref<512xi32, #tpu.memory_space<vmem>> -> memref<128xi32, #tpu.memory_space<vmem>>
    %dma_start3A_7 = arith.constant 0 : i32
    %dma_start3A_8 = arith.constant 0 : i32
    %dma_start3A_9 = tpu.memref_slice %arg3[%dma_start3A_7, %dma_start3A_8] : memref<100000x64xf32, #tpu.memory_space<hbm>> -> memref<100000x64xf32, #tpu.memory_space<hbm>>
    tpu.enqueue_indirect_dma source(%dma_start3A_9 : memref<100000x64xf32, #tpu.memory_space<hbm>>) target(%dma_start3A_4 : memref<128x64xf32, #tpu.memory_space<vmem>>) offsets(%dma_start3A_6 : memref<128xi32, #tpu.memory_space<vmem>>) semaphore(%arg14 : memref<!tpu.dma_semaphore, #tpu.memory_space<semaphore_mem>>)
    %dma_start3A_10 = arith.constant 128 : i32
    %dma_start3A_11 = arith.constant 0 : i32
    %dma_start3A_12 = tpu.memref_slice %arg12[%dma_start3A_10, %dma_start3A_11] : memref<512x64xf32, #tpu.memory_space<vmem>> -> memref<128x64xf32, #tpu.memory_space<vmem>>
    %dma_start3A_13 = arith.constant 128 : i32
    %dma_start3A_14 = tpu.memref_slice %arg11[%dma_start3A_13] : memref<512xi32, #tpu.memory_space<vmem>> -> memref<128xi32, #tpu.memory_space<vmem>>
    %dma_start3A_15 = arith.constant 0 : i32
    %dma_start3A_16 = arith.constant 0 : i32
    %dma_start3A_17 = tpu.memref_slice %arg3[%dma_start3A_15, %dma_start3A_16] : memref<100000x64xf32, #tpu.memory_space<hbm>> -> memref<100000x64xf32, #tpu.memory_space<hbm>>
    tpu.enqueue_indirect_dma source(%dma_start3A_17 : memref<100000x64xf32, #tpu.memory_space<hbm>>) target(%dma_start3A_12 : memref<128x64xf32, #tpu.memory_space<vmem>>) offsets(%dma_start3A_14 : memref<128xi32, #tpu.memory_space<vmem>>) semaphore(%arg14 : memref<!tpu.dma_semaphore, #tpu.memory_space<semaphore_mem>>)
    %dma_start3A_18 = arith.constant 256 : i32
    %dma_start3A_19 = arith.constant 0 : i32
    %dma_start3A_20 = tpu.memref_slice %arg12[%dma_start3A_18, %dma_start3A_19] : memref<512x64xf32, #tpu.memory_space<vmem>> -> memref<128x64xf32, #tpu.memory_space<vmem>>
    %dma_start3A_21 = arith.constant 256 : i32
    %dma_start3A_22 = tpu.memref_slice %arg11[%dma_start3A_21] : memref<512xi32, #tpu.memory_space<vmem>> -> memref<128xi32, #tpu.memory_space<vmem>>
    %dma_start3A_23 = arith.constant 0 : i32
    %dma_start3A_24 = arith.constant 0 : i32
    %dma_start3A_25 = tpu.memref_slice %arg3[%dma_start3A_23, %dma_start3A_24] : memref<100000x64xf32, #tpu.memory_space<hbm>> -> memref<100000x64xf32, #tpu.memory_space<hbm>>
    tpu.enqueue_indirect_dma source(%dma_start3A_25 : memref<100000x64xf32, #tpu.memory_space<hbm>>) target(%dma_start3A_20 : memref<128x64xf32, #tpu.memory_space<vmem>>) offsets(%dma_start3A_22 : memref<128xi32, #tpu.memory_space<vmem>>) semaphore(%arg14 : memref<!tpu.dma_semaphore, #tpu.memory_space<semaphore_mem>>)
    %dma_start3A_26 = arith.constant 384 : i32
    %dma_start3A_27 = arith.constant 0 : i32
    %dma_start3A_28 = tpu.memref_slice %arg12[%dma_start3A_26, %dma_start3A_27] : memref<512x64xf32, #tpu.memory_space<vmem>> -> memref<128x64xf32, #tpu.memory_space<vmem>>
    %dma_start3A_29 = arith.constant 384 : i32
    %dma_start3A_30 = tpu.memref_slice %arg11[%dma_start3A_29] : memref<512xi32, #tpu.memory_space<vmem>> -> memref<128xi32, #tpu.memory_space<vmem>>
    %dma_start3A_31 = arith.constant 0 : i32
    %dma_start3A_32 = arith.constant 0 : i32
    %dma_start3A_33 = tpu.memref_slice %arg3[%dma_start3A_31, %dma_start3A_32] : memref<100000x64xf32, #tpu.memory_space<hbm>> -> memref<100000x64xf32, #tpu.memory_space<hbm>>
    tpu.enqueue_indirect_dma source(%dma_start3A_33 : memref<100000x64xf32, #tpu.memory_space<hbm>>) target(%dma_start3A_28 : memref<128x64xf32, #tpu.memory_space<vmem>>) offsets(%dma_start3A_30 : memref<128xi32, #tpu.memory_space<vmem>>) semaphore(%arg14 : memref<!tpu.dma_semaphore, #tpu.memory_space<semaphore_mem>>)
    %iota3A = tpu.iota {dimensions = array<i32: 0>} : vector<16xi32>
    %get3A = arith.constant 0 : index
    %get3A_34 = tpu.vector_load %arg8[%get3A] {strides = array<i32>} : memref<512xi32, #tpu.memory_space<vmem>>, vector<16xi32>,
    %and3A = arith.constant -16 : i32
    %and3A_35 = vector.broadcast %and3A : i32 to vector<16xi32>
    %and3A_36 = arith.andi %get3A_34, %and3A_35 : vector<16xi32>
    %slice3A = vector.extract_strided_slice %and3A_36 {offsets = [0], sizes = [1], strides = [1]} : vector<16xi32> to vector<1xi32>
    %squeeze3A = vector.extract %slice3A[0] : i32 from vector<1xi32>
    %multiple_of3A = tpu.assume_multiple %squeeze3A, 16 : i32
    %dma_start3A_37 = arith.constant 0 : i32
    %dma_start3A_38 = arith.constant 0 : i32
    %dma_start3A_39 = arith.constant 0 : i32
    %dma_start3A_40 = arith.constant 0 : i32
    %dma_start3A_41 = tpu.memref_slice %arg9[%dma_start3A_37, %dma_start3A_38, %dma_start3A_39, %dma_start3A_40] : memref<2x16x64x16xf32, #tpu.memory_space<vmem>> -> memref<1x1x64x16xf32, #tpu.memory_space<vmem>>
    %dma_start3A_42 = tpu.memref_squeeze %dma_start3A_41 : memref<1x1x64x16xf32, #tpu.memory_space<vmem>> -> memref<64x16xf32, #tpu.memory_space<vmem>>
    %dma_start3A_43 = arith.constant 0 : i32
    %dma_start3A_44 = tpu.memref_slice %arg2[%dma_start3A_43, %multiple_of3A] : memref<64x1000000xf32, #tpu.memory_space<hbm>> -> memref<64x16xf32, #tpu.memory_space<hbm>>
    %dma_start3A_45 = arith.constant 0 : i32
    %dma_start3A_46 = arith.constant 0 : i32
    %dma_start3A_47 = tpu.memref_slice %arg9[%dma_start3A_37, %dma_start3A_38, %dma_start3A_45, %dma_start3A_46] : memref<2x16x64x16xf32, #tpu.memory_space<vmem>> -> memref<1x1x64x16xf32, #tpu.memory_space<vmem>>
    %dma_start3A_48 = tpu.memref_squeeze %dma_start3A_47 : memref<1x1x64x16xf32, #tpu.memory_space<vmem>> -> memref<64x16xf32, #tpu.memory_space<vmem>>
    %dma_start3A_49 = arith.constant 0 : i32
    %dma_start3A_50 = tpu.memref_slice %arg2[%dma_start3A_49, %multiple_of3A] : memref<64x1000000xf32, #tpu.memory_space<hbm>> -> memref<64x16xf32, #tpu.memory_space<hbm>>
    tpu.enqueue_dma source(%dma_start3A_50 : memref<64x16xf32, #tpu.memory_space<hbm>>) target(%dma_start3A_48 : memref<64x16xf32, #tpu.memory_space<vmem>>) target_semaphore(%arg13 : memref<!tpu.dma_semaphore, #tpu.memory_space<semaphore_mem>>)
    %slice3A_51 = vector.extract_strided_slice %and3A_36 {offsets = [1], sizes = [1], strides = [1]} : vector<16xi32> to vector<1xi32>
    %squeeze3A_52 = vector.extract %slice3A_51[0] : i32 from vector<1xi32>
    %multiple_of3A_53 = tpu.assume_multiple %squeeze3A_52, 16 : i32
    %dma_start3A_54 = arith.constant 0 : i32
    %dma_start3A_55 = arith.constant 1 : i32
    %dma_start3A_56 = arith.constant 0 : i32
    %dma_start3A_57 = arith.constant 0 : i32
    %dma_start3A_58 = tpu.memref_slice %arg9[%dma_start3A_54, %dma_start3A_55, %dma_start3A_56, %dma_start3A_57] : memref<2x16x64x16xf32, #tpu.memory_space<vmem>> -> memref<1x1x64x16xf32, #tpu.memory_space<vmem>>
    %dma_start3A_59 = tpu.memref_squeeze %dma_start3A_58 : memref<1x1x64x16xf32, #tpu.memory_space<vmem>> -> memref<64x16xf32, #tpu.memory_space<vmem>>
    %dma_start3A_60 = arith.constant 0 : i32
    %dma_start3A_61 = tpu.memref_slice %arg2[%dma_start3A_60, %multiple_of3A_53] : memref<64x1000000xf32, #tpu.memory_space<hbm>> -> memref<64x16xf32, #tpu.memory_space<hbm>>
    %dma_start3A_62 = arith.constant 0 : i32
    %dma_start3A_63 = arith.constant 0 : i32
    %dma_start3A_64 = tpu.memref_slice %arg9[%dma_start3A_54, %dma_start3A_55, %dma_start3A_62, %dma_start3A_63] : memref<2x16x64x16xf32, #tpu.memory_space<vmem>> -> memref<1x1x64x16xf32, #tpu.memory_space<vmem>>
    %dma_start3A_65 = tpu.memref_squeeze %dma_start3A_64 : memref<1x1x64x16xf32, #tpu.memory_space<vmem>> -> memref<64x16xf32, #tpu.memory_space<vmem>>
    %dma_start3A_66 = arith.constant 0 : i32
    %dma_start3A_67 = tpu.memref_slice %arg2[%dma_start3A_66, %multiple_of3A_53] : memref<64x1000000xf32, #tpu.memory_space<hbm>> -> memref<64x16xf32, #tpu.memory_space<hbm>>
    tpu.enqueue_dma source(%dma_start3A_67 : memref<64x16xf32, #tpu.memory_space<hbm>>) target(%dma_start3A_65 : memref<64x16xf32, #tpu.memory_space<vmem>>) target_semaphore(%arg13 : memref<!tpu.dma_semaphore, #tpu.memory_space<semaphore_mem>>)
    %slice3A_68 = vector.extract_strided_slice %and3A_36 {offsets = [2], sizes = [1], strides = [1]} : vector<16xi32> to vector<1xi32>
    %squeeze3A_69 = vector.extract %slice3A_68[0] : i32 from vector<1xi32>
    %multiple_of3A_70 = tpu.assume_multiple %squeeze3A_69, 16 : i32
    %dma_start3A_71 = arith.constant 0 : i32
    %dma_start3A_72 = arith.constant 2 : i32
    %dma_start3A_73 = arith.constant 0 : i32
    %dma_start3A_74 = arith.constant 0 : i32
    %dma_start3A_75 = tpu.memref_slice %arg9[%dma_start3A_71, %dma_start3A_72, %dma_start3A_73, %dma_start3A_74] : memref<2x16x64x16xf32, #tpu.memory_space<vmem>> -> memref<1x1x64x16xf32, #tpu.memory_space<vmem>>
    %dma_start3A_76 = tpu.memref_squeeze %dma_start3A_75 : memref<1x1x64x16xf32, #tpu.memory_space<vmem>> -> memref<64x16xf32, #tpu.memory_space<vmem>>
    %dma_start3A_77 = arith.constant 0 : i32
    %dma_start3A_78 = tpu.memref_slice %arg2[%dma_start3A_77, %multiple_of3A_70] : memref<64x1000000xf32, #tpu.memory_space<hbm>> -> memref<64x16xf32, #tpu.memory_space<hbm>>
    %dma_start3A_79 = arith.constant 0 : i32
    %dma_start3A_80 = arith.constant 0 : i32
    %dma_start3A_81 = tpu.memref_slice %arg9[%dma_start3A_71, %dma_start3A_72, %dma_start3A_79, %dma_start3A_80] : memref<2x16x64x16xf32, #tpu.memory_space<vmem>> -> memref<1x1x64x16xf32, #tpu.memory_space<vmem>>
    %dma_start3A_82 = tpu.memref_squeeze %dma_start3A_81 : memref<1x1x64x16xf32, #tpu.memory_space<vmem>> -> memref<64x16xf32, #tpu.memory_space<vmem>>
    %dma_start3A_83 = arith.constant 0 : i32
    %dma_start3A_84 = tpu.memref_slice %arg2[%dma_start3A_83, %multiple_of3A_70] : memref<64x1000000xf32, #tpu.memory_space<hbm>> -> memref<64x16xf32, #tpu.memory_space<hbm>>
    tpu.enqueue_dma source(%dma_start3A_84 : memref<64x16xf32, #tpu.memory_space<hbm>>) target(%dma_start3A_82 : memref<64x16xf32, #tpu.memory_space<vmem>>) target_semaphore(%arg13 : memref<!tpu.dma_semaphore, #tpu.memory_space<semaphore_mem>>)
    %slice3A_85 = vector.extract_strided_slice %and3A_36 {offsets = [3], sizes = [1], strides = [1]} : vector<16xi32> to vector<1xi32>
    %squeeze3A_86 = vector.extract %slice3A_85[0] : i32 from vector<1xi32>
    %multiple_of3A_87 = tpu.assume_multiple %squeeze3A_86, 16 : i32
    %dma_start3A_88 = arith.constant 0 : i32
    %dma_start3A_89 = arith.constant 3 : i32
    %dma_start3A_90 = arith.constant 0 : i32
    %dma_start3A_91 = arith.constant 0 : i32
    %dma_start3A_92 = tpu.memref_slice %arg9[%dma_start3A_88, %dma_start3A_89, %dma_start3A_90, %dma_start3A_91] : memref<2x16x64x16xf32, #tpu.memory_space<vmem>> -> memref<1x1x64x16xf32, #tpu.memory_space<vmem>>
    %dma_start3A_93 = tpu.memref_squeeze %dma_start3A_92 : memref<1x1x64x16xf32, #tpu.memory_space<vmem>> -> memref<64x16xf32, #tpu.memory_space<vmem>>
    %dma_start3A_94 = arith.constant 0 : i32
    %dma_start3A_95 = tpu.memref_slice %arg2[%dma_start3A_94, %multiple_of3A_87] : memref<64x1000000xf32, #tpu.memory_space<hbm>> -> memref<64x16xf32, #tpu.memory_space<hbm>>
    %dma_start3A_96 = arith.constant 0 : i32
    %dma_start3A_97 = arith.constant 0 : i32
    %dma_start3A_98 = tpu.memref_slice %arg9[%dma_start3A_88, %dma_start3A_89, %dma_start3A_96, %dma_start3A_97] : memref<2x16x64x16xf32, #tpu.memory_space<vmem>> -> memref<1x1x64x16xf32, #tpu.memory_space<vmem>>
    %dma_start3A_99 = tpu.memref_squeeze %dma_start3A_98 : memref<1x1x64x16xf32, #tpu.memory_space<vmem>> -> memref<64x16xf32, #tpu.memory_space<vmem>>
    %dma_start3A_100 = arith.constant 0 : i32
    %dma_start3A_101 = tpu.memref_slice %arg2[%dma_start3A_100, %multiple_of3A_87] : memref<64x1000000xf32, #tpu.memory_space<hbm>> -> memref<64x16xf32, #tpu.memory_space<hbm>>
    tpu.enqueue_dma source(%dma_start3A_101 : memref<64x16xf32, #tpu.memory_space<hbm>>) target(%dma_start3A_99 : memref<64x16xf32, #tpu.memory_space<vmem>>) target_semaphore(%arg13 : memref<!tpu.dma_semaphore, #tpu.memory_space<semaphore_mem>>)
    %slice3A_102 = vector.extract_strided_slice %and3A_36 {offsets = [4], sizes = [1], strides = [1]} : vector<16xi32> to vector<1xi32>
    %squeeze3A_103 = vector.extract %slice3A_102[0] : i32 from vector<1xi32>
    %multiple_of3A_104 = tpu.assume_multiple %squeeze3A_103, 16 : i32
    %dma_start3A_105 = arith.constant 0 : i32
    %dma_start3A_106 = arith.constant 4 : i32
    %dma_start3A_107 = arith.constant 0 : i32
    %dma_start3A_108 = arith.constant 0 : i32
    %dma_start3A_109 = tpu.memref_slice %arg9[%dma_start3A_105, %dma_start3A_106, %dma_start3A_107, %dma_start3A_108] : memref<2x16x64x16xf32, #tpu.memory_space<vmem>> -> memref<1x1x64x16xf32, #tpu.memory_space<vmem>>
    %dma_start3A_110 = tpu.memref_squeeze %dma_start3A_109 : memref<1x1x64x16xf32, #tpu.memory_space<vmem>> -> memref<64x16xf32, #tpu.memory_space<vmem>>
    %dma_start3A_111 = arith.constant 0 : i32
    %dma_start3A_112 = tpu.memref_slice %arg2[%dma_start3A_111, %multiple_of3A_104] : memref<64x1000000xf32, #tpu.memory_space<hbm>> -> memref<64x16xf32, #tpu.memory_space<hbm>>
    %dma_start3A_113 = arith.constant 0 : i32
    %dma_start3A_114 = arith.constant 0 : i32
    %dma_start3A_115 = tpu.memref_slice %arg9[%dma_start3A_105, %dma_start3A_106, %dma_start3A_113, %dma_start3A_114] : memref<2x16x64x16xf32, #tpu.memory_space<vmem>> -> memref<1x1x64x16xf32, #tpu.memory_space<vmem>>
    %dma_start3A_116 = tpu.memref_squeeze %dma_start3A_115 : memref<1x1x64x16xf32, #tpu.memory_space<vmem>> -> memref<64x16xf32, #tpu.memory_space<vmem>>
    %dma_start3A_117 = arith.constant 0 : i32
    %dma_start3A_118 = tpu.memref_slice %arg2[%dma_start3A_117, %multiple_of3A_104] : memref<64x1000000xf32, #tpu.memory_space<hbm>> -> memref<64x16xf32, #tpu.memory_space<hbm>>
    tpu.enqueue_dma source(%dma_start3A_118 : memref<64x16xf32, #tpu.memory_space<hbm>>) target(%dma_start3A_116 : memref<64x16xf32, #tpu.memory_space<vmem>>) target_semaphore(%arg13 : memref<!tpu.dma_semaphore, #tpu.memory_space<semaphore_mem>>)
    %slice3A_119 = vector.extract_strided_slice %and3A_36 {offsets = [5], sizes = [1], strides = [1]} : vector<16xi32> to vector<1xi32>
    %squeeze3A_120 = vector.extract %slice3A_119[0] : i32 from vector<1xi32>
    %multiple_of3A_121 = tpu.assume_multiple %squeeze3A_120, 16 : i32
    %dma_start3A_122 = arith.constant 0 : i32
    %dma_start3A_123 = arith.constant 5 : i32
    %dma_start3A_124 = arith.constant 0 : i32
    %dma_start3A_125 = arith.constant 0 : i32
    %dma_start3A_126 = tpu.memref_slice %arg9[%dma_start3A_122, %dma_start3A_123, %dma_start3A_124, %dma_start3A_125] : memref<2x16x64x16xf32, #tpu.memory_space<vmem>> -> memref<1x1x64x16xf32, #tpu.memory_space<vmem>>
    %dma_start3A_127 = tpu.memref_squeeze %dma_start3A_126 : memref<1x1x64x16xf32, #tpu.memory_space<vmem>> -> memref<64x16xf32, #tpu.memory_space<vmem>>
    %dma_start3A_128 = arith.constant 0 : i32
    %dma_start3A_129 = tpu.memref_slice %arg2[%dma_start3A_128, %multiple_of3A_121] : memref<64x1000000xf32, #tpu.memory_space<hbm>> -> memref<64x16xf32, #tpu.memory_space<hbm>>
    %dma_start3A_130 = arith.constant 0 : i32
    %dma_start3A_131 = arith.constant 0 : i32
    %dma_start3A_132 = tpu.memref_slice %arg9[%dma_start3A_122, %dma_start3A_123, %dma_start3A_130, %dma_start3A_131] : memref<2x16x64x16xf32, #tpu.memory_space<vmem>> -> memref<1x1x64x16xf32, #tpu.memory_space<vmem>>
    %dma_start3A_133 = tpu.memref_squeeze %dma_start3A_132 : memref<1x1x64x16xf32, #tpu.memory_space<vmem>> -> memref<64x16xf32, #tpu.memory_space<vmem>>
    %dma_start3A_134 = arith.constant 0 : i32
    %dma_start3A_135 = tpu.memref_slice %arg2[%dma_start3A_134, %multiple_of3A_121] : memref<64x1000000xf32, #tpu.memory_space<hbm>> -> memref<64x16xf32, #tpu.memory_space<hbm>>
    tpu.enqueue_dma source(%dma_start3A_135 : memref<64x16xf32, #tpu.memory_space<hbm>>) target(%dma_start3A_133 : memref<64x16xf32, #tpu.memory_space<vmem>>) target_semaphore(%arg13 : memref<!tpu.dma_semaphore, #tpu.memory_space<semaphore_mem>>)
    %slice3A_136 = vector.extract_strided_slice %and3A_36 {offsets = [6], sizes = [1], strides = [1]} : vector<16xi32> to vector<1xi32>
    %squeeze3A_137 = vector.extract %slice3A_136[0] : i32 from vector<1xi32>
    %multiple_of3A_138 = tpu.assume_multiple %squeeze3A_137, 16 : i32
    %dma_start3A_139 = arith.constant 0 : i32
    %dma_start3A_140 = arith.constant 6 : i32
    %dma_start3A_141 = arith.constant 0 : i32
    %dma_start3A_142 = arith.constant 0 : i32
    %dma_start3A_143 = tpu.memref_slice %arg9[%dma_start3A_139, %dma_start3A_140, %dma_start3A_141, %dma_start3A_142] : memref<2x16x64x16xf32, #tpu.memory_space<vmem>> -> memref<1x1x64x16xf32, #tpu.memory_space<vmem>>
    %dma_start3A_144 = tpu.memref_squeeze %dma_start3A_143 : memref<1x1x64x16xf32, #tpu.memory_space<vmem>> -> memref<64x16xf32, #tpu.memory_space<vmem>>
    %dma_start3A_145 = arith.constant 0 : i32
    %dma_start3A_146 = tpu.memref_slice %arg2[%dma_start3A_145, %multiple_of3A_138] : memref<64x1000000xf32, #tpu.memory_space<hbm>> -> memref<64x16xf32, #tpu.memory_space<hbm>>
    %dma_start3A_147 = arith.constant 0 : i32
    %dma_start3A_148 = arith.constant 0 : i32
    %dma_start3A_149 = tpu.memref_slice %arg9[%dma_start3A_139, %dma_start3A_140, %dma_start3A_147, %dma_start3A_148] : memref<2x16x64x16xf32, #tpu.memory_space<vmem>> -> memref<1x1x64x16xf32, #tpu.memory_space<vmem>>
    %dma_start3A_150 = tpu.memref_squeeze %dma_start3A_149 : memref<1x1x64x16xf32, #tpu.memory_space<vmem>> -> memref<64x16xf32, #tpu.memory_space<vmem>>
    %dma_start3A_151 = arith.constant 0 : i32
    %dma_start3A_152 = tpu.memref_slice %arg2[%dma_start3A_151, %multiple_of3A_138] : memref<64x1000000xf32, #tpu.memory_space<hbm>> -> memref<64x16xf32, #tpu.memory_space<hbm>>
    tpu.enqueue_dma source(%dma_start3A_152 : memref<64x16xf32, #tpu.memory_space<hbm>>) target(%dma_start3A_150 : memref<64x16xf32, #tpu.memory_space<vmem>>) target_semaphore(%arg13 : memref<!tpu.dma_semaphore, #tpu.memory_space<semaphore_mem>>)
    %slice3A_153 = vector.extract_strided_slice %and3A_36 {offsets = [7], sizes = [1], strides = [1]} : vector<16xi32> to vector<1xi32>
    %squeeze3A_154 = vector.extract %slice3A_153[0] : i32 from vector<1xi32>
    %multiple_of3A_155 = tpu.assume_multiple %squeeze3A_154, 16 : i32
    %dma_start3A_156 = arith.constant 0 : i32
    %dma_start3A_157 = arith.constant 7 : i32
    %dma_start3A_158 = arith.constant 0 : i32
    %dma_start3A_159 = arith.constant 0 : i32
    %dma_start3A_160 = tpu.memref_slice %arg9[%dma_start3A_156, %dma_start3A_157, %dma_start3A_158, %dma_start3A_159] : memref<2x16x64x16xf32, #tpu.memory_space<vmem>> -> memref<1x1x64x16xf32, #tpu.memory_space<vmem>>
    %dma_start3A_161 = tpu.memref_squeeze %dma_start3A_160 : memref<1x1x64x16xf32, #tpu.memory_space<vmem>> -> memref<64x16xf32, #tpu.memory_space<vmem>>
    %dma_start3A_162 = arith.constant 0 : i32
    %dma_start3A_163 = tpu.memref_slice %arg2[%dma_start3A_162, %multiple_of3A_155] : memref<64x1000000xf32, #tpu.memory_space<hbm>> -> memref<64x16xf32, #tpu.memory_space<hbm>>
    %dma_start3A_164 = arith.constant 0 : i32
    %dma_start3A_165 = arith.constant 0 : i32
    %dma_start3A_166 = tpu.memref_slice %arg9[%dma_start3A_156, %dma_start3A_157, %dma_start3A_164, %dma_start3A_165] : memref<2x16x64x16xf32, #tpu.memory_space<vmem>> -> memref<1x1x64x16xf32, #tpu.memory_space<vmem>>
    %dma_start3A_167 = tpu.memref_squeeze %dma_start3A_166 : memref<1x1x64x16xf32, #tpu.memory_space<vmem>> -> memref<64x16xf32, #tpu.memory_space<vmem>>
    %dma_start3A_168 = arith.constant 0 : i32
    %dma_start3A_169 = tpu.memref_slice %arg2[%dma_start3A_168, %multiple_of3A_155] : memref<64x1000000xf32, #tpu.memory_space<hbm>> -> memref<64x16xf32, #tpu.memory_space<hbm>>
    tpu.enqueue_dma source(%dma_start3A_169 : memref<64x16xf32, #tpu.memory_space<hbm>>) target(%dma_start3A_167 : memref<64x16xf32, #tpu.memory_space<vmem>>) target_semaphore(%arg13 : memref<!tpu.dma_semaphore, #tpu.memory_space<semaphore_mem>>)
    %slice3A_170 = vector.extract_strided_slice %and3A_36 {offsets = [8], sizes = [1], strides = [1]} : vector<16xi32> to vector<1xi32>
    %squeeze3A_171 = vector.extract %slice3A_170[0] : i32 from vector<1xi32>
    %multiple_of3A_172 = tpu.assume_multiple %squeeze3A_171, 16 : i32
    %dma_start3A_173 = arith.constant 0 : i32
    %dma_start3A_174 = arith.constant 8 : i32
    %dma_start3A_175 = arith.constant 0 : i32
    %dma_start3A_176 = arith.constant 0 : i32
    %dma_start3A_177 = tpu.memref_slice %arg9[%dma_start3A_173, %dma_start3A_174, %dma_start3A_175, %dma_start3A_176] : memref<2x16x64x16xf32, #tpu.memory_space<vmem>> -> memref<1x1x64x16xf32, #tpu.memory_space<vmem>>
    %dma_start3A_178 = tpu.memref_squeeze %dma_start3A_177 : memref<1x1x64x16xf32, #tpu.memory_space<vmem>> -> memref<64x16xf32, #tpu.memory_space<vmem>>
    %dma_start3A_179 = arith.constant 0 : i32
    %dma_start3A_180 = tpu.memref_slice %arg2[%dma_start3A_179, %multiple_of3A_172] : memref<64x1000000xf32, #tpu.memory_space<hbm>> -> memref<64x16xf32, #tpu.memory_space<hbm>>
    %dma_start3A_181 = arith.constant 0 : i32
    %dma_start3A_182 = arith.constant 0 : i32
    %dma_start3A_183 = tpu.memref_slice %arg9[%dma_start3A_173, %dma_start3A_174, %dma_start3A_181, %dma_start3A_182] : memref<2x16x64x16xf32, #tpu.memory_space<vmem>> -> memref<1x1x64x16xf32, #tpu.memory_space<vmem>>
    %dma_start3A_184 = tpu.memref_squeeze %dma_start3A_183 : memref<1x1x64x16xf32, #tpu.memory_space<vmem>> -> memref<64x16xf32, #tpu.memory_space<vmem>>
    %dma_start3A_185 = arith.constant 0 : i32
    %dma_start3A_186 = tpu.memref_slice %arg2[%dma_start3A_185, %multiple_of3A_172] : memref<64x1000000xf32, #tpu.memory_space<hbm>> -> memref<64x16xf32, #tpu.memory_space<hbm>>
    tpu.enqueue_dma source(%dma_start3A_186 : memref<64x16xf32, #tpu.memory_space<hbm>>) target(%dma_start3A_184 : memref<64x16xf32, #tpu.memory_space<vmem>>) target_semaphore(%arg13 : memref<!tpu.dma_semaphore, #tpu.memory_space<semaphore_mem>>)
    %slice3A_187 = vector.extract_strided_slice %and3A_36 {offsets = [9], sizes = [1], strides = [1]} : vector<16xi32> to vector<1xi32>
    %squeeze3A_188 = vector.extract %slice3A_187[0] : i32 from vector<1xi32>
    %multiple_of3A_189 = tpu.assume_multiple %squeeze3A_188, 16 : i32
    %dma_start3A_190 = arith.constant 0 : i32
    %dma_start3A_191 = arith.constant 9 : i32
    %dma_start3A_192 = arith.constant 0 : i32
    %dma_start3A_193 = arith.constant 0 : i32
    %dma_start3A_194 = tpu.memref_slice %arg9[%dma_start3A_190, %dma_start3A_191, %dma_start3A_192, %dma_start3A_193] : memref<2x16x64x16xf32, #tpu.memory_space<vmem>> -> memref<1x1x64x16xf32, #tpu.memory_space<vmem>>
    %dma_start3A_195 = tpu.memref_squeeze %dma_start3A_194 : memref<1x1x64x16xf32, #tpu.memory_space<vmem>> -> memref<64x16xf32, #tpu.memory_space<vmem>>
    %dma_start3A_196 = arith.constant 0 : i32
    %dma_start3A_197 = tpu.memref_slice %arg2[%dma_start3A_196, %multiple_of3A_189] : memref<64x1000000xf32, #tpu.memory_space<hbm>> -> memref<64x16xf32, #tpu.memory_space<hbm>>
    %dma_start3A_198 = arith.constant 0 : i32
    %dma_start3A_199 = arith.constant 0 : i32
    %dma_start3A_200 = tpu.memref_slice %arg9[%dma_start3A_190, %dma_start3A_191, %dma_start3A_198, %dma_start3A_199] : memref<2x16x64x16xf32, #tpu.memory_space<vmem>> -> memref<1x1x64x16xf32, #tpu.memory_space<vmem>>
    %dma_start3A_201 = tpu.memref_squeeze %dma_start3A_200 : memref<1x1x64x16xf32, #tpu.memory_space<vmem>> -> memref<64x16xf32, #tpu.memory_space<vmem>>
    %dma_start3A_202 = arith.constant 0 : i32
    %dma_start3A_203 = tpu.memref_slice %arg2[%dma_start3A_202, %multiple_of3A_189] : memref<64x1000000xf32, #tpu.memory_space<hbm>> -> memref<64x16xf32, #tpu.memory_space<hbm>>
    tpu.enqueue_dma source(%dma_start3A_203 : memref<64x16xf32, #tpu.memory_space<hbm>>) target(%dma_start3A_201 : memref<64x16xf32, #tpu.memory_space<vmem>>) target_semaphore(%arg13 : memref<!tpu.dma_semaphore, #tpu.memory_space<semaphore_mem>>)
    %slice3A_204 = vector.extract_strided_slice %and3A_36 {offsets = [10], sizes = [1], strides = [1]} : vector<16xi32> to vector<1xi32>
    %squeeze3A_205 = vector.extract %slice3A_204[0] : i32 from vector<1xi32>
    %multiple_of3A_206 = tpu.assume_multiple %squeeze3A_205, 16 : i32
    %dma_start3A_207 = arith.constant 0 : i32
    %dma_start3A_208 = arith.constant 10 : i32
    %dma_start3A_209 = arith.constant 0 : i32
    %dma_start3A_210 = arith.constant 0 : i32
    %dma_start3A_211 = tpu.memref_slice %arg9[%dma_start3A_207, %dma_start3A_208, %dma_start3A_209, %dma_start3A_210] : memref<2x16x64x16xf32, #tpu.memory_space<vmem>> -> memref<1x1x64x16xf32, #tpu.memory_space<vmem>>
    %dma_start3A_212 = tpu.memref_squeeze %dma_start3A_211 : memref<1x1x64x16xf32, #tpu.memory_space<vmem>> -> memref<64x16xf32, #tpu.memory_space<vmem>>
    %dma_start3A_213 = arith.constant 0 : i32
    %dma_start3A_214 = tpu.memref_slice %arg2[%dma_start3A_213, %multiple_of3A_206] : memref<64x1000000xf32, #tpu.memory_space<hbm>> -> memref<64x16xf32, #tpu.memory_space<hbm>>
    %dma_start3A_215 = arith.constant 0 : i32
    %dma_start3A_216 = arith.constant 0 : i32
    %dma_start3A_217 = tpu.memref_slice %arg9[%dma_start3A_207, %dma_start3A_208, %dma_start3A_215, %dma_start3A_216] : memref<2x16x64x16xf32, #tpu.memory_space<vmem>> -> memref<1x1x64x16xf32, #tpu.memory_space<vmem>>
    %dma_start3A_218 = tpu.memref_squeeze %dma_start3A_217 : memref<1x1x64x16xf32, #tpu.memory_space<vmem>> -> memref<64x16xf32, #tpu.memory_space<vmem>>
    %dma_start3A_219 = arith.constant 0 : i32
    %dma_start3A_220 = tpu.memref_slice %arg2[%dma_start3A_219, %multiple_of3A_206] : memref<64x1000000xf32, #tpu.memory_space<hbm>> -> memref<64x16xf32, #tpu.memory_space<hbm>>
    tpu.enqueue_dma source(%dma_start3A_220 : memref<64x16xf32, #tpu.memory_space<hbm>>) target(%dma_start3A_218 : memref<64x16xf32, #tpu.memory_space<vmem>>) target_semaphore(%arg13 : memref<!tpu.dma_semaphore, #tpu.memory_space<semaphore_mem>>)
    %slice3A_221 = vector.extract_strided_slice %and3A_36 {offsets = [11], sizes = [1], strides = [1]} : vector<16xi32> to vector<1xi32>
    %squeeze3A_222 = vector.extract %slice3A_221[0] : i32 from vector<1xi32>
    %multiple_of3A_223 = tpu.assume_multiple %squeeze3A_222, 16 : i32
    %dma_start3A_224 = arith.constant 0 : i32
    %dma_start3A_225 = arith.constant 11 : i32
    %dma_start3A_226 = arith.constant 0 : i32
    %dma_start3A_227 = arith.constant 0 : i32
    %dma_start3A_228 = tpu.memref_slice %arg9[%dma_start3A_224, %dma_start3A_225, %dma_start3A_226, %dma_start3A_227] : memref<2x16x64x16xf32, #tpu.memory_space<vmem>> -> memref<1x1x64x16xf32, #tpu.memory_space<vmem>>
    %dma_start3A_229 = tpu.memref_squeeze %dma_start3A_228 : memref<1x1x64x16xf32, #tpu.memory_space<vmem>> -> memref<64x16xf32, #tpu.memory_space<vmem>>
    %dma_start3A_230 = arith.constant 0 : i32
    %dma_start3A_231 = tpu.memref_slice %arg2[%dma_start3A_230, %multiple_of3A_223] : memref<64x1000000xf32, #tpu.memory_space<hbm>> -> memref<64x16xf32, #tpu.memory_space<hbm>>
    %dma_start3A_232 = arith.constant 0 : i32
    %dma_start3A_233 = arith.constant 0 : i32
    %dma_start3A_234 = tpu.memref_slice %arg9[%dma_start3A_224, %dma_start3A_225, %dma_start3A_232, %dma_start3A_233] : memref<2x16x64x16xf32, #tpu.memory_space<vmem>> -> memref<1x1x64x16xf32, #tpu.memory_space<vmem>>
    %dma_start3A_235 = tpu.memref_squeeze %dma_start3A_234 : memref<1x1x64x16xf32, #tpu.memory_space<vmem>> -> memref<64x16xf32, #tpu.memory_space<vmem>>
    %dma_start3A_236 = arith.constant 0 : i32
    %dma_start3A_237 = tpu.memref_slice %arg2[%dma_start3A_236, %multiple_of3A_223] : memref<64x1000000xf32, #tpu.memory_space<hbm>> -> memref<64x16xf32, #tpu.memory_space<hbm>>
    tpu.enqueue_dma source(%dma_start3A_237 : memref<64x16xf32, #tpu.memory_space<hbm>>) target(%dma_start3A_235 : memref<64x16xf32, #tpu.memory_space<vmem>>) target_semaphore(%arg13 : memref<!tpu.dma_semaphore, #tpu.memory_space<semaphore_mem>>)
    %slice3A_238 = vector.extract_strided_slice %and3A_36 {offsets = [12], sizes = [1], strides = [1]} : vector<16xi32> to vector<1xi32>
    %squeeze3A_239 = vector.extract %slice3A_238[0] : i32 from vector<1xi32>
    %multiple_of3A_240 = tpu.assume_multiple %squeeze3A_239, 16 : i32
    %dma_start3A_241 = arith.constant 0 : i32
    %dma_start3A_242 = arith.constant 12 : i32
    %dma_start3A_243 = arith.constant 0 : i32
    %dma_start3A_244 = arith.constant 0 : i32
    %dma_start3A_245 = tpu.memref_slice %arg9[%dma_start3A_241, %dma_start3A_242, %dma_start3A_243, %dma_start3A_244] : memref<2x16x64x16xf32, #tpu.memory_space<vmem>> -> memref<1x1x64x16xf32, #tpu.memory_space<vmem>>
    %dma_start3A_246 = tpu.memref_squeeze %dma_start3A_245 : memref<1x1x64x16xf32, #tpu.memory_space<vmem>> -> memref<64x16xf32, #tpu.memory_space<vmem>>
    %dma_start3A_247 = arith.constant 0 : i32
    %dma_start3A_248 = tpu.memref_slice %arg2[%dma_start3A_247, %multiple_of3A_240] : memref<64x1000000xf32, #tpu.memory_space<hbm>> -> memref<64x16xf32, #tpu.memory_space<hbm>>
    %dma_start3A_249 = arith.constant 0 : i32
    %dma_start3A_250 = arith.constant 0 : i32
    %dma_start3A_251 = tpu.memref_slice %arg9[%dma_start3A_241, %dma_start3A_242, %dma_start3A_249, %dma_start3A_250] : memref<2x16x64x16xf32, #tpu.memory_space<vmem>> -> memref<1x1x64x16xf32, #tpu.memory_space<vmem>>
    %dma_start3A_252 = tpu.memref_squeeze %dma_start3A_251 : memref<1x1x64x16xf32, #tpu.memory_space<vmem>> -> memref<64x16xf32, #tpu.memory_space<vmem>>
    %dma_start3A_253 = arith.constant 0 : i32
    %dma_start3A_254 = tpu.memref_slice %arg2[%dma_start3A_253, %multiple_of3A_240] : memref<64x1000000xf32, #tpu.memory_space<hbm>> -> memref<64x16xf32, #tpu.memory_space<hbm>>
    tpu.enqueue_dma source(%dma_start3A_254 : memref<64x16xf32, #tpu.memory_space<hbm>>) target(%dma_start3A_252 : memref<64x16xf32, #tpu.memory_space<vmem>>) target_semaphore(%arg13 : memref<!tpu.dma_semaphore, #tpu.memory_space<semaphore_mem>>)
    %slice3A_255 = vector.extract_strided_slice %and3A_36 {offsets = [13], sizes = [1], strides = [1]} : vector<16xi32> to vector<1xi32>
    %squeeze3A_256 = vector.extract %slice3A_255[0] : i32 from vector<1xi32>
    %multiple_of3A_257 = tpu.assume_multiple %squeeze3A_256, 16 : i32
    %dma_start3A_258 = arith.constant 0 : i32
    %dma_start3A_259 = arith.constant 13 : i32
    %dma_start3A_260 = arith.constant 0 : i32
    %dma_start3A_261 = arith.constant 0 : i32
    %dma_start3A_262 = tpu.memref_slice %arg9[%dma_start3A_258, %dma_start3A_259, %dma_start3A_260, %dma_start3A_261] : memref<2x16x64x16xf32, #tpu.memory_space<vmem>> -> memref<1x1x64x16xf32, #tpu.memory_space<vmem>>
    %dma_start3A_263 = tpu.memref_squeeze %dma_start3A_262 : memref<1x1x64x16xf32, #tpu.memory_space<vmem>> -> memref<64x16xf32, #tpu.memory_space<vmem>>
    %dma_start3A_264 = arith.constant 0 : i32
    %dma_start3A_265 = tpu.memref_slice %arg2[%dma_start3A_264, %multiple_of3A_257] : memref<64x1000000xf32, #tpu.memory_space<hbm>> -> memref<64x16xf32, #tpu.memory_space<hbm>>
    %dma_start3A_266 = arith.constant 0 : i32
    %dma_start3A_267 = arith.constant 0 : i32
    %dma_start3A_268 = tpu.memref_slice %arg9[%dma_start3A_258, %dma_start3A_259, %dma_start3A_266, %dma_start3A_267] : memref<2x16x64x16xf32, #tpu.memory_space<vmem>> -> memref<1x1x64x16xf32, #tpu.memory_space<vmem>>
    %dma_start3A_269 = tpu.memref_squeeze %dma_start3A_268 : memref<1x1x64x16xf32, #tpu.memory_space<vmem>> -> memref<64x16xf32, #tpu.memory_space<vmem>>
    %dma_start3A_270 = arith.constant 0 : i32
    %dma_start3A_271 = tpu.memref_slice %arg2[%dma_start3A_270, %multiple_of3A_257] : memref<64x1000000xf32, #tpu.memory_space<hbm>> -> memref<64x16xf32, #tpu.memory_space<hbm>>
    tpu.enqueue_dma source(%dma_start3A_271 : memref<64x16xf32, #tpu.memory_space<hbm>>) target(%dma_start3A_269 : memref<64x16xf32, #tpu.memory_space<vmem>>) target_semaphore(%arg13 : memref<!tpu.dma_semaphore, #tpu.memory_space<semaphore_mem>>)
    %slice3A_272 = vector.extract_strided_slice %and3A_36 {offsets = [14], sizes = [1], strides = [1]} : vector<16xi32> to vector<1xi32>
    %squeeze3A_273 = vector.extract %slice3A_272[0] : i32 from vector<1xi32>
    %multiple_of3A_274 = tpu.assume_multiple %squeeze3A_273, 16 : i32
    %dma_start3A_275 = arith.constant 0 : i32
    %dma_start3A_276 = arith.constant 14 : i32
    %dma_start3A_277 = arith.constant 0 : i32
    %dma_start3A_278 = arith.constant 0 : i32
    %dma_start3A_279 = tpu.memref_slice %arg9[%dma_start3A_275, %dma_start3A_276, %dma_start3A_277, %dma_start3A_278] : memref<2x16x64x16xf32, #tpu.memory_space<vmem>> -> memref<1x1x64x16xf32, #tpu.memory_space<vmem>>
    %dma_start3A_280 = tpu.memref_squeeze %dma_start3A_279 : memref<1x1x64x16xf32, #tpu.memory_space<vmem>> -> memref<64x16xf32, #tpu.memory_space<vmem>>
    %dma_start3A_281 = arith.constant 0 : i32
    %dma_start3A_282 = tpu.memref_slice %arg2[%dma_start3A_281, %multiple_of3A_274] : memref<64x1000000xf32, #tpu.memory_space<hbm>> -> memref<64x16xf32, #tpu.memory_space<hbm>>
    %dma_start3A_283 = arith.constant 0 : i32
    %dma_start3A_284 = arith.constant 0 : i32
    %dma_start3A_285 = tpu.memref_slice %arg9[%dma_start3A_275, %dma_start3A_276, %dma_start3A_283, %dma_start3A_284] : memref<2x16x64x16xf32, #tpu.memory_space<vmem>> -> memref<1x1x64x16xf32, #tpu.memory_space<vmem>>
    %dma_start3A_286 = tpu.memref_squeeze %dma_start3A_285 : memref<1x1x64x16xf32, #tpu.memory_space<vmem>> -> memref<64x16xf32, #tpu.memory_space<vmem>>
    %dma_start3A_287 = arith.constant 0 : i32
    %dma_start3A_288 = tpu.memref_slice %arg2[%dma_start3A_287, %multiple_of3A_274] : memref<64x1000000xf32, #tpu.memory_space<hbm>> -> memref<64x16xf32, #tpu.memory_space<hbm>>
    tpu.enqueue_dma source(%dma_start3A_288 : memref<64x16xf32, #tpu.memory_space<hbm>>) target(%dma_start3A_286 : memref<64x16xf32, #tpu.memory_space<vmem>>) target_semaphore(%arg13 : memref<!tpu.dma_semaphore, #tpu.memory_space<semaphore_mem>>)
    %slice3A_289 = vector.extract_strided_slice %and3A_36 {offsets = [15], sizes = [1], strides = [1]} : vector<16xi32> to vector<1xi32>
    %squeeze3A_290 = vector.extract %slice3A_289[0] : i32 from vector<1xi32>
    %multiple_of3A_291 = tpu.assume_multiple %squeeze3A_290, 16 : i32
    %dma_start3A_292 = arith.constant 0 : i32
    %dma_start3A_293 = arith.constant 15 : i32
    %dma_start3A_294 = arith.constant 0 : i32
    %dma_start3A_295 = arith.constant 0 : i32
    %dma_start3A_296 = tpu.memref_slice %arg9[%dma_start3A_292, %dma_start3A_293, %dma_start3A_294, %dma_start3A_295] : memref<2x16x64x16xf32, #tpu.memory_space<vmem>> -> memref<1x1x64x16xf32, #tpu.memory_space<vmem>>
    %dma_start3A_297 = tpu.memref_squeeze %dma_start3A_296 : memref<1x1x64x16xf32, #tpu.memory_space<vmem>> -> memref<64x16xf32, #tpu.memory_space<vmem>>
    %dma_start3A_298 = arith.constant 0 : i32
    %dma_start3A_299 = tpu.memref_slice %arg2[%dma_start3A_298, %multiple_of3A_291] : memref<64x1000000xf32, #tpu.memory_space<hbm>> -> memref<64x16xf32, #tpu.memory_space<hbm>>
    %dma_start3A_300 = arith.constant 0 : i32
    %dma_start3A_301 = arith.constant 0 : i32
    %dma_start3A_302 = tpu.memref_slice %arg9[%dma_start3A_292, %dma_start3A_293, %dma_start3A_300, %dma_start3A_301] : memref<2x16x64x16xf32, #tpu.memory_space<vmem>> -> memref<1x1x64x16xf32, #tpu.memory_space<vmem>>
    %dma_start3A_303 = tpu.memref_squeeze %dma_start3A_302 : memref<1x1x64x16xf32, #tpu.memory_space<vmem>> -> memref<64x16xf32, #tpu.memory_space<vmem>>
    %dma_start3A_304 = arith.constant 0 : i32
    %dma_start3A_305 = tpu.memref_slice %arg2[%dma_start3A_304, %multiple_of3A_291] : memref<64x1000000xf32, #tpu.memory_space<hbm>> -> memref<64x16xf32, #tpu.memory_space<hbm>>
    tpu.enqueue_dma source(%dma_start3A_305 : memref<64x16xf32, #tpu.memory_space<hbm>>) target(%dma_start3A_303 : memref<64x16xf32, #tpu.memory_space<vmem>>) target_semaphore(%arg13 : memref<!tpu.dma_semaphore, #tpu.memory_space<semaphore_mem>>)
    %scan3A = arith.constant 0 : i32
    %scan3A_306 = arith.constant 32 : i32
    %scan3A_307 = arith.addi %scan3A, %scan3A_306 : i32
    %scan3A_308 = arith.constant 1 : i32
    scf.for %scan3A_341 = %scan3A to %scan3A_307 step %scan3A_308  : i32 {
      %rem3A = arith.constant 2 : i32
      %rem3A_342 = arith.remsi %scan3A_341, %rem3A : i32
      %add3A_343 = arith.constant 1 : i32
      %add3A_344 = arith.addi %scan3A_341, %add3A_343 : i32
      %rem3A_345 = arith.constant 2 : i32
      %rem3A_346 = arith.remsi %add3A_344, %rem3A_345 : i32
      %add3A_347 = arith.constant 1 : i32
      %add3A_348 = arith.addi %scan3A_341, %add3A_347 : i32
      %lt3A = arith.constant 32 : i32
      %lt3A_349 = arith.cmpi slt, %add3A_348, %lt3A : i32
      %convert_element_type3A = arith.extui %lt3A_349 : i1 to i32
      %cond3A = arith.constant 0 : i32
      %cond3A_350 = arith.cmpi ne, %convert_element_type3A, %cond3A : i32
      scf.if %cond3A_350 {
        %add3A_1475 = arith.constant 1 : i32
        %add3A_1476 = arith.addi %scan3A_341, %add3A_1475 : i32
        %mul3A_1477 = arith.constant 16 : i32
        %mul3A_1478 = arith.muli %add3A_1476, %mul3A_1477 : i32
        %get3A_1479 = arith.index_cast %mul3A_1478 : i32 to index
        %get3A_1480 = tpu.vector_load %arg8[%get3A_1479] {strides = array<i32>} : memref<512xi32, #tpu.memory_space<vmem>>, vector<16xi32>,
        %and3A_1481 = arith.constant -16 : i32
        %and3A_1482 = vector.broadcast %and3A_1481 : i32 to vector<16xi32>
        %and3A_1483 = arith.andi %get3A_1480, %and3A_1482 : vector<16xi32>
        %slice3A_1484 = vector.extract_strided_slice %and3A_1483 {offsets = [0], sizes = [1], strides = [1]} : vector<16xi32> to vector<1xi32>
        %squeeze3A_1485 = vector.extract %slice3A_1484[0] : i32 from vector<1xi32>
        %multiple_of3A_1486 = tpu.assume_multiple %squeeze3A_1485, 16 : i32
        %dma_start3A_1487 = arith.constant 0 : i32
        %dma_start3A_1488 = arith.constant 0 : i32
        %dma_start3A_1489 = arith.constant 0 : i32
        %dma_start3A_1490 = tpu.memref_slice %arg9[%rem3A_346, %dma_start3A_1487, %dma_start3A_1488, %dma_start3A_1489] : memref<2x16x64x16xf32, #tpu.memory_space<vmem>> -> memref<1x1x64x16xf32, #tpu.memory_space<vmem>>
        %dma_start3A_1491 = tpu.memref_squeeze %dma_start3A_1490 : memref<1x1x64x16xf32, #tpu.memory_space<vmem>> -> memref<64x16xf32, #tpu.memory_space<vmem>>
        %dma_start3A_1492 = arith.constant 0 : i32
        %dma_start3A_1493 = tpu.memref_slice %arg2[%dma_start3A_1492, %multiple_of3A_1486] : memref<64x1000000xf32, #tpu.memory_space<hbm>> -> memref<64x16xf32, #tpu.memory_space<hbm>>
        %dma_start3A_1494 = arith.constant 0 : i32
        %dma_start3A_1495 = arith.constant 0 : i32
        %dma_start3A_1496 = tpu.memref_slice %arg9[%rem3A_346, %dma_start3A_1487, %dma_start3A_1494, %dma_start3A_1495] : memref<2x16x64x16xf32, #tpu.memory_space<vmem>> -> memref<1x1x64x16xf32, #tpu.memory_space<vmem>>
        %dma_start3A_1497 = tpu.memref_squeeze %dma_start3A_1496 : memref<1x1x64x16xf32, #tpu.memory_space<vmem>> -> memref<64x16xf32, #tpu.memory_space<vmem>>
        %dma_start3A_1498 = arith.constant 0 : i32
        %dma_start3A_1499 = tpu.memref_slice %arg2[%dma_start3A_1498, %multiple_of3A_1486] : memref<64x1000000xf32, #tpu.memory_space<hbm>> -> memref<64x16xf32, #tpu.memory_space<hbm>>
        tpu.enqueue_dma source(%dma_start3A_1499 : memref<64x16xf32, #tpu.memory_space<hbm>>) target(%dma_start3A_1497 : memref<64x16xf32, #tpu.memory_space<vmem>>) target_semaphore(%arg13 : memref<!tpu.dma_semaphore, #tpu.memory_space<semaphore_mem>>)
        %slice3A_1500 = vector.extract_strided_slice %and3A_1483 {offsets = [1], sizes = [1], strides = [1]} : vector<16xi32> to vector<1xi32>
        %squeeze3A_1501 = vector.extract %slice3A_1500[0] : i32 from vector<1xi32>
        %multiple_of3A_1502 = tpu.assume_multiple %squeeze3A_1501, 16 : i32
        %dma_start3A_1503 = arith.constant 1 : i32
        %dma_start3A_1504 = arith.constant 0 : i32
        %dma_start3A_1505 = arith.constant 0 : i32
        %dma_start3A_1506 = tpu.memref_slice %arg9[%rem3A_346, %dma_start3A_1503, %dma_start3A_1504, %dma_start3A_1505] : memref<2x16x64x16xf32, #tpu.memory_space<vmem>> -> memref<1x1x64x16xf32, #tpu.memory_space<vmem>>
        %dma_start3A_1507 = tpu.memref_squeeze %dma_start3A_1506 : memref<1x1x64x16xf32, #tpu.memory_space<vmem>> -> memref<64x16xf32, #tpu.memory_space<vmem>>
        %dma_start3A_1508 = arith.constant 0 : i32
        %dma_start3A_1509 = tpu.memref_slice %arg2[%dma_start3A_1508, %multiple_of3A_1502] : memref<64x1000000xf32, #tpu.memory_space<hbm>> -> memref<64x16xf32, #tpu.memory_space<hbm>>
        %dma_start3A_1510 = arith.constant 0 : i32
        %dma_start3A_1511 = arith.constant 0 : i32
        %dma_start3A_1512 = tpu.memref_slice %arg9[%rem3A_346, %dma_start3A_1503, %dma_start3A_1510, %dma_start3A_1511] : memref<2x16x64x16xf32, #tpu.memory_space<vmem>> -> memref<1x1x64x16xf32, #tpu.memory_space<vmem>>
        %dma_start3A_1513 = tpu.memref_squeeze %dma_start3A_1512 : memref<1x1x64x16xf32, #tpu.memory_space<vmem>> -> memref<64x16xf32, #tpu.memory_space<vmem>>
        %dma_start3A_1514 = arith.constant 0 : i32
        %dma_start3A_1515 = tpu.memref_slice %arg2[%dma_start3A_1514, %multiple_of3A_1502] : memref<64x1000000xf32, #tpu.memory_space<hbm>> -> memref<64x16xf32, #tpu.memory_space<hbm>>
        tpu.enqueue_dma source(%dma_start3A_1515 : memref<64x16xf32, #tpu.memory_space<hbm>>) target(%dma_start3A_1513 : memref<64x16xf32, #tpu.memory_space<vmem>>) target_semaphore(%arg13 : memref<!tpu.dma_semaphore, #tpu.memory_space<semaphore_mem>>)
        %slice3A_1516 = vector.extract_strided_slice %and3A_1483 {offsets = [2], sizes = [1], strides = [1]} : vector<16xi32> to vector<1xi32>
        %squeeze3A_1517 = vector.extract %slice3A_1516[0] : i32 from vector<1xi32>
        %multiple_of3A_1518 = tpu.assume_multiple %squeeze3A_1517, 16 : i32
        %dma_start3A_1519 = arith.constant 2 : i32
        %dma_start3A_1520 = arith.constant 0 : i32
        %dma_start3A_1521 = arith.constant 0 : i32
        %dma_start3A_1522 = tpu.memref_slice %arg9[%rem3A_346, %dma_start3A_1519, %dma_start3A_1520, %dma_start3A_1521] : memref<2x16x64x16xf32, #tpu.memory_space<vmem>> -> memref<1x1x64x16xf32, #tpu.memory_space<vmem>>
        %dma_start3A_1523 = tpu.memref_squeeze %dma_start3A_1522 : memref<1x1x64x16xf32, #tpu.memory_space<vmem>> -> memref<64x16xf32, #tpu.memory_space<vmem>>
        %dma_start3A_1524 = arith.constant 0 : i32
        %dma_start3A_1525 = tpu.memref_slice %arg2[%dma_start3A_1524, %multiple_of3A_1518] : memref<64x1000000xf32, #tpu.memory_space<hbm>> -> memref<64x16xf32, #tpu.memory_space<hbm>>
        %dma_start3A_1526 = arith.constant 0 : i32
        %dma_start3A_1527 = arith.constant 0 : i32
        %dma_start3A_1528 = tpu.memref_slice %arg9[%rem3A_346, %dma_start3A_1519, %dma_start3A_1526, %dma_start3A_1527] : memref<2x16x64x16xf32, #tpu.memory_space<vmem>> -> memref<1x1x64x16xf32, #tpu.memory_space<vmem>>
        %dma_start3A_1529 = tpu.memref_squeeze %dma_start3A_1528 : memref<1x1x64x16xf32, #tpu.memory_space<vmem>> -> memref<64x16xf32, #tpu.memory_space<vmem>>
        %dma_start3A_1530 = arith.constant 0 : i32
        %dma_start3A_1531 = tpu.memref_slice %arg2[%dma_start3A_1530, %multiple_of3A_1518] : memref<64x1000000xf32, #tpu.memory_space<hbm>> -> memref<64x16xf32, #tpu.memory_space<hbm>>
        tpu.enqueue_dma source(%dma_start3A_1531 : memref<64x16xf32, #tpu.memory_space<hbm>>) target(%dma_start3A_1529 : memref<64x16xf32, #tpu.memory_space<vmem>>) target_semaphore(%arg13 : memref<!tpu.dma_semaphore, #tpu.memory_space<semaphore_mem>>)
        %slice3A_1532 = vector.extract_strided_slice %and3A_1483 {offsets = [3], sizes = [1], strides = [1]} : vector<16xi32> to vector<1xi32>
        %squeeze3A_1533 = vector.extract %slice3A_1532[0] : i32 from vector<1xi32>
        %multiple_of3A_1534 = tpu.assume_multiple %squeeze3A_1533, 16 : i32
        %dma_start3A_1535 = arith.constant 3 : i32
        %dma_start3A_1536 = arith.constant 0 : i32
        %dma_start3A_1537 = arith.constant 0 : i32
        %dma_start3A_1538 = tpu.memref_slice %arg9[%rem3A_346, %dma_start3A_1535, %dma_start3A_1536, %dma_start3A_1537] : memref<2x16x64x16xf32, #tpu.memory_space<vmem>> -> memref<1x1x64x16xf32, #tpu.memory_space<vmem>>
        %dma_start3A_1539 = tpu.memref_squeeze %dma_start3A_1538 : memref<1x1x64x16xf32, #tpu.memory_space<vmem>> -> memref<64x16xf32, #tpu.memory_space<vmem>>
        %dma_start3A_1540 = arith.constant 0 : i32
        %dma_start3A_1541 = tpu.memref_slice %arg2[%dma_start3A_1540, %multiple_of3A_1534] : memref<64x1000000xf32, #tpu.memory_space<hbm>> -> memref<64x16xf32, #tpu.memory_space<hbm>>
        %dma_start3A_1542 = arith.constant 0 : i32
        %dma_start3A_1543 = arith.constant 0 : i32
        %dma_start3A_1544 = tpu.memref_slice %arg9[%rem3A_346, %dma_start3A_1535, %dma_start3A_1542, %dma_start3A_1543] : memref<2x16x64x16xf32, #tpu.memory_space<vmem>> -> memref<1x1x64x16xf32, #tpu.memory_space<vmem>>
        %dma_start3A_1545 = tpu.memref_squeeze %dma_start3A_1544 : memref<1x1x64x16xf32, #tpu.memory_space<vmem>> -> memref<64x16xf32, #tpu.memory_space<vmem>>
        %dma_start3A_1546 = arith.constant 0 : i32
        %dma_start3A_1547 = tpu.memref_slice %arg2[%dma_start3A_1546, %multiple_of3A_1534] : memref<64x1000000xf32, #tpu.memory_space<hbm>> -> memref<64x16xf32, #tpu.memory_space<hbm>>
        tpu.enqueue_dma source(%dma_start3A_1547 : memref<64x16xf32, #tpu.memory_space<hbm>>) target(%dma_start3A_1545 : memref<64x16xf32, #tpu.memory_space<vmem>>) target_semaphore(%arg13 : memref<!tpu.dma_semaphore, #tpu.memory_space<semaphore_mem>>)
        %slice3A_1548 = vector.extract_strided_slice %and3A_1483 {offsets = [4], sizes = [1], strides = [1]} : vector<16xi32> to vector<1xi32>
        %squeeze3A_1549 = vector.extract %slice3A_1548[0] : i32 from vector<1xi32>
        %multiple_of3A_1550 = tpu.assume_multiple %squeeze3A_1549, 16 : i32
        %dma_start3A_1551 = arith.constant 4 : i32
        %dma_start3A_1552 = arith.constant 0 : i32
        %dma_start3A_1553 = arith.constant 0 : i32
        %dma_start3A_1554 = tpu.memref_slice %arg9[%rem3A_346, %dma_start3A_1551, %dma_start3A_1552, %dma_start3A_1553] : memref<2x16x64x16xf32, #tpu.memory_space<vmem>> -> memref<1x1x64x16xf32, #tpu.memory_space<vmem>>
        %dma_start3A_1555 = tpu.memref_squeeze %dma_start3A_1554 : memref<1x1x64x16xf32, #tpu.memory_space<vmem>> -> memref<64x16xf32, #tpu.memory_space<vmem>>
        %dma_start3A_1556 = arith.constant 0 : i32
        %dma_start3A_1557 = tpu.memref_slice %arg2[%dma_start3A_1556, %multiple_of3A_1550] : memref<64x1000000xf32, #tpu.memory_space<hbm>> -> memref<64x16xf32, #tpu.memory_space<hbm>>
        %dma_start3A_1558 = arith.constant 0 : i32
        %dma_start3A_1559 = arith.constant 0 : i32
        %dma_start3A_1560 = tpu.memref_slice %arg9[%rem3A_346, %dma_start3A_1551, %dma_start3A_1558, %dma_start3A_1559] : memref<2x16x64x16xf32, #tpu.memory_space<vmem>> -> memref<1x1x64x16xf32, #tpu.memory_space<vmem>>
        %dma_start3A_1561 = tpu.memref_squeeze %dma_start3A_1560 : memref<1x1x64x16xf32, #tpu.memory_space<vmem>> -> memref<64x16xf32, #tpu.memory_space<vmem>>
        %dma_start3A_1562 = arith.constant 0 : i32
        %dma_start3A_1563 = tpu.memref_slice %arg2[%dma_start3A_1562, %multiple_of3A_1550] : memref<64x1000000xf32, #tpu.memory_space<hbm>> -> memref<64x16xf32, #tpu.memory_space<hbm>>
        tpu.enqueue_dma source(%dma_start3A_1563 : memref<64x16xf32, #tpu.memory_space<hbm>>) target(%dma_start3A_1561 : memref<64x16xf32, #tpu.memory_space<vmem>>) target_semaphore(%arg13 : memref<!tpu.dma_semaphore, #tpu.memory_space<semaphore_mem>>)
        %slice3A_1564 = vector.extract_strided_slice %and3A_1483 {offsets = [5], sizes = [1], strides = [1]} : vector<16xi32> to vector<1xi32>
        %squeeze3A_1565 = vector.extract %slice3A_1564[0] : i32 from vector<1xi32>
        %multiple_of3A_1566 = tpu.assume_multiple %squeeze3A_1565, 16 : i32
        %dma_start3A_1567 = arith.constant 5 : i32
        %dma_start3A_1568 = arith.constant 0 : i32
        %dma_start3A_1569 = arith.constant 0 : i32
        %dma_start3A_1570 = tpu.memref_slice %arg9[%rem3A_346, %dma_start3A_1567, %dma_start3A_1568, %dma_start3A_1569] : memref<2x16x64x16xf32, #tpu.memory_space<vmem>> -> memref<1x1x64x16xf32, #tpu.memory_space<vmem>>
        %dma_start3A_1571 = tpu.memref_squeeze %dma_start3A_1570 : memref<1x1x64x16xf32, #tpu.memory_space<vmem>> -> memref<64x16xf32, #tpu.memory_space<vmem>>
        %dma_start3A_1572 = arith.constant 0 : i32
        %dma_start3A_1573 = tpu.memref_slice %arg2[%dma_start3A_1572, %multiple_of3A_1566] : memref<64x1000000xf32, #tpu.memory_space<hbm>> -> memref<64x16xf32, #tpu.memory_space<hbm>>
        %dma_start3A_1574 = arith.constant 0 : i32
        %dma_start3A_1575 = arith.constant 0 : i32
        %dma_start3A_1576 = tpu.memref_slice %arg9[%rem3A_346, %dma_start3A_1567, %dma_start3A_1574, %dma_start3A_1575] : memref<2x16x64x16xf32, #tpu.memory_space<vmem>> -> memref<1x1x64x16xf32, #tpu.memory_space<vmem>>
        %dma_start3A_1577 = tpu.memref_squeeze %dma_start3A_1576 : memref<1x1x64x16xf32, #tpu.memory_space<vmem>> -> memref<64x16xf32, #tpu.memory_space<vmem>>
        %dma_start3A_1578 = arith.constant 0 : i32
        %dma_start3A_1579 = tpu.memref_slice %arg2[%dma_start3A_1578, %multiple_of3A_1566] : memref<64x1000000xf32, #tpu.memory_space<hbm>> -> memref<64x16xf32, #tpu.memory_space<hbm>>
        tpu.enqueue_dma source(%dma_start3A_1579 : memref<64x16xf32, #tpu.memory_space<hbm>>) target(%dma_start3A_1577 : memref<64x16xf32, #tpu.memory_space<vmem>>) target_semaphore(%arg13 : memref<!tpu.dma_semaphore, #tpu.memory_space<semaphore_mem>>)
        %slice3A_1580 = vector.extract_strided_slice %and3A_1483 {offsets = [6], sizes = [1], strides = [1]} : vector<16xi32> to vector<1xi32>
        %squeeze3A_1581 = vector.extract %slice3A_1580[0] : i32 from vector<1xi32>
        %multiple_of3A_1582 = tpu.assume_multiple %squeeze3A_1581, 16 : i32
        %dma_start3A_1583 = arith.constant 6 : i32
        %dma_start3A_1584 = arith.constant 0 : i32
        %dma_start3A_1585 = arith.constant 0 : i32
        %dma_start3A_1586 = tpu.memref_slice %arg9[%rem3A_346, %dma_start3A_1583, %dma_start3A_1584, %dma_start3A_1585] : memref<2x16x64x16xf32, #tpu.memory_space<vmem>> -> memref<1x1x64x16xf32, #tpu.memory_space<vmem>>
        %dma_start3A_1587 = tpu.memref_squeeze %dma_start3A_1586 : memref<1x1x64x16xf32, #tpu.memory_space<vmem>> -> memref<64x16xf32, #tpu.memory_space<vmem>>
        %dma_start3A_1588 = arith.constant 0 : i32
        %dma_start3A_1589 = tpu.memref_slice %arg2[%dma_start3A_1588, %multiple_of3A_1582] : memref<64x1000000xf32, #tpu.memory_space<hbm>> -> memref<64x16xf32, #tpu.memory_space<hbm>>
        %dma_start3A_1590 = arith.constant 0 : i32
        %dma_start3A_1591 = arith.constant 0 : i32
        %dma_start3A_1592 = tpu.memref_slice %arg9[%rem3A_346, %dma_start3A_1583, %dma_start3A_1590, %dma_start3A_1591] : memref<2x16x64x16xf32, #tpu.memory_space<vmem>> -> memref<1x1x64x16xf32, #tpu.memory_space<vmem>>
        %dma_start3A_1593 = tpu.memref_squeeze %dma_start3A_1592 : memref<1x1x64x16xf32, #tpu.memory_space<vmem>> -> memref<64x16xf32, #tpu.memory_space<vmem>>
        %dma_start3A_1594 = arith.constant 0 : i32
        %dma_start3A_1595 = tpu.memref_slice %arg2[%dma_start3A_1594, %multiple_of3A_1582] : memref<64x1000000xf32, #tpu.memory_space<hbm>> -> memref<64x16xf32, #tpu.memory_space<hbm>>
        tpu.enqueue_dma source(%dma_start3A_1595 : memref<64x16xf32, #tpu.memory_space<hbm>>) target(%dma_start3A_1593 : memref<64x16xf32, #tpu.memory_space<vmem>>) target_semaphore(%arg13 : memref<!tpu.dma_semaphore, #tpu.memory_space<semaphore_mem>>)
        %slice3A_1596 = vector.extract_strided_slice %and3A_1483 {offsets = [7], sizes = [1], strides = [1]} : vector<16xi32> to vector<1xi32>
        %squeeze3A_1597 = vector.extract %slice3A_1596[0] : i32 from vector<1xi32>
        %multiple_of3A_1598 = tpu.assume_multiple %squeeze3A_1597, 16 : i32
        %dma_start3A_1599 = arith.constant 7 : i32
        %dma_start3A_1600 = arith.constant 0 : i32
        %dma_start3A_1601 = arith.constant 0 : i32
        %dma_start3A_1602 = tpu.memref_slice %arg9[%rem3A_346, %dma_start3A_1599, %dma_start3A_1600, %dma_start3A_1601] : memref<2x16x64x16xf32, #tpu.memory_space<vmem>> -> memref<1x1x64x16xf32, #tpu.memory_space<vmem>>
        %dma_start3A_1603 = tpu.memref_squeeze %dma_start3A_1602 : memref<1x1x64x16xf32, #tpu.memory_space<vmem>> -> memref<64x16xf32, #tpu.memory_space<vmem>>
        %dma_start3A_1604 = arith.constant 0 : i32
        %dma_start3A_1605 = tpu.memref_slice %arg2[%dma_start3A_1604, %multiple_of3A_1598] : memref<64x1000000xf32, #tpu.memory_space<hbm>> -> memref<64x16xf32, #tpu.memory_space<hbm>>
        %dma_start3A_1606 = arith.constant 0 : i32
        %dma_start3A_1607 = arith.constant 0 : i32
        %dma_start3A_1608 = tpu.memref_slice %arg9[%rem3A_346, %dma_start3A_1599, %dma_start3A_1606, %dma_start3A_1607] : memref<2x16x64x16xf32, #tpu.memory_space<vmem>> -> memref<1x1x64x16xf32, #tpu.memory_space<vmem>>
        %dma_start3A_1609 = tpu.memref_squeeze %dma_start3A_1608 : memref<1x1x64x16xf32, #tpu.memory_space<vmem>> -> memref<64x16xf32, #tpu.memory_space<vmem>>
        %dma_start3A_1610 = arith.constant 0 : i32
        %dma_start3A_1611 = tpu.memref_slice %arg2[%dma_start3A_1610, %multiple_of3A_1598] : memref<64x1000000xf32, #tpu.memory_space<hbm>> -> memref<64x16xf32, #tpu.memory_space<hbm>>
        tpu.enqueue_dma source(%dma_start3A_1611 : memref<64x16xf32, #tpu.memory_space<hbm>>) target(%dma_start3A_1609 : memref<64x16xf32, #tpu.memory_space<vmem>>) target_semaphore(%arg13 : memref<!tpu.dma_semaphore, #tpu.memory_space<semaphore_mem>>)
        %slice3A_1612 = vector.extract_strided_slice %and3A_1483 {offsets = [8], sizes = [1], strides = [1]} : vector<16xi32> to vector<1xi32>
        %squeeze3A_1613 = vector.extract %slice3A_1612[0] : i32 from vector<1xi32>
        %multiple_of3A_1614 = tpu.assume_multiple %squeeze3A_1613, 16 : i32
        %dma_start3A_1615 = arith.constant 8 : i32
        %dma_start3A_1616 = arith.constant 0 : i32
        %dma_start3A_1617 = arith.constant 0 : i32
        %dma_start3A_1618 = tpu.memref_slice %arg9[%rem3A_346, %dma_start3A_1615, %dma_start3A_1616, %dma_start3A_1617] : memref<2x16x64x16xf32, #tpu.memory_space<vmem>> -> memref<1x1x64x16xf32, #tpu.memory_space<vmem>>
        %dma_start3A_1619 = tpu.memref_squeeze %dma_start3A_1618 : memref<1x1x64x16xf32, #tpu.memory_space<vmem>> -> memref<64x16xf32, #tpu.memory_space<vmem>>
        %dma_start3A_1620 = arith.constant 0 : i32
        %dma_start3A_1621 = tpu.memref_slice %arg2[%dma_start3A_1620, %multiple_of3A_1614] : memref<64x1000000xf32, #tpu.memory_space<hbm>> -> memref<64x16xf32, #tpu.memory_space<hbm>>
        %dma_start3A_1622 = arith.constant 0 : i32
        %dma_start3A_1623 = arith.constant 0 : i32
        %dma_start3A_1624 = tpu.memref_slice %arg9[%rem3A_346, %dma_start3A_1615, %dma_start3A_1622, %dma_start3A_1623] : memref<2x16x64x16xf32, #tpu.memory_space<vmem>> -> memref<1x1x64x16xf32, #tpu.memory_space<vmem>>
        %dma_start3A_1625 = tpu.memref_squeeze %dma_start3A_1624 : memref<1x1x64x16xf32, #tpu.memory_space<vmem>> -> memref<64x16xf32, #tpu.memory_space<vmem>>
        %dma_start3A_1626 = arith.constant 0 : i32
        %dma_start3A_1627 = tpu.memref_slice %arg2[%dma_start3A_1626, %multiple_of3A_1614] : memref<64x1000000xf32, #tpu.memory_space<hbm>> -> memref<64x16xf32, #tpu.memory_space<hbm>>
        tpu.enqueue_dma source(%dma_start3A_1627 : memref<64x16xf32, #tpu.memory_space<hbm>>) target(%dma_start3A_1625 : memref<64x16xf32, #tpu.memory_space<vmem>>) target_semaphore(%arg13 : memref<!tpu.dma_semaphore, #tpu.memory_space<semaphore_mem>>)
        %slice3A_1628 = vector.extract_strided_slice %and3A_1483 {offsets = [9], sizes = [1], strides = [1]} : vector<16xi32> to vector<1xi32>
        %squeeze3A_1629 = vector.extract %slice3A_1628[0] : i32 from vector<1xi32>
        %multiple_of3A_1630 = tpu.assume_multiple %squeeze3A_1629, 16 : i32
        %dma_start3A_1631 = arith.constant 9 : i32
        %dma_start3A_1632 = arith.constant 0 : i32
        %dma_start3A_1633 = arith.constant 0 : i32
        %dma_start3A_1634 = tpu.memref_slice %arg9[%rem3A_346, %dma_start3A_1631, %dma_start3A_1632, %dma_start3A_1633] : memref<2x16x64x16xf32, #tpu.memory_space<vmem>> -> memref<1x1x64x16xf32, #tpu.memory_space<vmem>>
        %dma_start3A_1635 = tpu.memref_squeeze %dma_start3A_1634 : memref<1x1x64x16xf32, #tpu.memory_space<vmem>> -> memref<64x16xf32, #tpu.memory_space<vmem>>
        %dma_start3A_1636 = arith.constant 0 : i32
        %dma_start3A_1637 = tpu.memref_slice %arg2[%dma_start3A_1636, %multiple_of3A_1630] : memref<64x1000000xf32, #tpu.memory_space<hbm>> -> memref<64x16xf32, #tpu.memory_space<hbm>>
        %dma_start3A_1638 = arith.constant 0 : i32
        %dma_start3A_1639 = arith.constant 0 : i32
        %dma_start3A_1640 = tpu.memref_slice %arg9[%rem3A_346, %dma_start3A_1631, %dma_start3A_1638, %dma_start3A_1639] : memref<2x16x64x16xf32, #tpu.memory_space<vmem>> -> memref<1x1x64x16xf32, #tpu.memory_space<vmem>>
        %dma_start3A_1641 = tpu.memref_squeeze %dma_start3A_1640 : memref<1x1x64x16xf32, #tpu.memory_space<vmem>> -> memref<64x16xf32, #tpu.memory_space<vmem>>
        %dma_start3A_1642 = arith.constant 0 : i32
        %dma_start3A_1643 = tpu.memref_slice %arg2[%dma_start3A_1642, %multiple_of3A_1630] : memref<64x1000000xf32, #tpu.memory_space<hbm>> -> memref<64x16xf32, #tpu.memory_space<hbm>>
        tpu.enqueue_dma source(%dma_start3A_1643 : memref<64x16xf32, #tpu.memory_space<hbm>>) target(%dma_start3A_1641 : memref<64x16xf32, #tpu.memory_space<vmem>>) target_semaphore(%arg13 : memref<!tpu.dma_semaphore, #tpu.memory_space<semaphore_mem>>)
        %slice3A_1644 = vector.extract_strided_slice %and3A_1483 {offsets = [10], sizes = [1], strides = [1]} : vector<16xi32> to vector<1xi32>
        %squeeze3A_1645 = vector.extract %slice3A_1644[0] : i32 from vector<1xi32>
        %multiple_of3A_1646 = tpu.assume_multiple %squeeze3A_1645, 16 : i32
        %dma_start3A_1647 = arith.constant 10 : i32
        %dma_start3A_1648 = arith.constant 0 : i32
        %dma_start3A_1649 = arith.constant 0 : i32
        %dma_start3A_1650 = tpu.memref_slice %arg9[%rem3A_346, %dma_start3A_1647, %dma_start3A_1648, %dma_start3A_1649] : memref<2x16x64x16xf32, #tpu.memory_space<vmem>> -> memref<1x1x64x16xf32, #tpu.memory_space<vmem>>
        %dma_start3A_1651 = tpu.memref_squeeze %dma_start3A_1650 : memref<1x1x64x16xf32, #tpu.memory_space<vmem>> -> memref<64x16xf32, #tpu.memory_space<vmem>>
        %dma_start3A_1652 = arith.constant 0 : i32
        %dma_start3A_1653 = tpu.memref_slice %arg2[%dma_start3A_1652, %multiple_of3A_1646] : memref<64x1000000xf32, #tpu.memory_space<hbm>> -> memref<64x16xf32, #tpu.memory_space<hbm>>
        %dma_start3A_1654 = arith.constant 0 : i32
        %dma_start3A_1655 = arith.constant 0 : i32
        %dma_start3A_1656 = tpu.memref_slice %arg9[%rem3A_346, %dma_start3A_1647, %dma_start3A_1654, %dma_start3A_1655] : memref<2x16x64x16xf32, #tpu.memory_space<vmem>> -> memref<1x1x64x16xf32, #tpu.memory_space<vmem>>
        %dma_start3A_1657 = tpu.memref_squeeze %dma_start3A_1656 : memref<1x1x64x16xf32, #tpu.memory_space<vmem>> -> memref<64x16xf32, #tpu.memory_space<vmem>>
        %dma_start3A_1658 = arith.constant 0 : i32
        %dma_start3A_1659 = tpu.memref_slice %arg2[%dma_start3A_1658, %multiple_of3A_1646] : memref<64x1000000xf32, #tpu.memory_space<hbm>> -> memref<64x16xf32, #tpu.memory_space<hbm>>
        tpu.enqueue_dma source(%dma_start3A_1659 : memref<64x16xf32, #tpu.memory_space<hbm>>) target(%dma_start3A_1657 : memref<64x16xf32, #tpu.memory_space<vmem>>) target_semaphore(%arg13 : memref<!tpu.dma_semaphore, #tpu.memory_space<semaphore_mem>>)
        %slice3A_1660 = vector.extract_strided_slice %and3A_1483 {offsets = [11], sizes = [1], strides = [1]} : vector<16xi32> to vector<1xi32>
        %squeeze3A_1661 = vector.extract %slice3A_1660[0] : i32 from vector<1xi32>
        %multiple_of3A_1662 = tpu.assume_multiple %squeeze3A_1661, 16 : i32
        %dma_start3A_1663 = arith.constant 11 : i32
        %dma_start3A_1664 = arith.constant 0 : i32
        %dma_start3A_1665 = arith.constant 0 : i32
        %dma_start3A_1666 = tpu.memref_slice %arg9[%rem3A_346, %dma_start3A_1663, %dma_start3A_1664, %dma_start3A_1665] : memref<2x16x64x16xf32, #tpu.memory_space<vmem>> -> memref<1x1x64x16xf32, #tpu.memory_space<vmem>>
        %dma_start3A_1667 = tpu.memref_squeeze %dma_start3A_1666 : memref<1x1x64x16xf32, #tpu.memory_space<vmem>> -> memref<64x16xf32, #tpu.memory_space<vmem>>
        %dma_start3A_1668 = arith.constant 0 : i32
        %dma_start3A_1669 = tpu.memref_slice %arg2[%dma_start3A_1668, %multiple_of3A_1662] : memref<64x1000000xf32, #tpu.memory_space<hbm>> -> memref<64x16xf32, #tpu.memory_space<hbm>>
        %dma_start3A_1670 = arith.constant 0 : i32
        %dma_start3A_1671 = arith.constant 0 : i32
        %dma_start3A_1672 = tpu.memref_slice %arg9[%rem3A_346, %dma_start3A_1663, %dma_start3A_1670, %dma_start3A_1671] : memref<2x16x64x16xf32, #tpu.memory_space<vmem>> -> memref<1x1x64x16xf32, #tpu.memory_space<vmem>>
        %dma_start3A_1673 = tpu.memref_squeeze %dma_start3A_1672 : memref<1x1x64x16xf32, #tpu.memory_space<vmem>> -> memref<64x16xf32, #tpu.memory_space<vmem>>
        %dma_start3A_1674 = arith.constant 0 : i32
        %dma_start3A_1675 = tpu.memref_slice %arg2[%dma_start3A_1674, %multiple_of3A_1662] : memref<64x1000000xf32, #tpu.memory_space<hbm>> -> memref<64x16xf32, #tpu.memory_space<hbm>>
        tpu.enqueue_dma source(%dma_start3A_1675 : memref<64x16xf32, #tpu.memory_space<hbm>>) target(%dma_start3A_1673 : memref<64x16xf32, #tpu.memory_space<vmem>>) target_semaphore(%arg13 : memref<!tpu.dma_semaphore, #tpu.memory_space<semaphore_mem>>)
        %slice3A_1676 = vector.extract_strided_slice %and3A_1483 {offsets = [12], sizes = [1], strides = [1]} : vector<16xi32> to vector<1xi32>
        %squeeze3A_1677 = vector.extract %slice3A_1676[0] : i32 from vector<1xi32>
        %multiple_of3A_1678 = tpu.assume_multiple %squeeze3A_1677, 16 : i32
        %dma_start3A_1679 = arith.constant 12 : i32
        %dma_start3A_1680 = arith.constant 0 : i32
        %dma_start3A_1681 = arith.constant 0 : i32
        %dma_start3A_1682 = tpu.memref_slice %arg9[%rem3A_346, %dma_start3A_1679, %dma_start3A_1680, %dma_start3A_1681] : memref<2x16x64x16xf32, #tpu.memory_space<vmem>> -> memref<1x1x64x16xf32, #tpu.memory_space<vmem>>
        %dma_start3A_1683 = tpu.memref_squeeze %dma_start3A_1682 : memref<1x1x64x16xf32, #tpu.memory_space<vmem>> -> memref<64x16xf32, #tpu.memory_space<vmem>>
        %dma_start3A_1684 = arith.constant 0 : i32
        %dma_start3A_1685 = tpu.memref_slice %arg2[%dma_start3A_1684, %multiple_of3A_1678] : memref<64x1000000xf32, #tpu.memory_space<hbm>> -> memref<64x16xf32, #tpu.memory_space<hbm>>
        %dma_start3A_1686 = arith.constant 0 : i32
        %dma_start3A_1687 = arith.constant 0 : i32
        %dma_start3A_1688 = tpu.memref_slice %arg9[%rem3A_346, %dma_start3A_1679, %dma_start3A_1686, %dma_start3A_1687] : memref<2x16x64x16xf32, #tpu.memory_space<vmem>> -> memref<1x1x64x16xf32, #tpu.memory_space<vmem>>
        %dma_start3A_1689 = tpu.memref_squeeze %dma_start3A_1688 : memref<1x1x64x16xf32, #tpu.memory_space<vmem>> -> memref<64x16xf32, #tpu.memory_space<vmem>>
        %dma_start3A_1690 = arith.constant 0 : i32
        %dma_start3A_1691 = tpu.memref_slice %arg2[%dma_start3A_1690, %multiple_of3A_1678] : memref<64x1000000xf32, #tpu.memory_space<hbm>> -> memref<64x16xf32, #tpu.memory_space<hbm>>
        tpu.enqueue_dma source(%dma_start3A_1691 : memref<64x16xf32, #tpu.memory_space<hbm>>) target(%dma_start3A_1689 : memref<64x16xf32, #tpu.memory_space<vmem>>) target_semaphore(%arg13 : memref<!tpu.dma_semaphore, #tpu.memory_space<semaphore_mem>>)
        %slice3A_1692 = vector.extract_strided_slice %and3A_1483 {offsets = [13], sizes = [1], strides = [1]} : vector<16xi32> to vector<1xi32>
        %squeeze3A_1693 = vector.extract %slice3A_1692[0] : i32 from vector<1xi32>
        %multiple_of3A_1694 = tpu.assume_multiple %squeeze3A_1693, 16 : i32
        %dma_start3A_1695 = arith.constant 13 : i32
        %dma_start3A_1696 = arith.constant 0 : i32
        %dma_start3A_1697 = arith.constant 0 : i32
        %dma_start3A_1698 = tpu.memref_slice %arg9[%rem3A_346, %dma_start3A_1695, %dma_start3A_1696, %dma_start3A_1697] : memref<2x16x64x16xf32, #tpu.memory_space<vmem>> -> memref<1x1x64x16xf32, #tpu.memory_space<vmem>>
        %dma_start3A_1699 = tpu.memref_squeeze %dma_start3A_1698 : memref<1x1x64x16xf32, #tpu.memory_space<vmem>> -> memref<64x16xf32, #tpu.memory_space<vmem>>
        %dma_start3A_1700 = arith.constant 0 : i32
        %dma_start3A_1701 = tpu.memref_slice %arg2[%dma_start3A_1700, %multiple_of3A_1694] : memref<64x1000000xf32, #tpu.memory_space<hbm>> -> memref<64x16xf32, #tpu.memory_space<hbm>>
        %dma_start3A_1702 = arith.constant 0 : i32
        %dma_start3A_1703 = arith.constant 0 : i32
        %dma_start3A_1704 = tpu.memref_slice %arg9[%rem3A_346, %dma_start3A_1695, %dma_start3A_1702, %dma_start3A_1703] : memref<2x16x64x16xf32, #tpu.memory_space<vmem>> -> memref<1x1x64x16xf32, #tpu.memory_space<vmem>>
        %dma_start3A_1705 = tpu.memref_squeeze %dma_start3A_1704 : memref<1x1x64x16xf32, #tpu.memory_space<vmem>> -> memref<64x16xf32, #tpu.memory_space<vmem>>
        %dma_start3A_1706 = arith.constant 0 : i32
        %dma_start3A_1707 = tpu.memref_slice %arg2[%dma_start3A_1706, %multiple_of3A_1694] : memref<64x1000000xf32, #tpu.memory_space<hbm>> -> memref<64x16xf32, #tpu.memory_space<hbm>>
        tpu.enqueue_dma source(%dma_start3A_1707 : memref<64x16xf32, #tpu.memory_space<hbm>>) target(%dma_start3A_1705 : memref<64x16xf32, #tpu.memory_space<vmem>>) target_semaphore(%arg13 : memref<!tpu.dma_semaphore, #tpu.memory_space<semaphore_mem>>)
        %slice3A_1708 = vector.extract_strided_slice %and3A_1483 {offsets = [14], sizes = [1], strides = [1]} : vector<16xi32> to vector<1xi32>
        %squeeze3A_1709 = vector.extract %slice3A_1708[0] : i32 from vector<1xi32>
        %multiple_of3A_1710 = tpu.assume_multiple %squeeze3A_1709, 16 : i32
        %dma_start3A_1711 = arith.constant 14 : i32
        %dma_start3A_1712 = arith.constant 0 : i32
        %dma_start3A_1713 = arith.constant 0 : i32
        %dma_start3A_1714 = tpu.memref_slice %arg9[%rem3A_346, %dma_start3A_1711, %dma_start3A_1712, %dma_start3A_1713] : memref<2x16x64x16xf32, #tpu.memory_space<vmem>> -> memref<1x1x64x16xf32, #tpu.memory_space<vmem>>
        %dma_start3A_1715 = tpu.memref_squeeze %dma_start3A_1714 : memref<1x1x64x16xf32, #tpu.memory_space<vmem>> -> memref<64x16xf32, #tpu.memory_space<vmem>>
        %dma_start3A_1716 = arith.constant 0 : i32
        %dma_start3A_1717 = tpu.memref_slice %arg2[%dma_start3A_1716, %multiple_of3A_1710] : memref<64x1000000xf32, #tpu.memory_space<hbm>> -> memref<64x16xf32, #tpu.memory_space<hbm>>
        %dma_start3A_1718 = arith.constant 0 : i32
        %dma_start3A_1719 = arith.constant 0 : i32
        %dma_start3A_1720 = tpu.memref_slice %arg9[%rem3A_346, %dma_start3A_1711, %dma_start3A_1718, %dma_start3A_1719] : memref<2x16x64x16xf32, #tpu.memory_space<vmem>> -> memref<1x1x64x16xf32, #tpu.memory_space<vmem>>
        %dma_start3A_1721 = tpu.memref_squeeze %dma_start3A_1720 : memref<1x1x64x16xf32, #tpu.memory_space<vmem>> -> memref<64x16xf32, #tpu.memory_space<vmem>>
        %dma_start3A_1722 = arith.constant 0 : i32
        %dma_start3A_1723 = tpu.memref_slice %arg2[%dma_start3A_1722, %multiple_of3A_1710] : memref<64x1000000xf32, #tpu.memory_space<hbm>> -> memref<64x16xf32, #tpu.memory_space<hbm>>
        tpu.enqueue_dma source(%dma_start3A_1723 : memref<64x16xf32, #tpu.memory_space<hbm>>) target(%dma_start3A_1721 : memref<64x16xf32, #tpu.memory_space<vmem>>) target_semaphore(%arg13 : memref<!tpu.dma_semaphore, #tpu.memory_space<semaphore_mem>>)
        %slice3A_1724 = vector.extract_strided_slice %and3A_1483 {offsets = [15], sizes = [1], strides = [1]} : vector<16xi32> to vector<1xi32>
        %squeeze3A_1725 = vector.extract %slice3A_1724[0] : i32 from vector<1xi32>
        %multiple_of3A_1726 = tpu.assume_multiple %squeeze3A_1725, 16 : i32
        %dma_start3A_1727 = arith.constant 15 : i32
        %dma_start3A_1728 = arith.constant 0 : i32
        %dma_start3A_1729 = arith.constant 0 : i32
        %dma_start3A_1730 = tpu.memref_slice %arg9[%rem3A_346, %dma_start3A_1727, %dma_start3A_1728, %dma_start3A_1729] : memref<2x16x64x16xf32, #tpu.memory_space<vmem>> -> memref<1x1x64x16xf32, #tpu.memory_space<vmem>>
        %dma_start3A_1731 = tpu.memref_squeeze %dma_start3A_1730 : memref<1x1x64x16xf32, #tpu.memory_space<vmem>> -> memref<64x16xf32, #tpu.memory_space<vmem>>
        %dma_start3A_1732 = arith.constant 0 : i32
        %dma_start3A_1733 = tpu.memref_slice %arg2[%dma_start3A_1732, %multiple_of3A_1726] : memref<64x1000000xf32, #tpu.memory_space<hbm>> -> memref<64x16xf32, #tpu.memory_space<hbm>>
        %dma_start3A_1734 = arith.constant 0 : i32
        %dma_start3A_1735 = arith.constant 0 : i32
        %dma_start3A_1736 = tpu.memref_slice %arg9[%rem3A_346, %dma_start3A_1727, %dma_start3A_1734, %dma_start3A_1735] : memref<2x16x64x16xf32, #tpu.memory_space<vmem>> -> memref<1x1x64x16xf32, #tpu.memory_space<vmem>>
        %dma_start3A_1737 = tpu.memref_squeeze %dma_start3A_1736 : memref<1x1x64x16xf32, #tpu.memory_space<vmem>> -> memref<64x16xf32, #tpu.memory_space<vmem>>
        %dma_start3A_1738 = arith.constant 0 : i32
        %dma_start3A_1739 = tpu.memref_slice %arg2[%dma_start3A_1738, %multiple_of3A_1726] : memref<64x1000000xf32, #tpu.memory_space<hbm>> -> memref<64x16xf32, #tpu.memory_space<hbm>>
        tpu.enqueue_dma source(%dma_start3A_1739 : memref<64x16xf32, #tpu.memory_space<hbm>>) target(%dma_start3A_1737 : memref<64x16xf32, #tpu.memory_space<vmem>>) target_semaphore(%arg13 : memref<!tpu.dma_semaphore, #tpu.memory_space<semaphore_mem>>)
      } else {
      }
      %mul3A_351 = arith.constant 16 : i32
      %mul3A_352 = arith.muli %scan3A_341, %mul3A_351 : i32
      %get3A_353 = arith.index_cast %mul3A_352 : i32 to index
      %get3A_354 = tpu.vector_load %arg8[%get3A_353] {strides = array<i32>} : memref<512xi32, #tpu.memory_space<vmem>>, vector<16xi32>,
      %and3A_355 = arith.constant 15 : i32
      %and3A_356 = vector.broadcast %and3A_355 : i32 to vector<16xi32>
      %and3A_357 = arith.andi %get3A_354, %and3A_356 : vector<16xi32>
      %dma_wait3A_358 = arith.constant 0 : i32
      %dma_wait3A_359 = arith.constant 0 : i32
      %dma_wait3A_360 = arith.constant 0 : i32
      %dma_wait3A_361 = tpu.memref_slice %arg9[%rem3A_342, %dma_wait3A_358, %dma_wait3A_359, %dma_wait3A_360] : memref<2x16x64x16xf32, #tpu.memory_space<vmem>> -> memref<1x1x64x16xf32, #tpu.memory_space<vmem>>
      %dma_wait3A_362 = tpu.memref_squeeze %dma_wait3A_361 : memref<1x1x64x16xf32, #tpu.memory_space<vmem>> -> memref<64x16xf32, #tpu.memory_space<vmem>>
      %dma_wait3A_363 = arith.constant 0 : i32
      %dma_wait3A_364 = arith.constant 0 : i32
      %dma_wait3A_365 = tpu.memref_slice %arg2[%dma_wait3A_363, %dma_wait3A_364] : memref<64x1000000xf32, #tpu.memory_space<hbm>> -> memref<64x16xf32, #tpu.memory_space<hbm>>
      %dma_wait3A_366 = arith.constant 0 : i32
      %dma_wait3A_367 = arith.constant 0 : i32
      %dma_wait3A_368 = tpu.memref_slice %arg9[%rem3A_342, %dma_wait3A_358, %dma_wait3A_366, %dma_wait3A_367] : memref<2x16x64x16xf32, #tpu.memory_space<vmem>> -> memref<1x1x64x16xf32, #tpu.memory_space<vmem>>
      %dma_wait3A_369 = tpu.memref_squeeze %dma_wait3A_368 : memref<1x1x64x16xf32, #tpu.memory_space<vmem>> -> memref<64x16xf32, #tpu.memory_space<vmem>>
      %dma_wait3A_370 = arith.constant 0 : i32
      %dma_wait3A_371 = arith.constant 0 : i32
      %dma_wait3A_372 = tpu.memref_slice %arg2[%dma_wait3A_370, %dma_wait3A_371] : memref<64x1000000xf32, #tpu.memory_space<hbm>> -> memref<64x16xf32, #tpu.memory_space<hbm>>
      tpu.wait_dma2 semaphore(%arg13 : memref<!tpu.dma_semaphore, #tpu.memory_space<semaphore_mem>>) src(%dma_wait3A_372 : memref<64x16xf32, #tpu.memory_space<hbm>>) dst(%dma_wait3A_369 : memref<64x16xf32, #tpu.memory_space<vmem>>)
      %dma_wait3A_373 = arith.constant 1 : i32
      %dma_wait3A_374 = arith.constant 0 : i32
      %dma_wait3A_375 = arith.constant 0 : i32
      %dma_wait3A_376 = tpu.memref_slice %arg9[%rem3A_342, %dma_wait3A_373, %dma_wait3A_374, %dma_wait3A_375] : memref<2x16x64x16xf32, #tpu.memory_space<vmem>> -> memref<1x1x64x16xf32, #tpu.memory_space<vmem>>
      %dma_wait3A_377 = tpu.memref_squeeze %dma_wait3A_376 : memref<1x1x64x16xf32, #tpu.memory_space<vmem>> -> memref<64x16xf32, #tpu.memory_space<vmem>>
      %dma_wait3A_378 = arith.constant 0 : i32
      %dma_wait3A_379 = arith.constant 0 : i32
      %dma_wait3A_380 = tpu.memref_slice %arg2[%dma_wait3A_378, %dma_wait3A_379] : memref<64x1000000xf32, #tpu.memory_space<hbm>> -> memref<64x16xf32, #tpu.memory_space<hbm>>
      %dma_wait3A_381 = arith.constant 0 : i32
      %dma_wait3A_382 = arith.constant 0 : i32
      %dma_wait3A_383 = tpu.memref_slice %arg9[%rem3A_342, %dma_wait3A_373, %dma_wait3A_381, %dma_wait3A_382] : memref<2x16x64x16xf32, #tpu.memory_space<vmem>> -> memref<1x1x64x16xf32, #tpu.memory_space<vmem>>
      %dma_wait3A_384 = tpu.memref_squeeze %dma_wait3A_383 : memref<1x1x64x16xf32, #tpu.memory_space<vmem>> -> memref<64x16xf32, #tpu.memory_space<vmem>>
      %dma_wait3A_385 = arith.constant 0 : i32
      %dma_wait3A_386 = arith.constant 0 : i32
      %dma_wait3A_387 = tpu.memref_slice %arg2[%dma_wait3A_385, %dma_wait3A_386] : memref<64x1000000xf32, #tpu.memory_space<hbm>> -> memref<64x16xf32, #tpu.memory_space<hbm>>
      tpu.wait_dma2 semaphore(%arg13 : memref<!tpu.dma_semaphore, #tpu.memory_space<semaphore_mem>>) src(%dma_wait3A_387 : memref<64x16xf32, #tpu.memory_space<hbm>>) dst(%dma_wait3A_384 : memref<64x16xf32, #tpu.memory_space<vmem>>)
      %dma_wait3A_388 = arith.constant 2 : i32
      %dma_wait3A_389 = arith.constant 0 : i32
      %dma_wait3A_390 = arith.constant 0 : i32
      %dma_wait3A_391 = tpu.memref_slice %arg9[%rem3A_342, %dma_wait3A_388, %dma_wait3A_389, %dma_wait3A_390] : memref<2x16x64x16xf32, #tpu.memory_space<vmem>> -> memref<1x1x64x16xf32, #tpu.memory_space<vmem>>
      %dma_wait3A_392 = tpu.memref_squeeze %dma_wait3A_391 : memref<1x1x64x16xf32, #tpu.memory_space<vmem>> -> memref<64x16xf32, #tpu.memory_space<vmem>>
      %dma_wait3A_393 = arith.constant 0 : i32
      %dma_wait3A_394 = arith.constant 0 : i32
      %dma_wait3A_395 = tpu.memref_slice %arg2[%dma_wait3A_393, %dma_wait3A_394] : memref<64x1000000xf32, #tpu.memory_space<hbm>> -> memref<64x16xf32, #tpu.memory_space<hbm>>
      %dma_wait3A_396 = arith.constant 0 : i32
      %dma_wait3A_397 = arith.constant 0 : i32
      %dma_wait3A_398 = tpu.memref_slice %arg9[%rem3A_342, %dma_wait3A_388, %dma_wait3A_396, %dma_wait3A_397] : memref<2x16x64x16xf32, #tpu.memory_space<vmem>> -> memref<1x1x64x16xf32, #tpu.memory_space<vmem>>
      %dma_wait3A_399 = tpu.memref_squeeze %dma_wait3A_398 : memref<1x1x64x16xf32, #tpu.memory_space<vmem>> -> memref<64x16xf32, #tpu.memory_space<vmem>>
      %dma_wait3A_400 = arith.constant 0 : i32
      %dma_wait3A_401 = arith.constant 0 : i32
      %dma_wait3A_402 = tpu.memref_slice %arg2[%dma_wait3A_400, %dma_wait3A_401] : memref<64x1000000xf32, #tpu.memory_space<hbm>> -> memref<64x16xf32, #tpu.memory_space<hbm>>
      tpu.wait_dma2 semaphore(%arg13 : memref<!tpu.dma_semaphore, #tpu.memory_space<semaphore_mem>>) src(%dma_wait3A_402 : memref<64x16xf32, #tpu.memory_space<hbm>>) dst(%dma_wait3A_399 : memref<64x16xf32, #tpu.memory_space<vmem>>)
      %dma_wait3A_403 = arith.constant 3 : i32
      %dma_wait3A_404 = arith.constant 0 : i32
      %dma_wait3A_405 = arith.constant 0 : i32
      %dma_wait3A_406 = tpu.memref_slice %arg9[%rem3A_342, %dma_wait3A_403, %dma_wait3A_404, %dma_wait3A_405] : memref<2x16x64x16xf32, #tpu.memory_space<vmem>> -> memref<1x1x64x16xf32, #tpu.memory_space<vmem>>
      %dma_wait3A_407 = tpu.memref_squeeze %dma_wait3A_406 : memref<1x1x64x16xf32, #tpu.memory_space<vmem>> -> memref<64x16xf32, #tpu.memory_space<vmem>>
      %dma_wait3A_408 = arith.constant 0 : i32
      %dma_wait3A_409 = arith.constant 0 : i32
      %dma_wait3A_410 = tpu.memref_slice %arg2[%dma_wait3A_408, %dma_wait3A_409] : memref<64x1000000xf32, #tpu.memory_space<hbm>> -> memref<64x16xf32, #tpu.memory_space<hbm>>
      %dma_wait3A_411 = arith.constant 0 : i32
      %dma_wait3A_412 = arith.constant 0 : i32
      %dma_wait3A_413 = tpu.memref_slice %arg9[%rem3A_342, %dma_wait3A_403, %dma_wait3A_411, %dma_wait3A_412] : memref<2x16x64x16xf32, #tpu.memory_space<vmem>> -> memref<1x1x64x16xf32, #tpu.memory_space<vmem>>
      %dma_wait3A_414 = tpu.memref_squeeze %dma_wait3A_413 : memref<1x1x64x16xf32, #tpu.memory_space<vmem>> -> memref<64x16xf32, #tpu.memory_space<vmem>>
      %dma_wait3A_415 = arith.constant 0 : i32
      %dma_wait3A_416 = arith.constant 0 : i32
      %dma_wait3A_417 = tpu.memref_slice %arg2[%dma_wait3A_415, %dma_wait3A_416] : memref<64x1000000xf32, #tpu.memory_space<hbm>> -> memref<64x16xf32, #tpu.memory_space<hbm>>
      tpu.wait_dma2 semaphore(%arg13 : memref<!tpu.dma_semaphore, #tpu.memory_space<semaphore_mem>>) src(%dma_wait3A_417 : memref<64x16xf32, #tpu.memory_space<hbm>>) dst(%dma_wait3A_414 : memref<64x16xf32, #tpu.memory_space<vmem>>)
      %dma_wait3A_418 = arith.constant 4 : i32
      %dma_wait3A_419 = arith.constant 0 : i32
      %dma_wait3A_420 = arith.constant 0 : i32
      %dma_wait3A_421 = tpu.memref_slice %arg9[%rem3A_342, %dma_wait3A_418, %dma_wait3A_419, %dma_wait3A_420] : memref<2x16x64x16xf32, #tpu.memory_space<vmem>> -> memref<1x1x64x16xf32, #tpu.memory_space<vmem>>
      %dma_wait3A_422 = tpu.memref_squeeze %dma_wait3A_421 : memref<1x1x64x16xf32, #tpu.memory_space<vmem>> -> memref<64x16xf32, #tpu.memory_space<vmem>>
      %dma_wait3A_423 = arith.constant 0 : i32
      %dma_wait3A_424 = arith.constant 0 : i32
      %dma_wait3A_425 = tpu.memref_slice %arg2[%dma_wait3A_423, %dma_wait3A_424] : memref<64x1000000xf32, #tpu.memory_space<hbm>> -> memref<64x16xf32, #tpu.memory_space<hbm>>
      %dma_wait3A_426 = arith.constant 0 : i32
      %dma_wait3A_427 = arith.constant 0 : i32
      %dma_wait3A_428 = tpu.memref_slice %arg9[%rem3A_342, %dma_wait3A_418, %dma_wait3A_426, %dma_wait3A_427] : memref<2x16x64x16xf32, #tpu.memory_space<vmem>> -> memref<1x1x64x16xf32, #tpu.memory_space<vmem>>
      %dma_wait3A_429 = tpu.memref_squeeze %dma_wait3A_428 : memref<1x1x64x16xf32, #tpu.memory_space<vmem>> -> memref<64x16xf32, #tpu.memory_space<vmem>>
      %dma_wait3A_430 = arith.constant 0 : i32
      %dma_wait3A_431 = arith.constant 0 : i32
      %dma_wait3A_432 = tpu.memref_slice %arg2[%dma_wait3A_430, %dma_wait3A_431] : memref<64x1000000xf32, #tpu.memory_space<hbm>> -> memref<64x16xf32, #tpu.memory_space<hbm>>
      tpu.wait_dma2 semaphore(%arg13 : memref<!tpu.dma_semaphore, #tpu.memory_space<semaphore_mem>>) src(%dma_wait3A_432 : memref<64x16xf32, #tpu.memory_space<hbm>>) dst(%dma_wait3A_429 : memref<64x16xf32, #tpu.memory_space<vmem>>)
      %dma_wait3A_433 = arith.constant 5 : i32
      %dma_wait3A_434 = arith.constant 0 : i32
      %dma_wait3A_435 = arith.constant 0 : i32
      %dma_wait3A_436 = tpu.memref_slice %arg9[%rem3A_342, %dma_wait3A_433, %dma_wait3A_434, %dma_wait3A_435] : memref<2x16x64x16xf32, #tpu.memory_space<vmem>> -> memref<1x1x64x16xf32, #tpu.memory_space<vmem>>
      %dma_wait3A_437 = tpu.memref_squeeze %dma_wait3A_436 : memref<1x1x64x16xf32, #tpu.memory_space<vmem>> -> memref<64x16xf32, #tpu.memory_space<vmem>>
      %dma_wait3A_438 = arith.constant 0 : i32
      %dma_wait3A_439 = arith.constant 0 : i32
      %dma_wait3A_440 = tpu.memref_slice %arg2[%dma_wait3A_438, %dma_wait3A_439] : memref<64x1000000xf32, #tpu.memory_space<hbm>> -> memref<64x16xf32, #tpu.memory_space<hbm>>
      %dma_wait3A_441 = arith.constant 0 : i32
      %dma_wait3A_442 = arith.constant 0 : i32
      %dma_wait3A_443 = tpu.memref_slice %arg9[%rem3A_342, %dma_wait3A_433, %dma_wait3A_441, %dma_wait3A_442] : memref<2x16x64x16xf32, #tpu.memory_space<vmem>> -> memref<1x1x64x16xf32, #tpu.memory_space<vmem>>
      %dma_wait3A_444 = tpu.memref_squeeze %dma_wait3A_443 : memref<1x1x64x16xf32, #tpu.memory_space<vmem>> -> memref<64x16xf32, #tpu.memory_space<vmem>>
      %dma_wait3A_445 = arith.constant 0 : i32
      %dma_wait3A_446 = arith.constant 0 : i32
      %dma_wait3A_447 = tpu.memref_slice %arg2[%dma_wait3A_445, %dma_wait3A_446] : memref<64x1000000xf32, #tpu.memory_space<hbm>> -> memref<64x16xf32, #tpu.memory_space<hbm>>
      tpu.wait_dma2 semaphore(%arg13 : memref<!tpu.dma_semaphore, #tpu.memory_space<semaphore_mem>>) src(%dma_wait3A_447 : memref<64x16xf32, #tpu.memory_space<hbm>>) dst(%dma_wait3A_444 : memref<64x16xf32, #tpu.memory_space<vmem>>)
      %dma_wait3A_448 = arith.constant 6 : i32
      %dma_wait3A_449 = arith.constant 0 : i32
      %dma_wait3A_450 = arith.constant 0 : i32
      %dma_wait3A_451 = tpu.memref_slice %arg9[%rem3A_342, %dma_wait3A_448, %dma_wait3A_449, %dma_wait3A_450] : memref<2x16x64x16xf32, #tpu.memory_space<vmem>> -> memref<1x1x64x16xf32, #tpu.memory_space<vmem>>
      %dma_wait3A_452 = tpu.memref_squeeze %dma_wait3A_451 : memref<1x1x64x16xf32, #tpu.memory_space<vmem>> -> memref<64x16xf32, #tpu.memory_space<vmem>>
      %dma_wait3A_453 = arith.constant 0 : i32
      %dma_wait3A_454 = arith.constant 0 : i32
      %dma_wait3A_455 = tpu.memref_slice %arg2[%dma_wait3A_453, %dma_wait3A_454] : memref<64x1000000xf32, #tpu.memory_space<hbm>> -> memref<64x16xf32, #tpu.memory_space<hbm>>
      %dma_wait3A_456 = arith.constant 0 : i32
      %dma_wait3A_457 = arith.constant 0 : i32
      %dma_wait3A_458 = tpu.memref_slice %arg9[%rem3A_342, %dma_wait3A_448, %dma_wait3A_456, %dma_wait3A_457] : memref<2x16x64x16xf32, #tpu.memory_space<vmem>> -> memref<1x1x64x16xf32, #tpu.memory_space<vmem>>
      %dma_wait3A_459 = tpu.memref_squeeze %dma_wait3A_458 : memref<1x1x64x16xf32, #tpu.memory_space<vmem>> -> memref<64x16xf32, #tpu.memory_space<vmem>>
      %dma_wait3A_460 = arith.constant 0 : i32
      %dma_wait3A_461 = arith.constant 0 : i32
      %dma_wait3A_462 = tpu.memref_slice %arg2[%dma_wait3A_460, %dma_wait3A_461] : memref<64x1000000xf32, #tpu.memory_space<hbm>> -> memref<64x16xf32, #tpu.memory_space<hbm>>
      tpu.wait_dma2 semaphore(%arg13 : memref<!tpu.dma_semaphore, #tpu.memory_space<semaphore_mem>>) src(%dma_wait3A_462 : memref<64x16xf32, #tpu.memory_space<hbm>>) dst(%dma_wait3A_459 : memref<64x16xf32, #tpu.memory_space<vmem>>)
      %dma_wait3A_463 = arith.constant 7 : i32
      %dma_wait3A_464 = arith.constant 0 : i32
      %dma_wait3A_465 = arith.constant 0 : i32
      %dma_wait3A_466 = tpu.memref_slice %arg9[%rem3A_342, %dma_wait3A_463, %dma_wait3A_464, %dma_wait3A_465] : memref<2x16x64x16xf32, #tpu.memory_space<vmem>> -> memref<1x1x64x16xf32, #tpu.memory_space<vmem>>
      %dma_wait3A_467 = tpu.memref_squeeze %dma_wait3A_466 : memref<1x1x64x16xf32, #tpu.memory_space<vmem>> -> memref<64x16xf32, #tpu.memory_space<vmem>>
      %dma_wait3A_468 = arith.constant 0 : i32
      %dma_wait3A_469 = arith.constant 0 : i32
      %dma_wait3A_470 = tpu.memref_slice %arg2[%dma_wait3A_468, %dma_wait3A_469] : memref<64x1000000xf32, #tpu.memory_space<hbm>> -> memref<64x16xf32, #tpu.memory_space<hbm>>
      %dma_wait3A_471 = arith.constant 0 : i32
      %dma_wait3A_472 = arith.constant 0 : i32
      %dma_wait3A_473 = tpu.memref_slice %arg9[%rem3A_342, %dma_wait3A_463, %dma_wait3A_471, %dma_wait3A_472] : memref<2x16x64x16xf32, #tpu.memory_space<vmem>> -> memref<1x1x64x16xf32, #tpu.memory_space<vmem>>
      %dma_wait3A_474 = tpu.memref_squeeze %dma_wait3A_473 : memref<1x1x64x16xf32, #tpu.memory_space<vmem>> -> memref<64x16xf32, #tpu.memory_space<vmem>>
      %dma_wait3A_475 = arith.constant 0 : i32
      %dma_wait3A_476 = arith.constant 0 : i32
      %dma_wait3A_477 = tpu.memref_slice %arg2[%dma_wait3A_475, %dma_wait3A_476] : memref<64x1000000xf32, #tpu.memory_space<hbm>> -> memref<64x16xf32, #tpu.memory_space<hbm>>
      tpu.wait_dma2 semaphore(%arg13 : memref<!tpu.dma_semaphore, #tpu.memory_space<semaphore_mem>>) src(%dma_wait3A_477 : memref<64x16xf32, #tpu.memory_space<hbm>>) dst(%dma_wait3A_474 : memref<64x16xf32, #tpu.memory_space<vmem>>)
      %dma_wait3A_478 = arith.constant 8 : i32
      %dma_wait3A_479 = arith.constant 0 : i32
      %dma_wait3A_480 = arith.constant 0 : i32
      %dma_wait3A_481 = tpu.memref_slice %arg9[%rem3A_342, %dma_wait3A_478, %dma_wait3A_479, %dma_wait3A_480] : memref<2x16x64x16xf32, #tpu.memory_space<vmem>> -> memref<1x1x64x16xf32, #tpu.memory_space<vmem>>
      %dma_wait3A_482 = tpu.memref_squeeze %dma_wait3A_481 : memref<1x1x64x16xf32, #tpu.memory_space<vmem>> -> memref<64x16xf32, #tpu.memory_space<vmem>>
      %dma_wait3A_483 = arith.constant 0 : i32
      %dma_wait3A_484 = arith.constant 0 : i32
      %dma_wait3A_485 = tpu.memref_slice %arg2[%dma_wait3A_483, %dma_wait3A_484] : memref<64x1000000xf32, #tpu.memory_space<hbm>> -> memref<64x16xf32, #tpu.memory_space<hbm>>
      %dma_wait3A_486 = arith.constant 0 : i32
      %dma_wait3A_487 = arith.constant 0 : i32
      %dma_wait3A_488 = tpu.memref_slice %arg9[%rem3A_342, %dma_wait3A_478, %dma_wait3A_486, %dma_wait3A_487] : memref<2x16x64x16xf32, #tpu.memory_space<vmem>> -> memref<1x1x64x16xf32, #tpu.memory_space<vmem>>
      %dma_wait3A_489 = tpu.memref_squeeze %dma_wait3A_488 : memref<1x1x64x16xf32, #tpu.memory_space<vmem>> -> memref<64x16xf32, #tpu.memory_space<vmem>>
      %dma_wait3A_490 = arith.constant 0 : i32
      %dma_wait3A_491 = arith.constant 0 : i32
      %dma_wait3A_492 = tpu.memref_slice %arg2[%dma_wait3A_490, %dma_wait3A_491] : memref<64x1000000xf32, #tpu.memory_space<hbm>> -> memref<64x16xf32, #tpu.memory_space<hbm>>
      tpu.wait_dma2 semaphore(%arg13 : memref<!tpu.dma_semaphore, #tpu.memory_space<semaphore_mem>>) src(%dma_wait3A_492 : memref<64x16xf32, #tpu.memory_space<hbm>>) dst(%dma_wait3A_489 : memref<64x16xf32, #tpu.memory_space<vmem>>)
      %dma_wait3A_493 = arith.constant 9 : i32
      %dma_wait3A_494 = arith.constant 0 : i32
      %dma_wait3A_495 = arith.constant 0 : i32
      %dma_wait3A_496 = tpu.memref_slice %arg9[%rem3A_342, %dma_wait3A_493, %dma_wait3A_494, %dma_wait3A_495] : memref<2x16x64x16xf32, #tpu.memory_space<vmem>> -> memref<1x1x64x16xf32, #tpu.memory_space<vmem>>
      %dma_wait3A_497 = tpu.memref_squeeze %dma_wait3A_496 : memref<1x1x64x16xf32, #tpu.memory_space<vmem>> -> memref<64x16xf32, #tpu.memory_space<vmem>>
      %dma_wait3A_498 = arith.constant 0 : i32
      %dma_wait3A_499 = arith.constant 0 : i32
      %dma_wait3A_500 = tpu.memref_slice %arg2[%dma_wait3A_498, %dma_wait3A_499] : memref<64x1000000xf32, #tpu.memory_space<hbm>> -> memref<64x16xf32, #tpu.memory_space<hbm>>
      %dma_wait3A_501 = arith.constant 0 : i32
      %dma_wait3A_502 = arith.constant 0 : i32
      %dma_wait3A_503 = tpu.memref_slice %arg9[%rem3A_342, %dma_wait3A_493, %dma_wait3A_501, %dma_wait3A_502] : memref<2x16x64x16xf32, #tpu.memory_space<vmem>> -> memref<1x1x64x16xf32, #tpu.memory_space<vmem>>
      %dma_wait3A_504 = tpu.memref_squeeze %dma_wait3A_503 : memref<1x1x64x16xf32, #tpu.memory_space<vmem>> -> memref<64x16xf32, #tpu.memory_space<vmem>>
      %dma_wait3A_505 = arith.constant 0 : i32
      %dma_wait3A_506 = arith.constant 0 : i32
      %dma_wait3A_507 = tpu.memref_slice %arg2[%dma_wait3A_505, %dma_wait3A_506] : memref<64x1000000xf32, #tpu.memory_space<hbm>> -> memref<64x16xf32, #tpu.memory_space<hbm>>
      tpu.wait_dma2 semaphore(%arg13 : memref<!tpu.dma_semaphore, #tpu.memory_space<semaphore_mem>>) src(%dma_wait3A_507 : memref<64x16xf32, #tpu.memory_space<hbm>>) dst(%dma_wait3A_504 : memref<64x16xf32, #tpu.memory_space<vmem>>)
      %dma_wait3A_508 = arith.constant 10 : i32
      %dma_wait3A_509 = arith.constant 0 : i32
      %dma_wait3A_510 = arith.constant 0 : i32
      %dma_wait3A_511 = tpu.memref_slice %arg9[%rem3A_342, %dma_wait3A_508, %dma_wait3A_509, %dma_wait3A_510] : memref<2x16x64x16xf32, #tpu.memory_space<vmem>> -> memref<1x1x64x16xf32, #tpu.memory_space<vmem>>
      %dma_wait3A_512 = tpu.memref_squeeze %dma_wait3A_511 : memref<1x1x64x16xf32, #tpu.memory_space<vmem>> -> memref<64x16xf32, #tpu.memory_space<vmem>>
      %dma_wait3A_513 = arith.constant 0 : i32
      %dma_wait3A_514 = arith.constant 0 : i32
      %dma_wait3A_515 = tpu.memref_slice %arg2[%dma_wait3A_513, %dma_wait3A_514] : memref<64x1000000xf32, #tpu.memory_space<hbm>> -> memref<64x16xf32, #tpu.memory_space<hbm>>
      %dma_wait3A_516 = arith.constant 0 : i32
      %dma_wait3A_517 = arith.constant 0 : i32
      %dma_wait3A_518 = tpu.memref_slice %arg9[%rem3A_342, %dma_wait3A_508, %dma_wait3A_516, %dma_wait3A_517] : memref<2x16x64x16xf32, #tpu.memory_space<vmem>> -> memref<1x1x64x16xf32, #tpu.memory_space<vmem>>
      %dma_wait3A_519 = tpu.memref_squeeze %dma_wait3A_518 : memref<1x1x64x16xf32, #tpu.memory_space<vmem>> -> memref<64x16xf32, #tpu.memory_space<vmem>>
      %dma_wait3A_520 = arith.constant 0 : i32
      %dma_wait3A_521 = arith.constant 0 : i32
      %dma_wait3A_522 = tpu.memref_slice %arg2[%dma_wait3A_520, %dma_wait3A_521] : memref<64x1000000xf32, #tpu.memory_space<hbm>> -> memref<64x16xf32, #tpu.memory_space<hbm>>
      tpu.wait_dma2 semaphore(%arg13 : memref<!tpu.dma_semaphore, #tpu.memory_space<semaphore_mem>>) src(%dma_wait3A_522 : memref<64x16xf32, #tpu.memory_space<hbm>>) dst(%dma_wait3A_519 : memref<64x16xf32, #tpu.memory_space<vmem>>)
      %dma_wait3A_523 = arith.constant 11 : i32
      %dma_wait3A_524 = arith.constant 0 : i32
      %dma_wait3A_525 = arith.constant 0 : i32
      %dma_wait3A_526 = tpu.memref_slice %arg9[%rem3A_342, %dma_wait3A_523, %dma_wait3A_524, %dma_wait3A_525] : memref<2x16x64x16xf32, #tpu.memory_space<vmem>> -> memref<1x1x64x16xf32, #tpu.memory_space<vmem>>
      %dma_wait3A_527 = tpu.memref_squeeze %dma_wait3A_526 : memref<1x1x64x16xf32, #tpu.memory_space<vmem>> -> memref<64x16xf32, #tpu.memory_space<vmem>>
      %dma_wait3A_528 = arith.constant 0 : i32
      %dma_wait3A_529 = arith.constant 0 : i32
      %dma_wait3A_530 = tpu.memref_slice %arg2[%dma_wait3A_528, %dma_wait3A_529] : memref<64x1000000xf32, #tpu.memory_space<hbm>> -> memref<64x16xf32, #tpu.memory_space<hbm>>
      %dma_wait3A_531 = arith.constant 0 : i32
      %dma_wait3A_532 = arith.constant 0 : i32
      %dma_wait3A_533 = tpu.memref_slice %arg9[%rem3A_342, %dma_wait3A_523, %dma_wait3A_531, %dma_wait3A_532] : memref<2x16x64x16xf32, #tpu.memory_space<vmem>> -> memref<1x1x64x16xf32, #tpu.memory_space<vmem>>
      %dma_wait3A_534 = tpu.memref_squeeze %dma_wait3A_533 : memref<1x1x64x16xf32, #tpu.memory_space<vmem>> -> memref<64x16xf32, #tpu.memory_space<vmem>>
      %dma_wait3A_535 = arith.constant 0 : i32
      %dma_wait3A_536 = arith.constant 0 : i32
      %dma_wait3A_537 = tpu.memref_slice %arg2[%dma_wait3A_535, %dma_wait3A_536] : memref<64x1000000xf32, #tpu.memory_space<hbm>> -> memref<64x16xf32, #tpu.memory_space<hbm>>
      tpu.wait_dma2 semaphore(%arg13 : memref<!tpu.dma_semaphore, #tpu.memory_space<semaphore_mem>>) src(%dma_wait3A_537 : memref<64x16xf32, #tpu.memory_space<hbm>>) dst(%dma_wait3A_534 : memref<64x16xf32, #tpu.memory_space<vmem>>)
      %dma_wait3A_538 = arith.constant 12 : i32
      %dma_wait3A_539 = arith.constant 0 : i32
      %dma_wait3A_540 = arith.constant 0 : i32
      %dma_wait3A_541 = tpu.memref_slice %arg9[%rem3A_342, %dma_wait3A_538, %dma_wait3A_539, %dma_wait3A_540] : memref<2x16x64x16xf32, #tpu.memory_space<vmem>> -> memref<1x1x64x16xf32, #tpu.memory_space<vmem>>
      %dma_wait3A_542 = tpu.memref_squeeze %dma_wait3A_541 : memref<1x1x64x16xf32, #tpu.memory_space<vmem>> -> memref<64x16xf32, #tpu.memory_space<vmem>>
      %dma_wait3A_543 = arith.constant 0 : i32
      %dma_wait3A_544 = arith.constant 0 : i32
      %dma_wait3A_545 = tpu.memref_slice %arg2[%dma_wait3A_543, %dma_wait3A_544] : memref<64x1000000xf32, #tpu.memory_space<hbm>> -> memref<64x16xf32, #tpu.memory_space<hbm>>
      %dma_wait3A_546 = arith.constant 0 : i32
      %dma_wait3A_547 = arith.constant 0 : i32
      %dma_wait3A_548 = tpu.memref_slice %arg9[%rem3A_342, %dma_wait3A_538, %dma_wait3A_546, %dma_wait3A_547] : memref<2x16x64x16xf32, #tpu.memory_space<vmem>> -> memref<1x1x64x16xf32, #tpu.memory_space<vmem>>
      %dma_wait3A_549 = tpu.memref_squeeze %dma_wait3A_548 : memref<1x1x64x16xf32, #tpu.memory_space<vmem>> -> memref<64x16xf32, #tpu.memory_space<vmem>>
      %dma_wait3A_550 = arith.constant 0 : i32
      %dma_wait3A_551 = arith.constant 0 : i32
      %dma_wait3A_552 = tpu.memref_slice %arg2[%dma_wait3A_550, %dma_wait3A_551] : memref<64x1000000xf32, #tpu.memory_space<hbm>> -> memref<64x16xf32, #tpu.memory_space<hbm>>
      tpu.wait_dma2 semaphore(%arg13 : memref<!tpu.dma_semaphore, #tpu.memory_space<semaphore_mem>>) src(%dma_wait3A_552 : memref<64x16xf32, #tpu.memory_space<hbm>>) dst(%dma_wait3A_549 : memref<64x16xf32, #tpu.memory_space<vmem>>)
      %dma_wait3A_553 = arith.constant 13 : i32
      %dma_wait3A_554 = arith.constant 0 : i32
      %dma_wait3A_555 = arith.constant 0 : i32
      %dma_wait3A_556 = tpu.memref_slice %arg9[%rem3A_342, %dma_wait3A_553, %dma_wait3A_554, %dma_wait3A_555] : memref<2x16x64x16xf32, #tpu.memory_space<vmem>> -> memref<1x1x64x16xf32, #tpu.memory_space<vmem>>
      %dma_wait3A_557 = tpu.memref_squeeze %dma_wait3A_556 : memref<1x1x64x16xf32, #tpu.memory_space<vmem>> -> memref<64x16xf32, #tpu.memory_space<vmem>>
      %dma_wait3A_558 = arith.constant 0 : i32
      %dma_wait3A_559 = arith.constant 0 : i32
      %dma_wait3A_560 = tpu.memref_slice %arg2[%dma_wait3A_558, %dma_wait3A_559] : memref<64x1000000xf32, #tpu.memory_space<hbm>> -> memref<64x16xf32, #tpu.memory_space<hbm>>
      %dma_wait3A_561 = arith.constant 0 : i32
      %dma_wait3A_562 = arith.constant 0 : i32
      %dma_wait3A_563 = tpu.memref_slice %arg9[%rem3A_342, %dma_wait3A_553, %dma_wait3A_561, %dma_wait3A_562] : memref<2x16x64x16xf32, #tpu.memory_space<vmem>> -> memref<1x1x64x16xf32, #tpu.memory_space<vmem>>
      %dma_wait3A_564 = tpu.memref_squeeze %dma_wait3A_563 : memref<1x1x64x16xf32, #tpu.memory_space<vmem>> -> memref<64x16xf32, #tpu.memory_space<vmem>>
      %dma_wait3A_565 = arith.constant 0 : i32
      %dma_wait3A_566 = arith.constant 0 : i32
      %dma_wait3A_567 = tpu.memref_slice %arg2[%dma_wait3A_565, %dma_wait3A_566] : memref<64x1000000xf32, #tpu.memory_space<hbm>> -> memref<64x16xf32, #tpu.memory_space<hbm>>
      tpu.wait_dma2 semaphore(%arg13 : memref<!tpu.dma_semaphore, #tpu.memory_space<semaphore_mem>>) src(%dma_wait3A_567 : memref<64x16xf32, #tpu.memory_space<hbm>>) dst(%dma_wait3A_564 : memref<64x16xf32, #tpu.memory_space<vmem>>)
      %dma_wait3A_568 = arith.constant 14 : i32
      %dma_wait3A_569 = arith.constant 0 : i32
      %dma_wait3A_570 = arith.constant 0 : i32
      %dma_wait3A_571 = tpu.memref_slice %arg9[%rem3A_342, %dma_wait3A_568, %dma_wait3A_569, %dma_wait3A_570] : memref<2x16x64x16xf32, #tpu.memory_space<vmem>> -> memref<1x1x64x16xf32, #tpu.memory_space<vmem>>
      %dma_wait3A_572 = tpu.memref_squeeze %dma_wait3A_571 : memref<1x1x64x16xf32, #tpu.memory_space<vmem>> -> memref<64x16xf32, #tpu.memory_space<vmem>>
      %dma_wait3A_573 = arith.constant 0 : i32
      %dma_wait3A_574 = arith.constant 0 : i32
      %dma_wait3A_575 = tpu.memref_slice %arg2[%dma_wait3A_573, %dma_wait3A_574] : memref<64x1000000xf32, #tpu.memory_space<hbm>> -> memref<64x16xf32, #tpu.memory_space<hbm>>
      %dma_wait3A_576 = arith.constant 0 : i32
      %dma_wait3A_577 = arith.constant 0 : i32
      %dma_wait3A_578 = tpu.memref_slice %arg9[%rem3A_342, %dma_wait3A_568, %dma_wait3A_576, %dma_wait3A_577] : memref<2x16x64x16xf32, #tpu.memory_space<vmem>> -> memref<1x1x64x16xf32, #tpu.memory_space<vmem>>
      %dma_wait3A_579 = tpu.memref_squeeze %dma_wait3A_578 : memref<1x1x64x16xf32, #tpu.memory_space<vmem>> -> memref<64x16xf32, #tpu.memory_space<vmem>>
      %dma_wait3A_580 = arith.constant 0 : i32
      %dma_wait3A_581 = arith.constant 0 : i32
      %dma_wait3A_582 = tpu.memref_slice %arg2[%dma_wait3A_580, %dma_wait3A_581] : memref<64x1000000xf32, #tpu.memory_space<hbm>> -> memref<64x16xf32, #tpu.memory_space<hbm>>
      tpu.wait_dma2 semaphore(%arg13 : memref<!tpu.dma_semaphore, #tpu.memory_space<semaphore_mem>>) src(%dma_wait3A_582 : memref<64x16xf32, #tpu.memory_space<hbm>>) dst(%dma_wait3A_579 : memref<64x16xf32, #tpu.memory_space<vmem>>)
      %dma_wait3A_583 = arith.constant 15 : i32
      %dma_wait3A_584 = arith.constant 0 : i32
      %dma_wait3A_585 = arith.constant 0 : i32
      %dma_wait3A_586 = tpu.memref_slice %arg9[%rem3A_342, %dma_wait3A_583, %dma_wait3A_584, %dma_wait3A_585] : memref<2x16x64x16xf32, #tpu.memory_space<vmem>> -> memref<1x1x64x16xf32, #tpu.memory_space<vmem>>
      %dma_wait3A_587 = tpu.memref_squeeze %dma_wait3A_586 : memref<1x1x64x16xf32, #tpu.memory_space<vmem>> -> memref<64x16xf32, #tpu.memory_space<vmem>>
      %dma_wait3A_588 = arith.constant 0 : i32
      %dma_wait3A_589 = arith.constant 0 : i32
      %dma_wait3A_590 = tpu.memref_slice %arg2[%dma_wait3A_588, %dma_wait3A_589] : memref<64x1000000xf32, #tpu.memory_space<hbm>> -> memref<64x16xf32, #tpu.memory_space<hbm>>
      %dma_wait3A_591 = arith.constant 0 : i32
      %dma_wait3A_592 = arith.constant 0 : i32
      %dma_wait3A_593 = tpu.memref_slice %arg9[%rem3A_342, %dma_wait3A_583, %dma_wait3A_591, %dma_wait3A_592] : memref<2x16x64x16xf32, #tpu.memory_space<vmem>> -> memref<1x1x64x16xf32, #tpu.memory_space<vmem>>
      %dma_wait3A_594 = tpu.memref_squeeze %dma_wait3A_593 : memref<1x1x64x16xf32, #tpu.memory_space<vmem>> -> memref<64x16xf32, #tpu.memory_space<vmem>>
      %dma_wait3A_595 = arith.constant 0 : i32
      %dma_wait3A_596 = arith.constant 0 : i32
      %dma_wait3A_597 = tpu.memref_slice %arg2[%dma_wait3A_595, %dma_wait3A_596] : memref<64x1000000xf32, #tpu.memory_space<hbm>> -> memref<64x16xf32, #tpu.memory_space<hbm>>
      tpu.wait_dma2 semaphore(%arg13 : memref<!tpu.dma_semaphore, #tpu.memory_space<semaphore_mem>>) src(%dma_wait3A_597 : memref<64x16xf32, #tpu.memory_space<hbm>>) dst(%dma_wait3A_594 : memref<64x16xf32, #tpu.memory_space<vmem>>)
      %slice3A_598 = vector.extract_strided_slice %and3A_357 {offsets = [0], sizes = [1], strides = [1]} : vector<16xi32> to vector<1xi32>
      %squeeze3A_599 = vector.extract %slice3A_598[0] : i32 from vector<1xi32>
      %broadcast_in_dim3A = vector.broadcast %squeeze3A_599 : i32 to vector<16xi32>
      %mul3A_600 = arith.constant 16 : i32
      %mul3A_601 = arith.muli %scan3A_341, %mul3A_600 : i32
      %add3A_602 = arith.constant 0 : i32
      %add3A_603 = arith.addi %mul3A_601, %add3A_602 : i32
      %add3A_604 = arith.constant 0 : i32
      %add3A_605 = vector.broadcast %add3A_604 : i32 to vector<16xi32>
      %add3A_606 = arith.addi %add3A_605, %iota3A : vector<16xi32>
      %gather3A = arith.constant 0 : i32
      %gather3A_607 = arith.constant 0 : i32
      %gather3A_608 = arith.constant 0 : i32
      %gather3A_609 = tpu.memref_slice %arg9[%rem3A_342, %gather3A, %gather3A_607, %gather3A_608] : memref<2x16x64x16xf32, #tpu.memory_space<vmem>> -> memref<1x1x64x16xf32, #tpu.memory_space<vmem>>
      %gather3A_610 = tpu.memref_squeeze %gather3A_609 : memref<1x1x64x16xf32, #tpu.memory_space<vmem>> -> memref<64x16xf32, #tpu.memory_space<vmem>>
      %gather3A_611 = tpu.vector_load_idx %gather3A_610[%add3A_606, %broadcast_in_dim3A] : memref<64x16xf32, #tpu.memory_space<vmem>>[vector<16xi32>, vector<16xi32>], vector<16xf32>,
      %swap3A = arith.index_cast %add3A_603 : i32 to index
      %swap3A_612 = arith.constant 0 : index
      %swap3A_613 = tpu.vector_load %arg10[%swap3A, %swap3A_612] {strides = array<i32>} : memref<512x64xf32, #tpu.memory_space<vmem>>, vector<16xf32>,
      tpu.vector_store %arg10[%swap3A, %swap3A_612], %gather3A_611 {strides = array<i32>} : memref<512x64xf32, #tpu.memory_space<vmem>>, vector<16xf32>,
      %add3A_614 = arith.constant 16 : i32
      %add3A_615 = vector.broadcast %add3A_614 : i32 to vector<16xi32>
      %add3A_616 = arith.addi %add3A_615, %iota3A : vector<16xi32>
      %gather3A_617 = arith.constant 0 : i32
      %gather3A_618 = arith.constant 0 : i32
      %gather3A_619 = arith.constant 0 : i32
      %gather3A_620 = tpu.memref_slice %arg9[%rem3A_342, %gather3A_617, %gather3A_618, %gather3A_619] : memref<2x16x64x16xf32, #tpu.memory_space<vmem>> -> memref<1x1x64x16xf32, #tpu.memory_space<vmem>>
      %gather3A_621 = tpu.memref_squeeze %gather3A_620 : memref<1x1x64x16xf32, #tpu.memory_space<vmem>> -> memref<64x16xf32, #tpu.memory_space<vmem>>
      %gather3A_622 = tpu.vector_load_idx %gather3A_621[%add3A_616, %broadcast_in_dim3A] : memref<64x16xf32, #tpu.memory_space<vmem>>[vector<16xi32>, vector<16xi32>], vector<16xf32>,
      %swap3A_623 = arith.index_cast %add3A_603 : i32 to index
      %swap3A_624 = arith.constant 16 : index
      %swap3A_625 = tpu.vector_load %arg10[%swap3A_623, %swap3A_624] {strides = array<i32>} : memref<512x64xf32, #tpu.memory_space<vmem>>, vector<16xf32>,
      tpu.vector_store %arg10[%swap3A_623, %swap3A_624], %gather3A_622 {strides = array<i32>} : memref<512x64xf32, #tpu.memory_space<vmem>>, vector<16xf32>,
      %add3A_626 = arith.constant 32 : i32
      %add3A_627 = vector.broadcast %add3A_626 : i32 to vector<16xi32>
      %add3A_628 = arith.addi %add3A_627, %iota3A : vector<16xi32>
      %gather3A_629 = arith.constant 0 : i32
      %gather3A_630 = arith.constant 0 : i32
      %gather3A_631 = arith.constant 0 : i32
      %gather3A_632 = tpu.memref_slice %arg9[%rem3A_342, %gather3A_629, %gather3A_630, %gather3A_631] : memref<2x16x64x16xf32, #tpu.memory_space<vmem>> -> memref<1x1x64x16xf32, #tpu.memory_space<vmem>>
      %gather3A_633 = tpu.memref_squeeze %gather3A_632 : memref<1x1x64x16xf32, #tpu.memory_space<vmem>> -> memref<64x16xf32, #tpu.memory_space<vmem>>
      %gather3A_634 = tpu.vector_load_idx %gather3A_633[%add3A_628, %broadcast_in_dim3A] : memref<64x16xf32, #tpu.memory_space<vmem>>[vector<16xi32>, vector<16xi32>], vector<16xf32>,
      %swap3A_635 = arith.index_cast %add3A_603 : i32 to index
      %swap3A_636 = arith.constant 32 : index
      %swap3A_637 = tpu.vector_load %arg10[%swap3A_635, %swap3A_636] {strides = array<i32>} : memref<512x64xf32, #tpu.memory_space<vmem>>, vector<16xf32>,
      tpu.vector_store %arg10[%swap3A_635, %swap3A_636], %gather3A_634 {strides = array<i32>} : memref<512x64xf32, #tpu.memory_space<vmem>>, vector<16xf32>,
      %add3A_638 = arith.constant 48 : i32
      %add3A_639 = vector.broadcast %add3A_638 : i32 to vector<16xi32>
      %add3A_640 = arith.addi %add3A_639, %iota3A : vector<16xi32>
      %gather3A_641 = arith.constant 0 : i32
      %gather3A_642 = arith.constant 0 : i32
      %gather3A_643 = arith.constant 0 : i32
      %gather3A_644 = tpu.memref_slice %arg9[%rem3A_342, %gather3A_641, %gather3A_642, %gather3A_643] : memref<2x16x64x16xf32, #tpu.memory_space<vmem>> -> memref<1x1x64x16xf32, #tpu.memory_space<vmem>>
      %gather3A_645 = tpu.memref_squeeze %gather3A_644 : memref<1x1x64x16xf32, #tpu.memory_space<vmem>> -> memref<64x16xf32, #tpu.memory_space<vmem>>
      %gather3A_646 = tpu.vector_load_idx %gather3A_645[%add3A_640, %broadcast_in_dim3A] : memref<64x16xf32, #tpu.memory_space<vmem>>[vector<16xi32>, vector<16xi32>], vector<16xf32>,
      %swap3A_647 = arith.index_cast %add3A_603 : i32 to index
      %swap3A_648 = arith.constant 48 : index
      %swap3A_649 = tpu.vector_load %arg10[%swap3A_647, %swap3A_648] {strides = array<i32>} : memref<512x64xf32, #tpu.memory_space<vmem>>, vector<16xf32>,
      tpu.vector_store %arg10[%swap3A_647, %swap3A_648], %gather3A_646 {strides = array<i32>} : memref<512x64xf32, #tpu.memory_space<vmem>>, vector<16xf32>,
      %slice3A_650 = vector.extract_strided_slice %and3A_357 {offsets = [1], sizes = [1], strides = [1]} : vector<16xi32> to vector<1xi32>
      %squeeze3A_651 = vector.extract %slice3A_650[0] : i32 from vector<1xi32>
      %broadcast_in_dim3A_652 = vector.broadcast %squeeze3A_651 : i32 to vector<16xi32>
      %mul3A_653 = arith.constant 16 : i32
      %mul3A_654 = arith.muli %scan3A_341, %mul3A_653 : i32
      %add3A_655 = arith.constant 1 : i32
      %add3A_656 = arith.addi %mul3A_654, %add3A_655 : i32
      %add3A_657 = arith.constant 0 : i32
      %add3A_658 = vector.broadcast %add3A_657 : i32 to vector<16xi32>
      %add3A_659 = arith.addi %add3A_658, %iota3A : vector<16xi32>
      %gather3A_660 = arith.constant 1 : i32
      %gather3A_661 = arith.constant 0 : i32
      %gather3A_662 = arith.constant 0 : i32
      %gather3A_663 = tpu.memref_slice %arg9[%rem3A_342, %gather3A_660, %gather3A_661, %gather3A_662] : memref<2x16x64x16xf32, #tpu.memory_space<vmem>> -> memref<1x1x64x16xf32, #tpu.memory_space<vmem>>
      %gather3A_664 = tpu.memref_squeeze %gather3A_663 : memref<1x1x64x16xf32, #tpu.memory_space<vmem>> -> memref<64x16xf32, #tpu.memory_space<vmem>>
      %gather3A_665 = tpu.vector_load_idx %gather3A_664[%add3A_659, %broadcast_in_dim3A_652] : memref<64x16xf32, #tpu.memory_space<vmem>>[vector<16xi32>, vector<16xi32>], vector<16xf32>,
      %swap3A_666 = arith.index_cast %add3A_656 : i32 to index
      %swap3A_667 = arith.constant 0 : index
      %swap3A_668 = tpu.vector_load %arg10[%swap3A_666, %swap3A_667] {strides = array<i32>} : memref<512x64xf32, #tpu.memory_space<vmem>>, vector<16xf32>,
      tpu.vector_store %arg10[%swap3A_666, %swap3A_667], %gather3A_665 {strides = array<i32>} : memref<512x64xf32, #tpu.memory_space<vmem>>, vector<16xf32>,
      %add3A_669 = arith.constant 16 : i32
      %add3A_670 = vector.broadcast %add3A_669 : i32 to vector<16xi32>
      %add3A_671 = arith.addi %add3A_670, %iota3A : vector<16xi32>
      %gather3A_672 = arith.constant 1 : i32
      %gather3A_673 = arith.constant 0 : i32
      %gather3A_674 = arith.constant 0 : i32
      %gather3A_675 = tpu.memref_slice %arg9[%rem3A_342, %gather3A_672, %gather3A_673, %gather3A_674] : memref<2x16x64x16xf32, #tpu.memory_space<vmem>> -> memref<1x1x64x16xf32, #tpu.memory_space<vmem>>
      %gather3A_676 = tpu.memref_squeeze %gather3A_675 : memref<1x1x64x16xf32, #tpu.memory_space<vmem>> -> memref<64x16xf32, #tpu.memory_space<vmem>>
      %gather3A_677 = tpu.vector_load_idx %gather3A_676[%add3A_671, %broadcast_in_dim3A_652] : memref<64x16xf32, #tpu.memory_space<vmem>>[vector<16xi32>, vector<16xi32>], vector<16xf32>,
      %swap3A_678 = arith.index_cast %add3A_656 : i32 to index
      %swap3A_679 = arith.constant 16 : index
      %swap3A_680 = tpu.vector_load %arg10[%swap3A_678, %swap3A_679] {strides = array<i32>} : memref<512x64xf32, #tpu.memory_space<vmem>>, vector<16xf32>,
      tpu.vector_store %arg10[%swap3A_678, %swap3A_679], %gather3A_677 {strides = array<i32>} : memref<512x64xf32, #tpu.memory_space<vmem>>, vector<16xf32>,
      %add3A_681 = arith.constant 32 : i32
      %add3A_682 = vector.broadcast %add3A_681 : i32 to vector<16xi32>
      %add3A_683 = arith.addi %add3A_682, %iota3A : vector<16xi32>
      %gather3A_684 = arith.constant 1 : i32
      %gather3A_685 = arith.constant 0 : i32
      %gather3A_686 = arith.constant 0 : i32
      %gather3A_687 = tpu.memref_slice %arg9[%rem3A_342, %gather3A_684, %gather3A_685, %gather3A_686] : memref<2x16x64x16xf32, #tpu.memory_space<vmem>> -> memref<1x1x64x16xf32, #tpu.memory_space<vmem>>
      %gather3A_688 = tpu.memref_squeeze %gather3A_687 : memref<1x1x64x16xf32, #tpu.memory_space<vmem>> -> memref<64x16xf32, #tpu.memory_space<vmem>>
      %gather3A_689 = tpu.vector_load_idx %gather3A_688[%add3A_683, %broadcast_in_dim3A_652] : memref<64x16xf32, #tpu.memory_space<vmem>>[vector<16xi32>, vector<16xi32>], vector<16xf32>,
      %swap3A_690 = arith.index_cast %add3A_656 : i32 to index
      %swap3A_691 = arith.constant 32 : index
      %swap3A_692 = tpu.vector_load %arg10[%swap3A_690, %swap3A_691] {strides = array<i32>} : memref<512x64xf32, #tpu.memory_space<vmem>>, vector<16xf32>,
      tpu.vector_store %arg10[%swap3A_690, %swap3A_691], %gather3A_689 {strides = array<i32>} : memref<512x64xf32, #tpu.memory_space<vmem>>, vector<16xf32>,
      %add3A_693 = arith.constant 48 : i32
      %add3A_694 = vector.broadcast %add3A_693 : i32 to vector<16xi32>
      %add3A_695 = arith.addi %add3A_694, %iota3A : vector<16xi32>
      %gather3A_696 = arith.constant 1 : i32
      %gather3A_697 = arith.constant 0 : i32
      %gather3A_698 = arith.constant 0 : i32
      %gather3A_699 = tpu.memref_slice %arg9[%rem3A_342, %gather3A_696, %gather3A_697, %gather3A_698] : memref<2x16x64x16xf32, #tpu.memory_space<vmem>> -> memref<1x1x64x16xf32, #tpu.memory_space<vmem>>
      %gather3A_700 = tpu.memref_squeeze %gather3A_699 : memref<1x1x64x16xf32, #tpu.memory_space<vmem>> -> memref<64x16xf32, #tpu.memory_space<vmem>>
      %gather3A_701 = tpu.vector_load_idx %gather3A_700[%add3A_695, %broadcast_in_dim3A_652] : memref<64x16xf32, #tpu.memory_space<vmem>>[vector<16xi32>, vector<16xi32>], vector<16xf32>,
      %swap3A_702 = arith.index_cast %add3A_656 : i32 to index
      %swap3A_703 = arith.constant 48 : index
      %swap3A_704 = tpu.vector_load %arg10[%swap3A_702, %swap3A_703] {strides = array<i32>} : memref<512x64xf32, #tpu.memory_space<vmem>>, vector<16xf32>,
      tpu.vector_store %arg10[%swap3A_702, %swap3A_703], %gather3A_701 {strides = array<i32>} : memref<512x64xf32, #tpu.memory_space<vmem>>, vector<16xf32>,
      %slice3A_705 = vector.extract_strided_slice %and3A_357 {offsets = [2], sizes = [1], strides = [1]} : vector<16xi32> to vector<1xi32>
      %squeeze3A_706 = vector.extract %slice3A_705[0] : i32 from vector<1xi32>
      %broadcast_in_dim3A_707 = vector.broadcast %squeeze3A_706 : i32 to vector<16xi32>
      %mul3A_708 = arith.constant 16 : i32
      %mul3A_709 = arith.muli %scan3A_341, %mul3A_708 : i32
      %add3A_710 = arith.constant 2 : i32
      %add3A_711 = arith.addi %mul3A_709, %add3A_710 : i32
      %add3A_712 = arith.constant 0 : i32
      %add3A_713 = vector.broadcast %add3A_712 : i32 to vector<16xi32>
      %add3A_714 = arith.addi %add3A_713, %iota3A : vector<16xi32>
      %gather3A_715 = arith.constant 2 : i32
      %gather3A_716 = arith.constant 0 : i32
      %gather3A_717 = arith.constant 0 : i32
      %gather3A_718 = tpu.memref_slice %arg9[%rem3A_342, %gather3A_715, %gather3A_716, %gather3A_717] : memref<2x16x64x16xf32, #tpu.memory_space<vmem>> -> memref<1x1x64x16xf32, #tpu.memory_space<vmem>>
      %gather3A_719 = tpu.memref_squeeze %gather3A_718 : memref<1x1x64x16xf32, #tpu.memory_space<vmem>> -> memref<64x16xf32, #tpu.memory_space<vmem>>
      %gather3A_720 = tpu.vector_load_idx %gather3A_719[%add3A_714, %broadcast_in_dim3A_707] : memref<64x16xf32, #tpu.memory_space<vmem>>[vector<16xi32>, vector<16xi32>], vector<16xf32>,
      %swap3A_721 = arith.index_cast %add3A_711 : i32 to index
      %swap3A_722 = arith.constant 0 : index
      %swap3A_723 = tpu.vector_load %arg10[%swap3A_721, %swap3A_722] {strides = array<i32>} : memref<512x64xf32, #tpu.memory_space<vmem>>, vector<16xf32>,
      tpu.vector_store %arg10[%swap3A_721, %swap3A_722], %gather3A_720 {strides = array<i32>} : memref<512x64xf32, #tpu.memory_space<vmem>>, vector<16xf32>,
      %add3A_724 = arith.constant 16 : i32
      %add3A_725 = vector.broadcast %add3A_724 : i32 to vector<16xi32>
      %add3A_726 = arith.addi %add3A_725, %iota3A : vector<16xi32>
      %gather3A_727 = arith.constant 2 : i32
      %gather3A_728 = arith.constant 0 : i32
      %gather3A_729 = arith.constant 0 : i32
      %gather3A_730 = tpu.memref_slice %arg9[%rem3A_342, %gather3A_727, %gather3A_728, %gather3A_729] : memref<2x16x64x16xf32, #tpu.memory_space<vmem>> -> memref<1x1x64x16xf32, #tpu.memory_space<vmem>>
      %gather3A_731 = tpu.memref_squeeze %gather3A_730 : memref<1x1x64x16xf32, #tpu.memory_space<vmem>> -> memref<64x16xf32, #tpu.memory_space<vmem>>
      %gather3A_732 = tpu.vector_load_idx %gather3A_731[%add3A_726, %broadcast_in_dim3A_707] : memref<64x16xf32, #tpu.memory_space<vmem>>[vector<16xi32>, vector<16xi32>], vector<16xf32>,
      %swap3A_733 = arith.index_cast %add3A_711 : i32 to index
      %swap3A_734 = arith.constant 16 : index
      %swap3A_735 = tpu.vector_load %arg10[%swap3A_733, %swap3A_734] {strides = array<i32>} : memref<512x64xf32, #tpu.memory_space<vmem>>, vector<16xf32>,
      tpu.vector_store %arg10[%swap3A_733, %swap3A_734], %gather3A_732 {strides = array<i32>} : memref<512x64xf32, #tpu.memory_space<vmem>>, vector<16xf32>,
      %add3A_736 = arith.constant 32 : i32
      %add3A_737 = vector.broadcast %add3A_736 : i32 to vector<16xi32>
      %add3A_738 = arith.addi %add3A_737, %iota3A : vector<16xi32>
      %gather3A_739 = arith.constant 2 : i32
      %gather3A_740 = arith.constant 0 : i32
      %gather3A_741 = arith.constant 0 : i32
      %gather3A_742 = tpu.memref_slice %arg9[%rem3A_342, %gather3A_739, %gather3A_740, %gather3A_741] : memref<2x16x64x16xf32, #tpu.memory_space<vmem>> -> memref<1x1x64x16xf32, #tpu.memory_space<vmem>>
      %gather3A_743 = tpu.memref_squeeze %gather3A_742 : memref<1x1x64x16xf32, #tpu.memory_space<vmem>> -> memref<64x16xf32, #tpu.memory_space<vmem>>
      %gather3A_744 = tpu.vector_load_idx %gather3A_743[%add3A_738, %broadcast_in_dim3A_707] : memref<64x16xf32, #tpu.memory_space<vmem>>[vector<16xi32>, vector<16xi32>], vector<16xf32>,
      %swap3A_745 = arith.index_cast %add3A_711 : i32 to index
      %swap3A_746 = arith.constant 32 : index
      %swap3A_747 = tpu.vector_load %arg10[%swap3A_745, %swap3A_746] {strides = array<i32>} : memref<512x64xf32, #tpu.memory_space<vmem>>, vector<16xf32>,
      tpu.vector_store %arg10[%swap3A_745, %swap3A_746], %gather3A_744 {strides = array<i32>} : memref<512x64xf32, #tpu.memory_space<vmem>>, vector<16xf32>,
      %add3A_748 = arith.constant 48 : i32
      %add3A_749 = vector.broadcast %add3A_748 : i32 to vector<16xi32>
      %add3A_750 = arith.addi %add3A_749, %iota3A : vector<16xi32>
      %gather3A_751 = arith.constant 2 : i32
      %gather3A_752 = arith.constant 0 : i32
      %gather3A_753 = arith.constant 0 : i32
      %gather3A_754 = tpu.memref_slice %arg9[%rem3A_342, %gather3A_751, %gather3A_752, %gather3A_753] : memref<2x16x64x16xf32, #tpu.memory_space<vmem>> -> memref<1x1x64x16xf32, #tpu.memory_space<vmem>>
      %gather3A_755 = tpu.memref_squeeze %gather3A_754 : memref<1x1x64x16xf32, #tpu.memory_space<vmem>> -> memref<64x16xf32, #tpu.memory_space<vmem>>
      %gather3A_756 = tpu.vector_load_idx %gather3A_755[%add3A_750, %broadcast_in_dim3A_707] : memref<64x16xf32, #tpu.memory_space<vmem>>[vector<16xi32>, vector<16xi32>], vector<16xf32>,
      %swap3A_757 = arith.index_cast %add3A_711 : i32 to index
      %swap3A_758 = arith.constant 48 : index
      %swap3A_759 = tpu.vector_load %arg10[%swap3A_757, %swap3A_758] {strides = array<i32>} : memref<512x64xf32, #tpu.memory_space<vmem>>, vector<16xf32>,
      tpu.vector_store %arg10[%swap3A_757, %swap3A_758], %gather3A_756 {strides = array<i32>} : memref<512x64xf32, #tpu.memory_space<vmem>>, vector<16xf32>,
      %slice3A_760 = vector.extract_strided_slice %and3A_357 {offsets = [3], sizes = [1], strides = [1]} : vector<16xi32> to vector<1xi32>
      %squeeze3A_761 = vector.extract %slice3A_760[0] : i32 from vector<1xi32>
      %broadcast_in_dim3A_762 = vector.broadcast %squeeze3A_761 : i32 to vector<16xi32>
      %mul3A_763 = arith.constant 16 : i32
      %mul3A_764 = arith.muli %scan3A_341, %mul3A_763 : i32
      %add3A_765 = arith.constant 3 : i32
      %add3A_766 = arith.addi %mul3A_764, %add3A_765 : i32
      %add3A_767 = arith.constant 0 : i32
      %add3A_768 = vector.broadcast %add3A_767 : i32 to vector<16xi32>
      %add3A_769 = arith.addi %add3A_768, %iota3A : vector<16xi32>
      %gather3A_770 = arith.constant 3 : i32
      %gather3A_771 = arith.constant 0 : i32
      %gather3A_772 = arith.constant 0 : i32
      %gather3A_773 = tpu.memref_slice %arg9[%rem3A_342, %gather3A_770, %gather3A_771, %gather3A_772] : memref<2x16x64x16xf32, #tpu.memory_space<vmem>> -> memref<1x1x64x16xf32, #tpu.memory_space<vmem>>
      %gather3A_774 = tpu.memref_squeeze %gather3A_773 : memref<1x1x64x16xf32, #tpu.memory_space<vmem>> -> memref<64x16xf32, #tpu.memory_space<vmem>>
      %gather3A_775 = tpu.vector_load_idx %gather3A_774[%add3A_769, %broadcast_in_dim3A_762] : memref<64x16xf32, #tpu.memory_space<vmem>>[vector<16xi32>, vector<16xi32>], vector<16xf32>,
      %swap3A_776 = arith.index_cast %add3A_766 : i32 to index
      %swap3A_777 = arith.constant 0 : index
      %swap3A_778 = tpu.vector_load %arg10[%swap3A_776, %swap3A_777] {strides = array<i32>} : memref<512x64xf32, #tpu.memory_space<vmem>>, vector<16xf32>,
      tpu.vector_store %arg10[%swap3A_776, %swap3A_777], %gather3A_775 {strides = array<i32>} : memref<512x64xf32, #tpu.memory_space<vmem>>, vector<16xf32>,
      %add3A_779 = arith.constant 16 : i32
      %add3A_780 = vector.broadcast %add3A_779 : i32 to vector<16xi32>
      %add3A_781 = arith.addi %add3A_780, %iota3A : vector<16xi32>
      %gather3A_782 = arith.constant 3 : i32
      %gather3A_783 = arith.constant 0 : i32
      %gather3A_784 = arith.constant 0 : i32
      %gather3A_785 = tpu.memref_slice %arg9[%rem3A_342, %gather3A_782, %gather3A_783, %gather3A_784] : memref<2x16x64x16xf32, #tpu.memory_space<vmem>> -> memref<1x1x64x16xf32, #tpu.memory_space<vmem>>
      %gather3A_786 = tpu.memref_squeeze %gather3A_785 : memref<1x1x64x16xf32, #tpu.memory_space<vmem>> -> memref<64x16xf32, #tpu.memory_space<vmem>>
      %gather3A_787 = tpu.vector_load_idx %gather3A_786[%add3A_781, %broadcast_in_dim3A_762] : memref<64x16xf32, #tpu.memory_space<vmem>>[vector<16xi32>, vector<16xi32>], vector<16xf32>,
      %swap3A_788 = arith.index_cast %add3A_766 : i32 to index
      %swap3A_789 = arith.constant 16 : index
      %swap3A_790 = tpu.vector_load %arg10[%swap3A_788, %swap3A_789] {strides = array<i32>} : memref<512x64xf32, #tpu.memory_space<vmem>>, vector<16xf32>,
      tpu.vector_store %arg10[%swap3A_788, %swap3A_789], %gather3A_787 {strides = array<i32>} : memref<512x64xf32, #tpu.memory_space<vmem>>, vector<16xf32>,
      %add3A_791 = arith.constant 32 : i32
      %add3A_792 = vector.broadcast %add3A_791 : i32 to vector<16xi32>
      %add3A_793 = arith.addi %add3A_792, %iota3A : vector<16xi32>
      %gather3A_794 = arith.constant 3 : i32
      %gather3A_795 = arith.constant 0 : i32
      %gather3A_796 = arith.constant 0 : i32
      %gather3A_797 = tpu.memref_slice %arg9[%rem3A_342, %gather3A_794, %gather3A_795, %gather3A_796] : memref<2x16x64x16xf32, #tpu.memory_space<vmem>> -> memref<1x1x64x16xf32, #tpu.memory_space<vmem>>
      %gather3A_798 = tpu.memref_squeeze %gather3A_797 : memref<1x1x64x16xf32, #tpu.memory_space<vmem>> -> memref<64x16xf32, #tpu.memory_space<vmem>>
      %gather3A_799 = tpu.vector_load_idx %gather3A_798[%add3A_793, %broadcast_in_dim3A_762] : memref<64x16xf32, #tpu.memory_space<vmem>>[vector<16xi32>, vector<16xi32>], vector<16xf32>,
      %swap3A_800 = arith.index_cast %add3A_766 : i32 to index
      %swap3A_801 = arith.constant 32 : index
      %swap3A_802 = tpu.vector_load %arg10[%swap3A_800, %swap3A_801] {strides = array<i32>} : memref<512x64xf32, #tpu.memory_space<vmem>>, vector<16xf32>,
      tpu.vector_store %arg10[%swap3A_800, %swap3A_801], %gather3A_799 {strides = array<i32>} : memref<512x64xf32, #tpu.memory_space<vmem>>, vector<16xf32>,
      %add3A_803 = arith.constant 48 : i32
      %add3A_804 = vector.broadcast %add3A_803 : i32 to vector<16xi32>
      %add3A_805 = arith.addi %add3A_804, %iota3A : vector<16xi32>
      %gather3A_806 = arith.constant 3 : i32
      %gather3A_807 = arith.constant 0 : i32
      %gather3A_808 = arith.constant 0 : i32
      %gather3A_809 = tpu.memref_slice %arg9[%rem3A_342, %gather3A_806, %gather3A_807, %gather3A_808] : memref<2x16x64x16xf32, #tpu.memory_space<vmem>> -> memref<1x1x64x16xf32, #tpu.memory_space<vmem>>
      %gather3A_810 = tpu.memref_squeeze %gather3A_809 : memref<1x1x64x16xf32, #tpu.memory_space<vmem>> -> memref<64x16xf32, #tpu.memory_space<vmem>>
      %gather3A_811 = tpu.vector_load_idx %gather3A_810[%add3A_805, %broadcast_in_dim3A_762] : memref<64x16xf32, #tpu.memory_space<vmem>>[vector<16xi32>, vector<16xi32>], vector<16xf32>,
      %swap3A_812 = arith.index_cast %add3A_766 : i32 to index
      %swap3A_813 = arith.constant 48 : index
      %swap3A_814 = tpu.vector_load %arg10[%swap3A_812, %swap3A_813] {strides = array<i32>} : memref<512x64xf32, #tpu.memory_space<vmem>>, vector<16xf32>,
      tpu.vector_store %arg10[%swap3A_812, %swap3A_813], %gather3A_811 {strides = array<i32>} : memref<512x64xf32, #tpu.memory_space<vmem>>, vector<16xf32>,
      %slice3A_815 = vector.extract_strided_slice %and3A_357 {offsets = [4], sizes = [1], strides = [1]} : vector<16xi32> to vector<1xi32>
      %squeeze3A_816 = vector.extract %slice3A_815[0] : i32 from vector<1xi32>
      %broadcast_in_dim3A_817 = vector.broadcast %squeeze3A_816 : i32 to vector<16xi32>
      %mul3A_818 = arith.constant 16 : i32
      %mul3A_819 = arith.muli %scan3A_341, %mul3A_818 : i32
      %add3A_820 = arith.constant 4 : i32
      %add3A_821 = arith.addi %mul3A_819, %add3A_820 : i32
      %add3A_822 = arith.constant 0 : i32
      %add3A_823 = vector.broadcast %add3A_822 : i32 to vector<16xi32>
      %add3A_824 = arith.addi %add3A_823, %iota3A : vector<16xi32>
      %gather3A_825 = arith.constant 4 : i32
      %gather3A_826 = arith.constant 0 : i32
      %gather3A_827 = arith.constant 0 : i32
      %gather3A_828 = tpu.memref_slice %arg9[%rem3A_342, %gather3A_825, %gather3A_826, %gather3A_827] : memref<2x16x64x16xf32, #tpu.memory_space<vmem>> -> memref<1x1x64x16xf32, #tpu.memory_space<vmem>>
      %gather3A_829 = tpu.memref_squeeze %gather3A_828 : memref<1x1x64x16xf32, #tpu.memory_space<vmem>> -> memref<64x16xf32, #tpu.memory_space<vmem>>
      %gather3A_830 = tpu.vector_load_idx %gather3A_829[%add3A_824, %broadcast_in_dim3A_817] : memref<64x16xf32, #tpu.memory_space<vmem>>[vector<16xi32>, vector<16xi32>], vector<16xf32>,
      %swap3A_831 = arith.index_cast %add3A_821 : i32 to index
      %swap3A_832 = arith.constant 0 : index
      %swap3A_833 = tpu.vector_load %arg10[%swap3A_831, %swap3A_832] {strides = array<i32>} : memref<512x64xf32, #tpu.memory_space<vmem>>, vector<16xf32>,
      tpu.vector_store %arg10[%swap3A_831, %swap3A_832], %gather3A_830 {strides = array<i32>} : memref<512x64xf32, #tpu.memory_space<vmem>>, vector<16xf32>,
      %add3A_834 = arith.constant 16 : i32
      %add3A_835 = vector.broadcast %add3A_834 : i32 to vector<16xi32>
      %add3A_836 = arith.addi %add3A_835, %iota3A : vector<16xi32>
      %gather3A_837 = arith.constant 4 : i32
      %gather3A_838 = arith.constant 0 : i32
      %gather3A_839 = arith.constant 0 : i32
      %gather3A_840 = tpu.memref_slice %arg9[%rem3A_342, %gather3A_837, %gather3A_838, %gather3A_839] : memref<2x16x64x16xf32, #tpu.memory_space<vmem>> -> memref<1x1x64x16xf32, #tpu.memory_space<vmem>>
      %gather3A_841 = tpu.memref_squeeze %gather3A_840 : memref<1x1x64x16xf32, #tpu.memory_space<vmem>> -> memref<64x16xf32, #tpu.memory_space<vmem>>
      %gather3A_842 = tpu.vector_load_idx %gather3A_841[%add3A_836, %broadcast_in_dim3A_817] : memref<64x16xf32, #tpu.memory_space<vmem>>[vector<16xi32>, vector<16xi32>], vector<16xf32>,
      %swap3A_843 = arith.index_cast %add3A_821 : i32 to index
      %swap3A_844 = arith.constant 16 : index
      %swap3A_845 = tpu.vector_load %arg10[%swap3A_843, %swap3A_844] {strides = array<i32>} : memref<512x64xf32, #tpu.memory_space<vmem>>, vector<16xf32>,
      tpu.vector_store %arg10[%swap3A_843, %swap3A_844], %gather3A_842 {strides = array<i32>} : memref<512x64xf32, #tpu.memory_space<vmem>>, vector<16xf32>,
      %add3A_846 = arith.constant 32 : i32
      %add3A_847 = vector.broadcast %add3A_846 : i32 to vector<16xi32>
      %add3A_848 = arith.addi %add3A_847, %iota3A : vector<16xi32>
      %gather3A_849 = arith.constant 4 : i32
      %gather3A_850 = arith.constant 0 : i32
      %gather3A_851 = arith.constant 0 : i32
      %gather3A_852 = tpu.memref_slice %arg9[%rem3A_342, %gather3A_849, %gather3A_850, %gather3A_851] : memref<2x16x64x16xf32, #tpu.memory_space<vmem>> -> memref<1x1x64x16xf32, #tpu.memory_space<vmem>>
      %gather3A_853 = tpu.memref_squeeze %gather3A_852 : memref<1x1x64x16xf32, #tpu.memory_space<vmem>> -> memref<64x16xf32, #tpu.memory_space<vmem>>
      %gather3A_854 = tpu.vector_load_idx %gather3A_853[%add3A_848, %broadcast_in_dim3A_817] : memref<64x16xf32, #tpu.memory_space<vmem>>[vector<16xi32>, vector<16xi32>], vector<16xf32>,
      %swap3A_855 = arith.index_cast %add3A_821 : i32 to index
      %swap3A_856 = arith.constant 32 : index
      %swap3A_857 = tpu.vector_load %arg10[%swap3A_855, %swap3A_856] {strides = array<i32>} : memref<512x64xf32, #tpu.memory_space<vmem>>, vector<16xf32>,
      tpu.vector_store %arg10[%swap3A_855, %swap3A_856], %gather3A_854 {strides = array<i32>} : memref<512x64xf32, #tpu.memory_space<vmem>>, vector<16xf32>,
      %add3A_858 = arith.constant 48 : i32
      %add3A_859 = vector.broadcast %add3A_858 : i32 to vector<16xi32>
      %add3A_860 = arith.addi %add3A_859, %iota3A : vector<16xi32>
      %gather3A_861 = arith.constant 4 : i32
      %gather3A_862 = arith.constant 0 : i32
      %gather3A_863 = arith.constant 0 : i32
      %gather3A_864 = tpu.memref_slice %arg9[%rem3A_342, %gather3A_861, %gather3A_862, %gather3A_863] : memref<2x16x64x16xf32, #tpu.memory_space<vmem>> -> memref<1x1x64x16xf32, #tpu.memory_space<vmem>>
      %gather3A_865 = tpu.memref_squeeze %gather3A_864 : memref<1x1x64x16xf32, #tpu.memory_space<vmem>> -> memref<64x16xf32, #tpu.memory_space<vmem>>
      %gather3A_866 = tpu.vector_load_idx %gather3A_865[%add3A_860, %broadcast_in_dim3A_817] : memref<64x16xf32, #tpu.memory_space<vmem>>[vector<16xi32>, vector<16xi32>], vector<16xf32>,
      %swap3A_867 = arith.index_cast %add3A_821 : i32 to index
      %swap3A_868 = arith.constant 48 : index
      %swap3A_869 = tpu.vector_load %arg10[%swap3A_867, %swap3A_868] {strides = array<i32>} : memref<512x64xf32, #tpu.memory_space<vmem>>, vector<16xf32>,
      tpu.vector_store %arg10[%swap3A_867, %swap3A_868], %gather3A_866 {strides = array<i32>} : memref<512x64xf32, #tpu.memory_space<vmem>>, vector<16xf32>,
      %slice3A_870 = vector.extract_strided_slice %and3A_357 {offsets = [5], sizes = [1], strides = [1]} : vector<16xi32> to vector<1xi32>
      %squeeze3A_871 = vector.extract %slice3A_870[0] : i32 from vector<1xi32>
      %broadcast_in_dim3A_872 = vector.broadcast %squeeze3A_871 : i32 to vector<16xi32>
      %mul3A_873 = arith.constant 16 : i32
      %mul3A_874 = arith.muli %scan3A_341, %mul3A_873 : i32
      %add3A_875 = arith.constant 5 : i32
      %add3A_876 = arith.addi %mul3A_874, %add3A_875 : i32
      %add3A_877 = arith.constant 0 : i32
      %add3A_878 = vector.broadcast %add3A_877 : i32 to vector<16xi32>
      %add3A_879 = arith.addi %add3A_878, %iota3A : vector<16xi32>
      %gather3A_880 = arith.constant 5 : i32
      %gather3A_881 = arith.constant 0 : i32
      %gather3A_882 = arith.constant 0 : i32
      %gather3A_883 = tpu.memref_slice %arg9[%rem3A_342, %gather3A_880, %gather3A_881, %gather3A_882] : memref<2x16x64x16xf32, #tpu.memory_space<vmem>> -> memref<1x1x64x16xf32, #tpu.memory_space<vmem>>
      %gather3A_884 = tpu.memref_squeeze %gather3A_883 : memref<1x1x64x16xf32, #tpu.memory_space<vmem>> -> memref<64x16xf32, #tpu.memory_space<vmem>>
      %gather3A_885 = tpu.vector_load_idx %gather3A_884[%add3A_879, %broadcast_in_dim3A_872] : memref<64x16xf32, #tpu.memory_space<vmem>>[vector<16xi32>, vector<16xi32>], vector<16xf32>,
      %swap3A_886 = arith.index_cast %add3A_876 : i32 to index
      %swap3A_887 = arith.constant 0 : index
      %swap3A_888 = tpu.vector_load %arg10[%swap3A_886, %swap3A_887] {strides = array<i32>} : memref<512x64xf32, #tpu.memory_space<vmem>>, vector<16xf32>,
      tpu.vector_store %arg10[%swap3A_886, %swap3A_887], %gather3A_885 {strides = array<i32>} : memref<512x64xf32, #tpu.memory_space<vmem>>, vector<16xf32>,
      %add3A_889 = arith.constant 16 : i32
      %add3A_890 = vector.broadcast %add3A_889 : i32 to vector<16xi32>
      %add3A_891 = arith.addi %add3A_890, %iota3A : vector<16xi32>
      %gather3A_892 = arith.constant 5 : i32
      %gather3A_893 = arith.constant 0 : i32
      %gather3A_894 = arith.constant 0 : i32
      %gather3A_895 = tpu.memref_slice %arg9[%rem3A_342, %gather3A_892, %gather3A_893, %gather3A_894] : memref<2x16x64x16xf32, #tpu.memory_space<vmem>> -> memref<1x1x64x16xf32, #tpu.memory_space<vmem>>
      %gather3A_896 = tpu.memref_squeeze %gather3A_895 : memref<1x1x64x16xf32, #tpu.memory_space<vmem>> -> memref<64x16xf32, #tpu.memory_space<vmem>>
      %gather3A_897 = tpu.vector_load_idx %gather3A_896[%add3A_891, %broadcast_in_dim3A_872] : memref<64x16xf32, #tpu.memory_space<vmem>>[vector<16xi32>, vector<16xi32>], vector<16xf32>,
      %swap3A_898 = arith.index_cast %add3A_876 : i32 to index
      %swap3A_899 = arith.constant 16 : index
      %swap3A_900 = tpu.vector_load %arg10[%swap3A_898, %swap3A_899] {strides = array<i32>} : memref<512x64xf32, #tpu.memory_space<vmem>>, vector<16xf32>,
      tpu.vector_store %arg10[%swap3A_898, %swap3A_899], %gather3A_897 {strides = array<i32>} : memref<512x64xf32, #tpu.memory_space<vmem>>, vector<16xf32>,
      %add3A_901 = arith.constant 32 : i32
      %add3A_902 = vector.broadcast %add3A_901 : i32 to vector<16xi32>
      %add3A_903 = arith.addi %add3A_902, %iota3A : vector<16xi32>
      %gather3A_904 = arith.constant 5 : i32
      %gather3A_905 = arith.constant 0 : i32
      %gather3A_906 = arith.constant 0 : i32
      %gather3A_907 = tpu.memref_slice %arg9[%rem3A_342, %gather3A_904, %gather3A_905, %gather3A_906] : memref<2x16x64x16xf32, #tpu.memory_space<vmem>> -> memref<1x1x64x16xf32, #tpu.memory_space<vmem>>
      %gather3A_908 = tpu.memref_squeeze %gather3A_907 : memref<1x1x64x16xf32, #tpu.memory_space<vmem>> -> memref<64x16xf32, #tpu.memory_space<vmem>>
      %gather3A_909 = tpu.vector_load_idx %gather3A_908[%add3A_903, %broadcast_in_dim3A_872] : memref<64x16xf32, #tpu.memory_space<vmem>>[vector<16xi32>, vector<16xi32>], vector<16xf32>,
      %swap3A_910 = arith.index_cast %add3A_876 : i32 to index
      %swap3A_911 = arith.constant 32 : index
      %swap3A_912 = tpu.vector_load %arg10[%swap3A_910, %swap3A_911] {strides = array<i32>} : memref<512x64xf32, #tpu.memory_space<vmem>>, vector<16xf32>,
      tpu.vector_store %arg10[%swap3A_910, %swap3A_911], %gather3A_909 {strides = array<i32>} : memref<512x64xf32, #tpu.memory_space<vmem>>, vector<16xf32>,
      %add3A_913 = arith.constant 48 : i32
      %add3A_914 = vector.broadcast %add3A_913 : i32 to vector<16xi32>
      %add3A_915 = arith.addi %add3A_914, %iota3A : vector<16xi32>
      %gather3A_916 = arith.constant 5 : i32
      %gather3A_917 = arith.constant 0 : i32
      %gather3A_918 = arith.constant 0 : i32
      %gather3A_919 = tpu.memref_slice %arg9[%rem3A_342, %gather3A_916, %gather3A_917, %gather3A_918] : memref<2x16x64x16xf32, #tpu.memory_space<vmem>> -> memref<1x1x64x16xf32, #tpu.memory_space<vmem>>
      %gather3A_920 = tpu.memref_squeeze %gather3A_919 : memref<1x1x64x16xf32, #tpu.memory_space<vmem>> -> memref<64x16xf32, #tpu.memory_space<vmem>>
      %gather3A_921 = tpu.vector_load_idx %gather3A_920[%add3A_915, %broadcast_in_dim3A_872] : memref<64x16xf32, #tpu.memory_space<vmem>>[vector<16xi32>, vector<16xi32>], vector<16xf32>,
      %swap3A_922 = arith.index_cast %add3A_876 : i32 to index
      %swap3A_923 = arith.constant 48 : index
      %swap3A_924 = tpu.vector_load %arg10[%swap3A_922, %swap3A_923] {strides = array<i32>} : memref<512x64xf32, #tpu.memory_space<vmem>>, vector<16xf32>,
      tpu.vector_store %arg10[%swap3A_922, %swap3A_923], %gather3A_921 {strides = array<i32>} : memref<512x64xf32, #tpu.memory_space<vmem>>, vector<16xf32>,
      %slice3A_925 = vector.extract_strided_slice %and3A_357 {offsets = [6], sizes = [1], strides = [1]} : vector<16xi32> to vector<1xi32>
      %squeeze3A_926 = vector.extract %slice3A_925[0] : i32 from vector<1xi32>
      %broadcast_in_dim3A_927 = vector.broadcast %squeeze3A_926 : i32 to vector<16xi32>
      %mul3A_928 = arith.constant 16 : i32
      %mul3A_929 = arith.muli %scan3A_341, %mul3A_928 : i32
      %add3A_930 = arith.constant 6 : i32
      %add3A_931 = arith.addi %mul3A_929, %add3A_930 : i32
      %add3A_932 = arith.constant 0 : i32
      %add3A_933 = vector.broadcast %add3A_932 : i32 to vector<16xi32>
      %add3A_934 = arith.addi %add3A_933, %iota3A : vector<16xi32>
      %gather3A_935 = arith.constant 6 : i32
      %gather3A_936 = arith.constant 0 : i32
      %gather3A_937 = arith.constant 0 : i32
      %gather3A_938 = tpu.memref_slice %arg9[%rem3A_342, %gather3A_935, %gather3A_936, %gather3A_937] : memref<2x16x64x16xf32, #tpu.memory_space<vmem>> -> memref<1x1x64x16xf32, #tpu.memory_space<vmem>>
      %gather3A_939 = tpu.memref_squeeze %gather3A_938 : memref<1x1x64x16xf32, #tpu.memory_space<vmem>> -> memref<64x16xf32, #tpu.memory_space<vmem>>
      %gather3A_940 = tpu.vector_load_idx %gather3A_939[%add3A_934, %broadcast_in_dim3A_927] : memref<64x16xf32, #tpu.memory_space<vmem>>[vector<16xi32>, vector<16xi32>], vector<16xf32>,
      %swap3A_941 = arith.index_cast %add3A_931 : i32 to index
      %swap3A_942 = arith.constant 0 : index
      %swap3A_943 = tpu.vector_load %arg10[%swap3A_941, %swap3A_942] {strides = array<i32>} : memref<512x64xf32, #tpu.memory_space<vmem>>, vector<16xf32>,
      tpu.vector_store %arg10[%swap3A_941, %swap3A_942], %gather3A_940 {strides = array<i32>} : memref<512x64xf32, #tpu.memory_space<vmem>>, vector<16xf32>,
      %add3A_944 = arith.constant 16 : i32
      %add3A_945 = vector.broadcast %add3A_944 : i32 to vector<16xi32>
      %add3A_946 = arith.addi %add3A_945, %iota3A : vector<16xi32>
      %gather3A_947 = arith.constant 6 : i32
      %gather3A_948 = arith.constant 0 : i32
      %gather3A_949 = arith.constant 0 : i32
      %gather3A_950 = tpu.memref_slice %arg9[%rem3A_342, %gather3A_947, %gather3A_948, %gather3A_949] : memref<2x16x64x16xf32, #tpu.memory_space<vmem>> -> memref<1x1x64x16xf32, #tpu.memory_space<vmem>>
      %gather3A_951 = tpu.memref_squeeze %gather3A_950 : memref<1x1x64x16xf32, #tpu.memory_space<vmem>> -> memref<64x16xf32, #tpu.memory_space<vmem>>
      %gather3A_952 = tpu.vector_load_idx %gather3A_951[%add3A_946, %broadcast_in_dim3A_927] : memref<64x16xf32, #tpu.memory_space<vmem>>[vector<16xi32>, vector<16xi32>], vector<16xf32>,
      %swap3A_953 = arith.index_cast %add3A_931 : i32 to index
      %swap3A_954 = arith.constant 16 : index
      %swap3A_955 = tpu.vector_load %arg10[%swap3A_953, %swap3A_954] {strides = array<i32>} : memref<512x64xf32, #tpu.memory_space<vmem>>, vector<16xf32>,
      tpu.vector_store %arg10[%swap3A_953, %swap3A_954], %gather3A_952 {strides = array<i32>} : memref<512x64xf32, #tpu.memory_space<vmem>>, vector<16xf32>,
      %add3A_956 = arith.constant 32 : i32
      %add3A_957 = vector.broadcast %add3A_956 : i32 to vector<16xi32>
      %add3A_958 = arith.addi %add3A_957, %iota3A : vector<16xi32>
      %gather3A_959 = arith.constant 6 : i32
      %gather3A_960 = arith.constant 0 : i32
      %gather3A_961 = arith.constant 0 : i32
      %gather3A_962 = tpu.memref_slice %arg9[%rem3A_342, %gather3A_959, %gather3A_960, %gather3A_961] : memref<2x16x64x16xf32, #tpu.memory_space<vmem>> -> memref<1x1x64x16xf32, #tpu.memory_space<vmem>>
      %gather3A_963 = tpu.memref_squeeze %gather3A_962 : memref<1x1x64x16xf32, #tpu.memory_space<vmem>> -> memref<64x16xf32, #tpu.memory_space<vmem>>
      %gather3A_964 = tpu.vector_load_idx %gather3A_963[%add3A_958, %broadcast_in_dim3A_927] : memref<64x16xf32, #tpu.memory_space<vmem>>[vector<16xi32>, vector<16xi32>], vector<16xf32>,
      %swap3A_965 = arith.index_cast %add3A_931 : i32 to index
      %swap3A_966 = arith.constant 32 : index
      %swap3A_967 = tpu.vector_load %arg10[%swap3A_965, %swap3A_966] {strides = array<i32>} : memref<512x64xf32, #tpu.memory_space<vmem>>, vector<16xf32>,
      tpu.vector_store %arg10[%swap3A_965, %swap3A_966], %gather3A_964 {strides = array<i32>} : memref<512x64xf32, #tpu.memory_space<vmem>>, vector<16xf32>,
      %add3A_968 = arith.constant 48 : i32
      %add3A_969 = vector.broadcast %add3A_968 : i32 to vector<16xi32>
      %add3A_970 = arith.addi %add3A_969, %iota3A : vector<16xi32>
      %gather3A_971 = arith.constant 6 : i32
      %gather3A_972 = arith.constant 0 : i32
      %gather3A_973 = arith.constant 0 : i32
      %gather3A_974 = tpu.memref_slice %arg9[%rem3A_342, %gather3A_971, %gather3A_972, %gather3A_973] : memref<2x16x64x16xf32, #tpu.memory_space<vmem>> -> memref<1x1x64x16xf32, #tpu.memory_space<vmem>>
      %gather3A_975 = tpu.memref_squeeze %gather3A_974 : memref<1x1x64x16xf32, #tpu.memory_space<vmem>> -> memref<64x16xf32, #tpu.memory_space<vmem>>
      %gather3A_976 = tpu.vector_load_idx %gather3A_975[%add3A_970, %broadcast_in_dim3A_927] : memref<64x16xf32, #tpu.memory_space<vmem>>[vector<16xi32>, vector<16xi32>], vector<16xf32>,
      %swap3A_977 = arith.index_cast %add3A_931 : i32 to index
      %swap3A_978 = arith.constant 48 : index
      %swap3A_979 = tpu.vector_load %arg10[%swap3A_977, %swap3A_978] {strides = array<i32>} : memref<512x64xf32, #tpu.memory_space<vmem>>, vector<16xf32>,
      tpu.vector_store %arg10[%swap3A_977, %swap3A_978], %gather3A_976 {strides = array<i32>} : memref<512x64xf32, #tpu.memory_space<vmem>>, vector<16xf32>,
      %slice3A_980 = vector.extract_strided_slice %and3A_357 {offsets = [7], sizes = [1], strides = [1]} : vector<16xi32> to vector<1xi32>
      %squeeze3A_981 = vector.extract %slice3A_980[0] : i32 from vector<1xi32>
      %broadcast_in_dim3A_982 = vector.broadcast %squeeze3A_981 : i32 to vector<16xi32>
      %mul3A_983 = arith.constant 16 : i32
      %mul3A_984 = arith.muli %scan3A_341, %mul3A_983 : i32
      %add3A_985 = arith.constant 7 : i32
      %add3A_986 = arith.addi %mul3A_984, %add3A_985 : i32
      %add3A_987 = arith.constant 0 : i32
      %add3A_988 = vector.broadcast %add3A_987 : i32 to vector<16xi32>
      %add3A_989 = arith.addi %add3A_988, %iota3A : vector<16xi32>
      %gather3A_990 = arith.constant 7 : i32
      %gather3A_991 = arith.constant 0 : i32
      %gather3A_992 = arith.constant 0 : i32
      %gather3A_993 = tpu.memref_slice %arg9[%rem3A_342, %gather3A_990, %gather3A_991, %gather3A_992] : memref<2x16x64x16xf32, #tpu.memory_space<vmem>> -> memref<1x1x64x16xf32, #tpu.memory_space<vmem>>
      %gather3A_994 = tpu.memref_squeeze %gather3A_993 : memref<1x1x64x16xf32, #tpu.memory_space<vmem>> -> memref<64x16xf32, #tpu.memory_space<vmem>>
      %gather3A_995 = tpu.vector_load_idx %gather3A_994[%add3A_989, %broadcast_in_dim3A_982] : memref<64x16xf32, #tpu.memory_space<vmem>>[vector<16xi32>, vector<16xi32>], vector<16xf32>,
      %swap3A_996 = arith.index_cast %add3A_986 : i32 to index
      %swap3A_997 = arith.constant 0 : index
      %swap3A_998 = tpu.vector_load %arg10[%swap3A_996, %swap3A_997] {strides = array<i32>} : memref<512x64xf32, #tpu.memory_space<vmem>>, vector<16xf32>,
      tpu.vector_store %arg10[%swap3A_996, %swap3A_997], %gather3A_995 {strides = array<i32>} : memref<512x64xf32, #tpu.memory_space<vmem>>, vector<16xf32>,
      %add3A_999 = arith.constant 16 : i32
      %add3A_1000 = vector.broadcast %add3A_999 : i32 to vector<16xi32>
      %add3A_1001 = arith.addi %add3A_1000, %iota3A : vector<16xi32>
      %gather3A_1002 = arith.constant 7 : i32
      %gather3A_1003 = arith.constant 0 : i32
      %gather3A_1004 = arith.constant 0 : i32
      %gather3A_1005 = tpu.memref_slice %arg9[%rem3A_342, %gather3A_1002, %gather3A_1003, %gather3A_1004] : memref<2x16x64x16xf32, #tpu.memory_space<vmem>> -> memref<1x1x64x16xf32, #tpu.memory_space<vmem>>
      %gather3A_1006 = tpu.memref_squeeze %gather3A_1005 : memref<1x1x64x16xf32, #tpu.memory_space<vmem>> -> memref<64x16xf32, #tpu.memory_space<vmem>>
      %gather3A_1007 = tpu.vector_load_idx %gather3A_1006[%add3A_1001, %broadcast_in_dim3A_982] : memref<64x16xf32, #tpu.memory_space<vmem>>[vector<16xi32>, vector<16xi32>], vector<16xf32>,
      %swap3A_1008 = arith.index_cast %add3A_986 : i32 to index
      %swap3A_1009 = arith.constant 16 : index
      %swap3A_1010 = tpu.vector_load %arg10[%swap3A_1008, %swap3A_1009] {strides = array<i32>} : memref<512x64xf32, #tpu.memory_space<vmem>>, vector<16xf32>,
      tpu.vector_store %arg10[%swap3A_1008, %swap3A_1009], %gather3A_1007 {strides = array<i32>} : memref<512x64xf32, #tpu.memory_space<vmem>>, vector<16xf32>,
      %add3A_1011 = arith.constant 32 : i32
      %add3A_1012 = vector.broadcast %add3A_1011 : i32 to vector<16xi32>
      %add3A_1013 = arith.addi %add3A_1012, %iota3A : vector<16xi32>
      %gather3A_1014 = arith.constant 7 : i32
      %gather3A_1015 = arith.constant 0 : i32
      %gather3A_1016 = arith.constant 0 : i32
      %gather3A_1017 = tpu.memref_slice %arg9[%rem3A_342, %gather3A_1014, %gather3A_1015, %gather3A_1016] : memref<2x16x64x16xf32, #tpu.memory_space<vmem>> -> memref<1x1x64x16xf32, #tpu.memory_space<vmem>>
      %gather3A_1018 = tpu.memref_squeeze %gather3A_1017 : memref<1x1x64x16xf32, #tpu.memory_space<vmem>> -> memref<64x16xf32, #tpu.memory_space<vmem>>
      %gather3A_1019 = tpu.vector_load_idx %gather3A_1018[%add3A_1013, %broadcast_in_dim3A_982] : memref<64x16xf32, #tpu.memory_space<vmem>>[vector<16xi32>, vector<16xi32>], vector<16xf32>,
      %swap3A_1020 = arith.index_cast %add3A_986 : i32 to index
      %swap3A_1021 = arith.constant 32 : index
      %swap3A_1022 = tpu.vector_load %arg10[%swap3A_1020, %swap3A_1021] {strides = array<i32>} : memref<512x64xf32, #tpu.memory_space<vmem>>, vector<16xf32>,
      tpu.vector_store %arg10[%swap3A_1020, %swap3A_1021], %gather3A_1019 {strides = array<i32>} : memref<512x64xf32, #tpu.memory_space<vmem>>, vector<16xf32>,
      %add3A_1023 = arith.constant 48 : i32
      %add3A_1024 = vector.broadcast %add3A_1023 : i32 to vector<16xi32>
      %add3A_1025 = arith.addi %add3A_1024, %iota3A : vector<16xi32>
      %gather3A_1026 = arith.constant 7 : i32
      %gather3A_1027 = arith.constant 0 : i32
      %gather3A_1028 = arith.constant 0 : i32
      %gather3A_1029 = tpu.memref_slice %arg9[%rem3A_342, %gather3A_1026, %gather3A_1027, %gather3A_1028] : memref<2x16x64x16xf32, #tpu.memory_space<vmem>> -> memref<1x1x64x16xf32, #tpu.memory_space<vmem>>
      %gather3A_1030 = tpu.memref_squeeze %gather3A_1029 : memref<1x1x64x16xf32, #tpu.memory_space<vmem>> -> memref<64x16xf32, #tpu.memory_space<vmem>>
      %gather3A_1031 = tpu.vector_load_idx %gather3A_1030[%add3A_1025, %broadcast_in_dim3A_982] : memref<64x16xf32, #tpu.memory_space<vmem>>[vector<16xi32>, vector<16xi32>], vector<16xf32>,
      %swap3A_1032 = arith.index_cast %add3A_986 : i32 to index
      %swap3A_1033 = arith.constant 48 : index
      %swap3A_1034 = tpu.vector_load %arg10[%swap3A_1032, %swap3A_1033] {strides = array<i32>} : memref<512x64xf32, #tpu.memory_space<vmem>>, vector<16xf32>,
      tpu.vector_store %arg10[%swap3A_1032, %swap3A_1033], %gather3A_1031 {strides = array<i32>} : memref<512x64xf32, #tpu.memory_space<vmem>>, vector<16xf32>,
      %slice3A_1035 = vector.extract_strided_slice %and3A_357 {offsets = [8], sizes = [1], strides = [1]} : vector<16xi32> to vector<1xi32>
      %squeeze3A_1036 = vector.extract %slice3A_1035[0] : i32 from vector<1xi32>
      %broadcast_in_dim3A_1037 = vector.broadcast %squeeze3A_1036 : i32 to vector<16xi32>
      %mul3A_1038 = arith.constant 16 : i32
      %mul3A_1039 = arith.muli %scan3A_341, %mul3A_1038 : i32
      %add3A_1040 = arith.constant 8 : i32
      %add3A_1041 = arith.addi %mul3A_1039, %add3A_1040 : i32
      %add3A_1042 = arith.constant 0 : i32
      %add3A_1043 = vector.broadcast %add3A_1042 : i32 to vector<16xi32>
      %add3A_1044 = arith.addi %add3A_1043, %iota3A : vector<16xi32>
      %gather3A_1045 = arith.constant 8 : i32
      %gather3A_1046 = arith.constant 0 : i32
      %gather3A_1047 = arith.constant 0 : i32
      %gather3A_1048 = tpu.memref_slice %arg9[%rem3A_342, %gather3A_1045, %gather3A_1046, %gather3A_1047] : memref<2x16x64x16xf32, #tpu.memory_space<vmem>> -> memref<1x1x64x16xf32, #tpu.memory_space<vmem>>
      %gather3A_1049 = tpu.memref_squeeze %gather3A_1048 : memref<1x1x64x16xf32, #tpu.memory_space<vmem>> -> memref<64x16xf32, #tpu.memory_space<vmem>>
      %gather3A_1050 = tpu.vector_load_idx %gather3A_1049[%add3A_1044, %broadcast_in_dim3A_1037] : memref<64x16xf32, #tpu.memory_space<vmem>>[vector<16xi32>, vector<16xi32>], vector<16xf32>,
      %swap3A_1051 = arith.index_cast %add3A_1041 : i32 to index
      %swap3A_1052 = arith.constant 0 : index
      %swap3A_1053 = tpu.vector_load %arg10[%swap3A_1051, %swap3A_1052] {strides = array<i32>} : memref<512x64xf32, #tpu.memory_space<vmem>>, vector<16xf32>,
      tpu.vector_store %arg10[%swap3A_1051, %swap3A_1052], %gather3A_1050 {strides = array<i32>} : memref<512x64xf32, #tpu.memory_space<vmem>>, vector<16xf32>,
      %add3A_1054 = arith.constant 16 : i32
      %add3A_1055 = vector.broadcast %add3A_1054 : i32 to vector<16xi32>
      %add3A_1056 = arith.addi %add3A_1055, %iota3A : vector<16xi32>
      %gather3A_1057 = arith.constant 8 : i32
      %gather3A_1058 = arith.constant 0 : i32
      %gather3A_1059 = arith.constant 0 : i32
      %gather3A_1060 = tpu.memref_slice %arg9[%rem3A_342, %gather3A_1057, %gather3A_1058, %gather3A_1059] : memref<2x16x64x16xf32, #tpu.memory_space<vmem>> -> memref<1x1x64x16xf32, #tpu.memory_space<vmem>>
      %gather3A_1061 = tpu.memref_squeeze %gather3A_1060 : memref<1x1x64x16xf32, #tpu.memory_space<vmem>> -> memref<64x16xf32, #tpu.memory_space<vmem>>
      %gather3A_1062 = tpu.vector_load_idx %gather3A_1061[%add3A_1056, %broadcast_in_dim3A_1037] : memref<64x16xf32, #tpu.memory_space<vmem>>[vector<16xi32>, vector<16xi32>], vector<16xf32>,
      %swap3A_1063 = arith.index_cast %add3A_1041 : i32 to index
      %swap3A_1064 = arith.constant 16 : index
      %swap3A_1065 = tpu.vector_load %arg10[%swap3A_1063, %swap3A_1064] {strides = array<i32>} : memref<512x64xf32, #tpu.memory_space<vmem>>, vector<16xf32>,
      tpu.vector_store %arg10[%swap3A_1063, %swap3A_1064], %gather3A_1062 {strides = array<i32>} : memref<512x64xf32, #tpu.memory_space<vmem>>, vector<16xf32>,
      %add3A_1066 = arith.constant 32 : i32
      %add3A_1067 = vector.broadcast %add3A_1066 : i32 to vector<16xi32>
      %add3A_1068 = arith.addi %add3A_1067, %iota3A : vector<16xi32>
      %gather3A_1069 = arith.constant 8 : i32
      %gather3A_1070 = arith.constant 0 : i32
      %gather3A_1071 = arith.constant 0 : i32
      %gather3A_1072 = tpu.memref_slice %arg9[%rem3A_342, %gather3A_1069, %gather3A_1070, %gather3A_1071] : memref<2x16x64x16xf32, #tpu.memory_space<vmem>> -> memref<1x1x64x16xf32, #tpu.memory_space<vmem>>
      %gather3A_1073 = tpu.memref_squeeze %gather3A_1072 : memref<1x1x64x16xf32, #tpu.memory_space<vmem>> -> memref<64x16xf32, #tpu.memory_space<vmem>>
      %gather3A_1074 = tpu.vector_load_idx %gather3A_1073[%add3A_1068, %broadcast_in_dim3A_1037] : memref<64x16xf32, #tpu.memory_space<vmem>>[vector<16xi32>, vector<16xi32>], vector<16xf32>,
      %swap3A_1075 = arith.index_cast %add3A_1041 : i32 to index
      %swap3A_1076 = arith.constant 32 : index
      %swap3A_1077 = tpu.vector_load %arg10[%swap3A_1075, %swap3A_1076] {strides = array<i32>} : memref<512x64xf32, #tpu.memory_space<vmem>>, vector<16xf32>,
      tpu.vector_store %arg10[%swap3A_1075, %swap3A_1076], %gather3A_1074 {strides = array<i32>} : memref<512x64xf32, #tpu.memory_space<vmem>>, vector<16xf32>,
      %add3A_1078 = arith.constant 48 : i32
      %add3A_1079 = vector.broadcast %add3A_1078 : i32 to vector<16xi32>
      %add3A_1080 = arith.addi %add3A_1079, %iota3A : vector<16xi32>
      %gather3A_1081 = arith.constant 8 : i32
      %gather3A_1082 = arith.constant 0 : i32
      %gather3A_1083 = arith.constant 0 : i32
      %gather3A_1084 = tpu.memref_slice %arg9[%rem3A_342, %gather3A_1081, %gather3A_1082, %gather3A_1083] : memref<2x16x64x16xf32, #tpu.memory_space<vmem>> -> memref<1x1x64x16xf32, #tpu.memory_space<vmem>>
      %gather3A_1085 = tpu.memref_squeeze %gather3A_1084 : memref<1x1x64x16xf32, #tpu.memory_space<vmem>> -> memref<64x16xf32, #tpu.memory_space<vmem>>
      %gather3A_1086 = tpu.vector_load_idx %gather3A_1085[%add3A_1080, %broadcast_in_dim3A_1037] : memref<64x16xf32, #tpu.memory_space<vmem>>[vector<16xi32>, vector<16xi32>], vector<16xf32>,
      %swap3A_1087 = arith.index_cast %add3A_1041 : i32 to index
      %swap3A_1088 = arith.constant 48 : index
      %swap3A_1089 = tpu.vector_load %arg10[%swap3A_1087, %swap3A_1088] {strides = array<i32>} : memref<512x64xf32, #tpu.memory_space<vmem>>, vector<16xf32>,
      tpu.vector_store %arg10[%swap3A_1087, %swap3A_1088], %gather3A_1086 {strides = array<i32>} : memref<512x64xf32, #tpu.memory_space<vmem>>, vector<16xf32>,
      %slice3A_1090 = vector.extract_strided_slice %and3A_357 {offsets = [9], sizes = [1], strides = [1]} : vector<16xi32> to vector<1xi32>
      %squeeze3A_1091 = vector.extract %slice3A_1090[0] : i32 from vector<1xi32>
      %broadcast_in_dim3A_1092 = vector.broadcast %squeeze3A_1091 : i32 to vector<16xi32>
      %mul3A_1093 = arith.constant 16 : i32
      %mul3A_1094 = arith.muli %scan3A_341, %mul3A_1093 : i32
      %add3A_1095 = arith.constant 9 : i32
      %add3A_1096 = arith.addi %mul3A_1094, %add3A_1095 : i32
      %add3A_1097 = arith.constant 0 : i32
      %add3A_1098 = vector.broadcast %add3A_1097 : i32 to vector<16xi32>
      %add3A_1099 = arith.addi %add3A_1098, %iota3A : vector<16xi32>
      %gather3A_1100 = arith.constant 9 : i32
      %gather3A_1101 = arith.constant 0 : i32
      %gather3A_1102 = arith.constant 0 : i32
      %gather3A_1103 = tpu.memref_slice %arg9[%rem3A_342, %gather3A_1100, %gather3A_1101, %gather3A_1102] : memref<2x16x64x16xf32, #tpu.memory_space<vmem>> -> memref<1x1x64x16xf32, #tpu.memory_space<vmem>>
      %gather3A_1104 = tpu.memref_squeeze %gather3A_1103 : memref<1x1x64x16xf32, #tpu.memory_space<vmem>> -> memref<64x16xf32, #tpu.memory_space<vmem>>
      %gather3A_1105 = tpu.vector_load_idx %gather3A_1104[%add3A_1099, %broadcast_in_dim3A_1092] : memref<64x16xf32, #tpu.memory_space<vmem>>[vector<16xi32>, vector<16xi32>], vector<16xf32>,
      %swap3A_1106 = arith.index_cast %add3A_1096 : i32 to index
      %swap3A_1107 = arith.constant 0 : index
      %swap3A_1108 = tpu.vector_load %arg10[%swap3A_1106, %swap3A_1107] {strides = array<i32>} : memref<512x64xf32, #tpu.memory_space<vmem>>, vector<16xf32>,
      tpu.vector_store %arg10[%swap3A_1106, %swap3A_1107], %gather3A_1105 {strides = array<i32>} : memref<512x64xf32, #tpu.memory_space<vmem>>, vector<16xf32>,
      %add3A_1109 = arith.constant 16 : i32
      %add3A_1110 = vector.broadcast %add3A_1109 : i32 to vector<16xi32>
      %add3A_1111 = arith.addi %add3A_1110, %iota3A : vector<16xi32>
      %gather3A_1112 = arith.constant 9 : i32
      %gather3A_1113 = arith.constant 0 : i32
      %gather3A_1114 = arith.constant 0 : i32
      %gather3A_1115 = tpu.memref_slice %arg9[%rem3A_342, %gather3A_1112, %gather3A_1113, %gather3A_1114] : memref<2x16x64x16xf32, #tpu.memory_space<vmem>> -> memref<1x1x64x16xf32, #tpu.memory_space<vmem>>
      %gather3A_1116 = tpu.memref_squeeze %gather3A_1115 : memref<1x1x64x16xf32, #tpu.memory_space<vmem>> -> memref<64x16xf32, #tpu.memory_space<vmem>>
      %gather3A_1117 = tpu.vector_load_idx %gather3A_1116[%add3A_1111, %broadcast_in_dim3A_1092] : memref<64x16xf32, #tpu.memory_space<vmem>>[vector<16xi32>, vector<16xi32>], vector<16xf32>,
      %swap3A_1118 = arith.index_cast %add3A_1096 : i32 to index
      %swap3A_1119 = arith.constant 16 : index
      %swap3A_1120 = tpu.vector_load %arg10[%swap3A_1118, %swap3A_1119] {strides = array<i32>} : memref<512x64xf32, #tpu.memory_space<vmem>>, vector<16xf32>,
      tpu.vector_store %arg10[%swap3A_1118, %swap3A_1119], %gather3A_1117 {strides = array<i32>} : memref<512x64xf32, #tpu.memory_space<vmem>>, vector<16xf32>,
      %add3A_1121 = arith.constant 32 : i32
      %add3A_1122 = vector.broadcast %add3A_1121 : i32 to vector<16xi32>
      %add3A_1123 = arith.addi %add3A_1122, %iota3A : vector<16xi32>
      %gather3A_1124 = arith.constant 9 : i32
      %gather3A_1125 = arith.constant 0 : i32
      %gather3A_1126 = arith.constant 0 : i32
      %gather3A_1127 = tpu.memref_slice %arg9[%rem3A_342, %gather3A_1124, %gather3A_1125, %gather3A_1126] : memref<2x16x64x16xf32, #tpu.memory_space<vmem>> -> memref<1x1x64x16xf32, #tpu.memory_space<vmem>>
      %gather3A_1128 = tpu.memref_squeeze %gather3A_1127 : memref<1x1x64x16xf32, #tpu.memory_space<vmem>> -> memref<64x16xf32, #tpu.memory_space<vmem>>
      %gather3A_1129 = tpu.vector_load_idx %gather3A_1128[%add3A_1123, %broadcast_in_dim3A_1092] : memref<64x16xf32, #tpu.memory_space<vmem>>[vector<16xi32>, vector<16xi32>], vector<16xf32>,
      %swap3A_1130 = arith.index_cast %add3A_1096 : i32 to index
      %swap3A_1131 = arith.constant 32 : index
      %swap3A_1132 = tpu.vector_load %arg10[%swap3A_1130, %swap3A_1131] {strides = array<i32>} : memref<512x64xf32, #tpu.memory_space<vmem>>, vector<16xf32>,
      tpu.vector_store %arg10[%swap3A_1130, %swap3A_1131], %gather3A_1129 {strides = array<i32>} : memref<512x64xf32, #tpu.memory_space<vmem>>, vector<16xf32>,
      %add3A_1133 = arith.constant 48 : i32
      %add3A_1134 = vector.broadcast %add3A_1133 : i32 to vector<16xi32>
      %add3A_1135 = arith.addi %add3A_1134, %iota3A : vector<16xi32>
      %gather3A_1136 = arith.constant 9 : i32
      %gather3A_1137 = arith.constant 0 : i32
      %gather3A_1138 = arith.constant 0 : i32
      %gather3A_1139 = tpu.memref_slice %arg9[%rem3A_342, %gather3A_1136, %gather3A_1137, %gather3A_1138] : memref<2x16x64x16xf32, #tpu.memory_space<vmem>> -> memref<1x1x64x16xf32, #tpu.memory_space<vmem>>
      %gather3A_1140 = tpu.memref_squeeze %gather3A_1139 : memref<1x1x64x16xf32, #tpu.memory_space<vmem>> -> memref<64x16xf32, #tpu.memory_space<vmem>>
      %gather3A_1141 = tpu.vector_load_idx %gather3A_1140[%add3A_1135, %broadcast_in_dim3A_1092] : memref<64x16xf32, #tpu.memory_space<vmem>>[vector<16xi32>, vector<16xi32>], vector<16xf32>,
      %swap3A_1142 = arith.index_cast %add3A_1096 : i32 to index
      %swap3A_1143 = arith.constant 48 : index
      %swap3A_1144 = tpu.vector_load %arg10[%swap3A_1142, %swap3A_1143] {strides = array<i32>} : memref<512x64xf32, #tpu.memory_space<vmem>>, vector<16xf32>,
      tpu.vector_store %arg10[%swap3A_1142, %swap3A_1143], %gather3A_1141 {strides = array<i32>} : memref<512x64xf32, #tpu.memory_space<vmem>>, vector<16xf32>,
      %slice3A_1145 = vector.extract_strided_slice %and3A_357 {offsets = [10], sizes = [1], strides = [1]} : vector<16xi32> to vector<1xi32>
      %squeeze3A_1146 = vector.extract %slice3A_1145[0] : i32 from vector<1xi32>
      %broadcast_in_dim3A_1147 = vector.broadcast %squeeze3A_1146 : i32 to vector<16xi32>
      %mul3A_1148 = arith.constant 16 : i32
      %mul3A_1149 = arith.muli %scan3A_341, %mul3A_1148 : i32
      %add3A_1150 = arith.constant 10 : i32
      %add3A_1151 = arith.addi %mul3A_1149, %add3A_1150 : i32
      %add3A_1152 = arith.constant 0 : i32
      %add3A_1153 = vector.broadcast %add3A_1152 : i32 to vector<16xi32>
      %add3A_1154 = arith.addi %add3A_1153, %iota3A : vector<16xi32>
      %gather3A_1155 = arith.constant 10 : i32
      %gather3A_1156 = arith.constant 0 : i32
      %gather3A_1157 = arith.constant 0 : i32
      %gather3A_1158 = tpu.memref_slice %arg9[%rem3A_342, %gather3A_1155, %gather3A_1156, %gather3A_1157] : memref<2x16x64x16xf32, #tpu.memory_space<vmem>> -> memref<1x1x64x16xf32, #tpu.memory_space<vmem>>
      %gather3A_1159 = tpu.memref_squeeze %gather3A_1158 : memref<1x1x64x16xf32, #tpu.memory_space<vmem>> -> memref<64x16xf32, #tpu.memory_space<vmem>>
      %gather3A_1160 = tpu.vector_load_idx %gather3A_1159[%add3A_1154, %broadcast_in_dim3A_1147] : memref<64x16xf32, #tpu.memory_space<vmem>>[vector<16xi32>, vector<16xi32>], vector<16xf32>,
      %swap3A_1161 = arith.index_cast %add3A_1151 : i32 to index
      %swap3A_1162 = arith.constant 0 : index
      %swap3A_1163 = tpu.vector_load %arg10[%swap3A_1161, %swap3A_1162] {strides = array<i32>} : memref<512x64xf32, #tpu.memory_space<vmem>>, vector<16xf32>,
      tpu.vector_store %arg10[%swap3A_1161, %swap3A_1162], %gather3A_1160 {strides = array<i32>} : memref<512x64xf32, #tpu.memory_space<vmem>>, vector<16xf32>,
      %add3A_1164 = arith.constant 16 : i32
      %add3A_1165 = vector.broadcast %add3A_1164 : i32 to vector<16xi32>
      %add3A_1166 = arith.addi %add3A_1165, %iota3A : vector<16xi32>
      %gather3A_1167 = arith.constant 10 : i32
      %gather3A_1168 = arith.constant 0 : i32
      %gather3A_1169 = arith.constant 0 : i32
      %gather3A_1170 = tpu.memref_slice %arg9[%rem3A_342, %gather3A_1167, %gather3A_1168, %gather3A_1169] : memref<2x16x64x16xf32, #tpu.memory_space<vmem>> -> memref<1x1x64x16xf32, #tpu.memory_space<vmem>>
      %gather3A_1171 = tpu.memref_squeeze %gather3A_1170 : memref<1x1x64x16xf32, #tpu.memory_space<vmem>> -> memref<64x16xf32, #tpu.memory_space<vmem>>
      %gather3A_1172 = tpu.vector_load_idx %gather3A_1171[%add3A_1166, %broadcast_in_dim3A_1147] : memref<64x16xf32, #tpu.memory_space<vmem>>[vector<16xi32>, vector<16xi32>], vector<16xf32>,
      %swap3A_1173 = arith.index_cast %add3A_1151 : i32 to index
      %swap3A_1174 = arith.constant 16 : index
      %swap3A_1175 = tpu.vector_load %arg10[%swap3A_1173, %swap3A_1174] {strides = array<i32>} : memref<512x64xf32, #tpu.memory_space<vmem>>, vector<16xf32>,
      tpu.vector_store %arg10[%swap3A_1173, %swap3A_1174], %gather3A_1172 {strides = array<i32>} : memref<512x64xf32, #tpu.memory_space<vmem>>, vector<16xf32>,
      %add3A_1176 = arith.constant 32 : i32
      %add3A_1177 = vector.broadcast %add3A_1176 : i32 to vector<16xi32>
      %add3A_1178 = arith.addi %add3A_1177, %iota3A : vector<16xi32>
      %gather3A_1179 = arith.constant 10 : i32
      %gather3A_1180 = arith.constant 0 : i32
      %gather3A_1181 = arith.constant 0 : i32
      %gather3A_1182 = tpu.memref_slice %arg9[%rem3A_342, %gather3A_1179, %gather3A_1180, %gather3A_1181] : memref<2x16x64x16xf32, #tpu.memory_space<vmem>> -> memref<1x1x64x16xf32, #tpu.memory_space<vmem>>
      %gather3A_1183 = tpu.memref_squeeze %gather3A_1182 : memref<1x1x64x16xf32, #tpu.memory_space<vmem>> -> memref<64x16xf32, #tpu.memory_space<vmem>>
      %gather3A_1184 = tpu.vector_load_idx %gather3A_1183[%add3A_1178, %broadcast_in_dim3A_1147] : memref<64x16xf32, #tpu.memory_space<vmem>>[vector<16xi32>, vector<16xi32>], vector<16xf32>,
      %swap3A_1185 = arith.index_cast %add3A_1151 : i32 to index
      %swap3A_1186 = arith.constant 32 : index
      %swap3A_1187 = tpu.vector_load %arg10[%swap3A_1185, %swap3A_1186] {strides = array<i32>} : memref<512x64xf32, #tpu.memory_space<vmem>>, vector<16xf32>,
      tpu.vector_store %arg10[%swap3A_1185, %swap3A_1186], %gather3A_1184 {strides = array<i32>} : memref<512x64xf32, #tpu.memory_space<vmem>>, vector<16xf32>,
      %add3A_1188 = arith.constant 48 : i32
      %add3A_1189 = vector.broadcast %add3A_1188 : i32 to vector<16xi32>
      %add3A_1190 = arith.addi %add3A_1189, %iota3A : vector<16xi32>
      %gather3A_1191 = arith.constant 10 : i32
      %gather3A_1192 = arith.constant 0 : i32
      %gather3A_1193 = arith.constant 0 : i32
      %gather3A_1194 = tpu.memref_slice %arg9[%rem3A_342, %gather3A_1191, %gather3A_1192, %gather3A_1193] : memref<2x16x64x16xf32, #tpu.memory_space<vmem>> -> memref<1x1x64x16xf32, #tpu.memory_space<vmem>>
      %gather3A_1195 = tpu.memref_squeeze %gather3A_1194 : memref<1x1x64x16xf32, #tpu.memory_space<vmem>> -> memref<64x16xf32, #tpu.memory_space<vmem>>
      %gather3A_1196 = tpu.vector_load_idx %gather3A_1195[%add3A_1190, %broadcast_in_dim3A_1147] : memref<64x16xf32, #tpu.memory_space<vmem>>[vector<16xi32>, vector<16xi32>], vector<16xf32>,
      %swap3A_1197 = arith.index_cast %add3A_1151 : i32 to index
      %swap3A_1198 = arith.constant 48 : index
      %swap3A_1199 = tpu.vector_load %arg10[%swap3A_1197, %swap3A_1198] {strides = array<i32>} : memref<512x64xf32, #tpu.memory_space<vmem>>, vector<16xf32>,
      tpu.vector_store %arg10[%swap3A_1197, %swap3A_1198], %gather3A_1196 {strides = array<i32>} : memref<512x64xf32, #tpu.memory_space<vmem>>, vector<16xf32>,
      %slice3A_1200 = vector.extract_strided_slice %and3A_357 {offsets = [11], sizes = [1], strides = [1]} : vector<16xi32> to vector<1xi32>
      %squeeze3A_1201 = vector.extract %slice3A_1200[0] : i32 from vector<1xi32>
      %broadcast_in_dim3A_1202 = vector.broadcast %squeeze3A_1201 : i32 to vector<16xi32>
      %mul3A_1203 = arith.constant 16 : i32
      %mul3A_1204 = arith.muli %scan3A_341, %mul3A_1203 : i32
      %add3A_1205 = arith.constant 11 : i32
      %add3A_1206 = arith.addi %mul3A_1204, %add3A_1205 : i32
      %add3A_1207 = arith.constant 0 : i32
      %add3A_1208 = vector.broadcast %add3A_1207 : i32 to vector<16xi32>
      %add3A_1209 = arith.addi %add3A_1208, %iota3A : vector<16xi32>
      %gather3A_1210 = arith.constant 11 : i32
      %gather3A_1211 = arith.constant 0 : i32
      %gather3A_1212 = arith.constant 0 : i32
      %gather3A_1213 = tpu.memref_slice %arg9[%rem3A_342, %gather3A_1210, %gather3A_1211, %gather3A_1212] : memref<2x16x64x16xf32, #tpu.memory_space<vmem>> -> memref<1x1x64x16xf32, #tpu.memory_space<vmem>>
      %gather3A_1214 = tpu.memref_squeeze %gather3A_1213 : memref<1x1x64x16xf32, #tpu.memory_space<vmem>> -> memref<64x16xf32, #tpu.memory_space<vmem>>
      %gather3A_1215 = tpu.vector_load_idx %gather3A_1214[%add3A_1209, %broadcast_in_dim3A_1202] : memref<64x16xf32, #tpu.memory_space<vmem>>[vector<16xi32>, vector<16xi32>], vector<16xf32>,
      %swap3A_1216 = arith.index_cast %add3A_1206 : i32 to index
      %swap3A_1217 = arith.constant 0 : index
      %swap3A_1218 = tpu.vector_load %arg10[%swap3A_1216, %swap3A_1217] {strides = array<i32>} : memref<512x64xf32, #tpu.memory_space<vmem>>, vector<16xf32>,
      tpu.vector_store %arg10[%swap3A_1216, %swap3A_1217], %gather3A_1215 {strides = array<i32>} : memref<512x64xf32, #tpu.memory_space<vmem>>, vector<16xf32>,
      %add3A_1219 = arith.constant 16 : i32
      %add3A_1220 = vector.broadcast %add3A_1219 : i32 to vector<16xi32>
      %add3A_1221 = arith.addi %add3A_1220, %iota3A : vector<16xi32>
      %gather3A_1222 = arith.constant 11 : i32
      %gather3A_1223 = arith.constant 0 : i32
      %gather3A_1224 = arith.constant 0 : i32
      %gather3A_1225 = tpu.memref_slice %arg9[%rem3A_342, %gather3A_1222, %gather3A_1223, %gather3A_1224] : memref<2x16x64x16xf32, #tpu.memory_space<vmem>> -> memref<1x1x64x16xf32, #tpu.memory_space<vmem>>
      %gather3A_1226 = tpu.memref_squeeze %gather3A_1225 : memref<1x1x64x16xf32, #tpu.memory_space<vmem>> -> memref<64x16xf32, #tpu.memory_space<vmem>>
      %gather3A_1227 = tpu.vector_load_idx %gather3A_1226[%add3A_1221, %broadcast_in_dim3A_1202] : memref<64x16xf32, #tpu.memory_space<vmem>>[vector<16xi32>, vector<16xi32>], vector<16xf32>,
      %swap3A_1228 = arith.index_cast %add3A_1206 : i32 to index
      %swap3A_1229 = arith.constant 16 : index
      %swap3A_1230 = tpu.vector_load %arg10[%swap3A_1228, %swap3A_1229] {strides = array<i32>} : memref<512x64xf32, #tpu.memory_space<vmem>>, vector<16xf32>,
      tpu.vector_store %arg10[%swap3A_1228, %swap3A_1229], %gather3A_1227 {strides = array<i32>} : memref<512x64xf32, #tpu.memory_space<vmem>>, vector<16xf32>,
      %add3A_1231 = arith.constant 32 : i32
      %add3A_1232 = vector.broadcast %add3A_1231 : i32 to vector<16xi32>
      %add3A_1233 = arith.addi %add3A_1232, %iota3A : vector<16xi32>
      %gather3A_1234 = arith.constant 11 : i32
      %gather3A_1235 = arith.constant 0 : i32
      %gather3A_1236 = arith.constant 0 : i32
      %gather3A_1237 = tpu.memref_slice %arg9[%rem3A_342, %gather3A_1234, %gather3A_1235, %gather3A_1236] : memref<2x16x64x16xf32, #tpu.memory_space<vmem>> -> memref<1x1x64x16xf32, #tpu.memory_space<vmem>>
      %gather3A_1238 = tpu.memref_squeeze %gather3A_1237 : memref<1x1x64x16xf32, #tpu.memory_space<vmem>> -> memref<64x16xf32, #tpu.memory_space<vmem>>
      %gather3A_1239 = tpu.vector_load_idx %gather3A_1238[%add3A_1233, %broadcast_in_dim3A_1202] : memref<64x16xf32, #tpu.memory_space<vmem>>[vector<16xi32>, vector<16xi32>], vector<16xf32>,
      %swap3A_1240 = arith.index_cast %add3A_1206 : i32 to index
      %swap3A_1241 = arith.constant 32 : index
      %swap3A_1242 = tpu.vector_load %arg10[%swap3A_1240, %swap3A_1241] {strides = array<i32>} : memref<512x64xf32, #tpu.memory_space<vmem>>, vector<16xf32>,
      tpu.vector_store %arg10[%swap3A_1240, %swap3A_1241], %gather3A_1239 {strides = array<i32>} : memref<512x64xf32, #tpu.memory_space<vmem>>, vector<16xf32>,
      %add3A_1243 = arith.constant 48 : i32
      %add3A_1244 = vector.broadcast %add3A_1243 : i32 to vector<16xi32>
      %add3A_1245 = arith.addi %add3A_1244, %iota3A : vector<16xi32>
      %gather3A_1246 = arith.constant 11 : i32
      %gather3A_1247 = arith.constant 0 : i32
      %gather3A_1248 = arith.constant 0 : i32
      %gather3A_1249 = tpu.memref_slice %arg9[%rem3A_342, %gather3A_1246, %gather3A_1247, %gather3A_1248] : memref<2x16x64x16xf32, #tpu.memory_space<vmem>> -> memref<1x1x64x16xf32, #tpu.memory_space<vmem>>
      %gather3A_1250 = tpu.memref_squeeze %gather3A_1249 : memref<1x1x64x16xf32, #tpu.memory_space<vmem>> -> memref<64x16xf32, #tpu.memory_space<vmem>>
      %gather3A_1251 = tpu.vector_load_idx %gather3A_1250[%add3A_1245, %broadcast_in_dim3A_1202] : memref<64x16xf32, #tpu.memory_space<vmem>>[vector<16xi32>, vector<16xi32>], vector<16xf32>,
      %swap3A_1252 = arith.index_cast %add3A_1206 : i32 to index
      %swap3A_1253 = arith.constant 48 : index
      %swap3A_1254 = tpu.vector_load %arg10[%swap3A_1252, %swap3A_1253] {strides = array<i32>} : memref<512x64xf32, #tpu.memory_space<vmem>>, vector<16xf32>,
      tpu.vector_store %arg10[%swap3A_1252, %swap3A_1253], %gather3A_1251 {strides = array<i32>} : memref<512x64xf32, #tpu.memory_space<vmem>>, vector<16xf32>,
      %slice3A_1255 = vector.extract_strided_slice %and3A_357 {offsets = [12], sizes = [1], strides = [1]} : vector<16xi32> to vector<1xi32>
      %squeeze3A_1256 = vector.extract %slice3A_1255[0] : i32 from vector<1xi32>
      %broadcast_in_dim3A_1257 = vector.broadcast %squeeze3A_1256 : i32 to vector<16xi32>
      %mul3A_1258 = arith.constant 16 : i32
      %mul3A_1259 = arith.muli %scan3A_341, %mul3A_1258 : i32
      %add3A_1260 = arith.constant 12 : i32
      %add3A_1261 = arith.addi %mul3A_1259, %add3A_1260 : i32
      %add3A_1262 = arith.constant 0 : i32
      %add3A_1263 = vector.broadcast %add3A_1262 : i32 to vector<16xi32>
      %add3A_1264 = arith.addi %add3A_1263, %iota3A : vector<16xi32>
      %gather3A_1265 = arith.constant 12 : i32
      %gather3A_1266 = arith.constant 0 : i32
      %gather3A_1267 = arith.constant 0 : i32
      %gather3A_1268 = tpu.memref_slice %arg9[%rem3A_342, %gather3A_1265, %gather3A_1266, %gather3A_1267] : memref<2x16x64x16xf32, #tpu.memory_space<vmem>> -> memref<1x1x64x16xf32, #tpu.memory_space<vmem>>
      %gather3A_1269 = tpu.memref_squeeze %gather3A_1268 : memref<1x1x64x16xf32, #tpu.memory_space<vmem>> -> memref<64x16xf32, #tpu.memory_space<vmem>>
      %gather3A_1270 = tpu.vector_load_idx %gather3A_1269[%add3A_1264, %broadcast_in_dim3A_1257] : memref<64x16xf32, #tpu.memory_space<vmem>>[vector<16xi32>, vector<16xi32>], vector<16xf32>,
      %swap3A_1271 = arith.index_cast %add3A_1261 : i32 to index
      %swap3A_1272 = arith.constant 0 : index
      %swap3A_1273 = tpu.vector_load %arg10[%swap3A_1271, %swap3A_1272] {strides = array<i32>} : memref<512x64xf32, #tpu.memory_space<vmem>>, vector<16xf32>,
      tpu.vector_store %arg10[%swap3A_1271, %swap3A_1272], %gather3A_1270 {strides = array<i32>} : memref<512x64xf32, #tpu.memory_space<vmem>>, vector<16xf32>,
      %add3A_1274 = arith.constant 16 : i32
      %add3A_1275 = vector.broadcast %add3A_1274 : i32 to vector<16xi32>
      %add3A_1276 = arith.addi %add3A_1275, %iota3A : vector<16xi32>
      %gather3A_1277 = arith.constant 12 : i32
      %gather3A_1278 = arith.constant 0 : i32
      %gather3A_1279 = arith.constant 0 : i32
      %gather3A_1280 = tpu.memref_slice %arg9[%rem3A_342, %gather3A_1277, %gather3A_1278, %gather3A_1279] : memref<2x16x64x16xf32, #tpu.memory_space<vmem>> -> memref<1x1x64x16xf32, #tpu.memory_space<vmem>>
      %gather3A_1281 = tpu.memref_squeeze %gather3A_1280 : memref<1x1x64x16xf32, #tpu.memory_space<vmem>> -> memref<64x16xf32, #tpu.memory_space<vmem>>
      %gather3A_1282 = tpu.vector_load_idx %gather3A_1281[%add3A_1276, %broadcast_in_dim3A_1257] : memref<64x16xf32, #tpu.memory_space<vmem>>[vector<16xi32>, vector<16xi32>], vector<16xf32>,
      %swap3A_1283 = arith.index_cast %add3A_1261 : i32 to index
      %swap3A_1284 = arith.constant 16 : index
      %swap3A_1285 = tpu.vector_load %arg10[%swap3A_1283, %swap3A_1284] {strides = array<i32>} : memref<512x64xf32, #tpu.memory_space<vmem>>, vector<16xf32>,
      tpu.vector_store %arg10[%swap3A_1283, %swap3A_1284], %gather3A_1282 {strides = array<i32>} : memref<512x64xf32, #tpu.memory_space<vmem>>, vector<16xf32>,
      %add3A_1286 = arith.constant 32 : i32
      %add3A_1287 = vector.broadcast %add3A_1286 : i32 to vector<16xi32>
      %add3A_1288 = arith.addi %add3A_1287, %iota3A : vector<16xi32>
      %gather3A_1289 = arith.constant 12 : i32
      %gather3A_1290 = arith.constant 0 : i32
      %gather3A_1291 = arith.constant 0 : i32
      %gather3A_1292 = tpu.memref_slice %arg9[%rem3A_342, %gather3A_1289, %gather3A_1290, %gather3A_1291] : memref<2x16x64x16xf32, #tpu.memory_space<vmem>> -> memref<1x1x64x16xf32, #tpu.memory_space<vmem>>
      %gather3A_1293 = tpu.memref_squeeze %gather3A_1292 : memref<1x1x64x16xf32, #tpu.memory_space<vmem>> -> memref<64x16xf32, #tpu.memory_space<vmem>>
      %gather3A_1294 = tpu.vector_load_idx %gather3A_1293[%add3A_1288, %broadcast_in_dim3A_1257] : memref<64x16xf32, #tpu.memory_space<vmem>>[vector<16xi32>, vector<16xi32>], vector<16xf32>,
      %swap3A_1295 = arith.index_cast %add3A_1261 : i32 to index
      %swap3A_1296 = arith.constant 32 : index
      %swap3A_1297 = tpu.vector_load %arg10[%swap3A_1295, %swap3A_1296] {strides = array<i32>} : memref<512x64xf32, #tpu.memory_space<vmem>>, vector<16xf32>,
      tpu.vector_store %arg10[%swap3A_1295, %swap3A_1296], %gather3A_1294 {strides = array<i32>} : memref<512x64xf32, #tpu.memory_space<vmem>>, vector<16xf32>,
      %add3A_1298 = arith.constant 48 : i32
      %add3A_1299 = vector.broadcast %add3A_1298 : i32 to vector<16xi32>
      %add3A_1300 = arith.addi %add3A_1299, %iota3A : vector<16xi32>
      %gather3A_1301 = arith.constant 12 : i32
      %gather3A_1302 = arith.constant 0 : i32
      %gather3A_1303 = arith.constant 0 : i32
      %gather3A_1304 = tpu.memref_slice %arg9[%rem3A_342, %gather3A_1301, %gather3A_1302, %gather3A_1303] : memref<2x16x64x16xf32, #tpu.memory_space<vmem>> -> memref<1x1x64x16xf32, #tpu.memory_space<vmem>>
      %gather3A_1305 = tpu.memref_squeeze %gather3A_1304 : memref<1x1x64x16xf32, #tpu.memory_space<vmem>> -> memref<64x16xf32, #tpu.memory_space<vmem>>
      %gather3A_1306 = tpu.vector_load_idx %gather3A_1305[%add3A_1300, %broadcast_in_dim3A_1257] : memref<64x16xf32, #tpu.memory_space<vmem>>[vector<16xi32>, vector<16xi32>], vector<16xf32>,
      %swap3A_1307 = arith.index_cast %add3A_1261 : i32 to index
      %swap3A_1308 = arith.constant 48 : index
      %swap3A_1309 = tpu.vector_load %arg10[%swap3A_1307, %swap3A_1308] {strides = array<i32>} : memref<512x64xf32, #tpu.memory_space<vmem>>, vector<16xf32>,
      tpu.vector_store %arg10[%swap3A_1307, %swap3A_1308], %gather3A_1306 {strides = array<i32>} : memref<512x64xf32, #tpu.memory_space<vmem>>, vector<16xf32>,
      %slice3A_1310 = vector.extract_strided_slice %and3A_357 {offsets = [13], sizes = [1], strides = [1]} : vector<16xi32> to vector<1xi32>
      %squeeze3A_1311 = vector.extract %slice3A_1310[0] : i32 from vector<1xi32>
      %broadcast_in_dim3A_1312 = vector.broadcast %squeeze3A_1311 : i32 to vector<16xi32>
      %mul3A_1313 = arith.constant 16 : i32
      %mul3A_1314 = arith.muli %scan3A_341, %mul3A_1313 : i32
      %add3A_1315 = arith.constant 13 : i32
      %add3A_1316 = arith.addi %mul3A_1314, %add3A_1315 : i32
      %add3A_1317 = arith.constant 0 : i32
      %add3A_1318 = vector.broadcast %add3A_1317 : i32 to vector<16xi32>
      %add3A_1319 = arith.addi %add3A_1318, %iota3A : vector<16xi32>
      %gather3A_1320 = arith.constant 13 : i32
      %gather3A_1321 = arith.constant 0 : i32
      %gather3A_1322 = arith.constant 0 : i32
      %gather3A_1323 = tpu.memref_slice %arg9[%rem3A_342, %gather3A_1320, %gather3A_1321, %gather3A_1322] : memref<2x16x64x16xf32, #tpu.memory_space<vmem>> -> memref<1x1x64x16xf32, #tpu.memory_space<vmem>>
      %gather3A_1324 = tpu.memref_squeeze %gather3A_1323 : memref<1x1x64x16xf32, #tpu.memory_space<vmem>> -> memref<64x16xf32, #tpu.memory_space<vmem>>
      %gather3A_1325 = tpu.vector_load_idx %gather3A_1324[%add3A_1319, %broadcast_in_dim3A_1312] : memref<64x16xf32, #tpu.memory_space<vmem>>[vector<16xi32>, vector<16xi32>], vector<16xf32>,
      %swap3A_1326 = arith.index_cast %add3A_1316 : i32 to index
      %swap3A_1327 = arith.constant 0 : index
      %swap3A_1328 = tpu.vector_load %arg10[%swap3A_1326, %swap3A_1327] {strides = array<i32>} : memref<512x64xf32, #tpu.memory_space<vmem>>, vector<16xf32>,
      tpu.vector_store %arg10[%swap3A_1326, %swap3A_1327], %gather3A_1325 {strides = array<i32>} : memref<512x64xf32, #tpu.memory_space<vmem>>, vector<16xf32>,
      %add3A_1329 = arith.constant 16 : i32
      %add3A_1330 = vector.broadcast %add3A_1329 : i32 to vector<16xi32>
      %add3A_1331 = arith.addi %add3A_1330, %iota3A : vector<16xi32>
      %gather3A_1332 = arith.constant 13 : i32
      %gather3A_1333 = arith.constant 0 : i32
      %gather3A_1334 = arith.constant 0 : i32
      %gather3A_1335 = tpu.memref_slice %arg9[%rem3A_342, %gather3A_1332, %gather3A_1333, %gather3A_1334] : memref<2x16x64x16xf32, #tpu.memory_space<vmem>> -> memref<1x1x64x16xf32, #tpu.memory_space<vmem>>
      %gather3A_1336 = tpu.memref_squeeze %gather3A_1335 : memref<1x1x64x16xf32, #tpu.memory_space<vmem>> -> memref<64x16xf32, #tpu.memory_space<vmem>>
      %gather3A_1337 = tpu.vector_load_idx %gather3A_1336[%add3A_1331, %broadcast_in_dim3A_1312] : memref<64x16xf32, #tpu.memory_space<vmem>>[vector<16xi32>, vector<16xi32>], vector<16xf32>,
      %swap3A_1338 = arith.index_cast %add3A_1316 : i32 to index
      %swap3A_1339 = arith.constant 16 : index
      %swap3A_1340 = tpu.vector_load %arg10[%swap3A_1338, %swap3A_1339] {strides = array<i32>} : memref<512x64xf32, #tpu.memory_space<vmem>>, vector<16xf32>,
      tpu.vector_store %arg10[%swap3A_1338, %swap3A_1339], %gather3A_1337 {strides = array<i32>} : memref<512x64xf32, #tpu.memory_space<vmem>>, vector<16xf32>,
      %add3A_1341 = arith.constant 32 : i32
      %add3A_1342 = vector.broadcast %add3A_1341 : i32 to vector<16xi32>
      %add3A_1343 = arith.addi %add3A_1342, %iota3A : vector<16xi32>
      %gather3A_1344 = arith.constant 13 : i32
      %gather3A_1345 = arith.constant 0 : i32
      %gather3A_1346 = arith.constant 0 : i32
      %gather3A_1347 = tpu.memref_slice %arg9[%rem3A_342, %gather3A_1344, %gather3A_1345, %gather3A_1346] : memref<2x16x64x16xf32, #tpu.memory_space<vmem>> -> memref<1x1x64x16xf32, #tpu.memory_space<vmem>>
      %gather3A_1348 = tpu.memref_squeeze %gather3A_1347 : memref<1x1x64x16xf32, #tpu.memory_space<vmem>> -> memref<64x16xf32, #tpu.memory_space<vmem>>
      %gather3A_1349 = tpu.vector_load_idx %gather3A_1348[%add3A_1343, %broadcast_in_dim3A_1312] : memref<64x16xf32, #tpu.memory_space<vmem>>[vector<16xi32>, vector<16xi32>], vector<16xf32>,
      %swap3A_1350 = arith.index_cast %add3A_1316 : i32 to index
      %swap3A_1351 = arith.constant 32 : index
      %swap3A_1352 = tpu.vector_load %arg10[%swap3A_1350, %swap3A_1351] {strides = array<i32>} : memref<512x64xf32, #tpu.memory_space<vmem>>, vector<16xf32>,
      tpu.vector_store %arg10[%swap3A_1350, %swap3A_1351], %gather3A_1349 {strides = array<i32>} : memref<512x64xf32, #tpu.memory_space<vmem>>, vector<16xf32>,
      %add3A_1353 = arith.constant 48 : i32
      %add3A_1354 = vector.broadcast %add3A_1353 : i32 to vector<16xi32>
      %add3A_1355 = arith.addi %add3A_1354, %iota3A : vector<16xi32>
      %gather3A_1356 = arith.constant 13 : i32
      %gather3A_1357 = arith.constant 0 : i32
      %gather3A_1358 = arith.constant 0 : i32
      %gather3A_1359 = tpu.memref_slice %arg9[%rem3A_342, %gather3A_1356, %gather3A_1357, %gather3A_1358] : memref<2x16x64x16xf32, #tpu.memory_space<vmem>> -> memref<1x1x64x16xf32, #tpu.memory_space<vmem>>
      %gather3A_1360 = tpu.memref_squeeze %gather3A_1359 : memref<1x1x64x16xf32, #tpu.memory_space<vmem>> -> memref<64x16xf32, #tpu.memory_space<vmem>>
      %gather3A_1361 = tpu.vector_load_idx %gather3A_1360[%add3A_1355, %broadcast_in_dim3A_1312] : memref<64x16xf32, #tpu.memory_space<vmem>>[vector<16xi32>, vector<16xi32>], vector<16xf32>,
      %swap3A_1362 = arith.index_cast %add3A_1316 : i32 to index
      %swap3A_1363 = arith.constant 48 : index
      %swap3A_1364 = tpu.vector_load %arg10[%swap3A_1362, %swap3A_1363] {strides = array<i32>} : memref<512x64xf32, #tpu.memory_space<vmem>>, vector<16xf32>,
      tpu.vector_store %arg10[%swap3A_1362, %swap3A_1363], %gather3A_1361 {strides = array<i32>} : memref<512x64xf32, #tpu.memory_space<vmem>>, vector<16xf32>,
      %slice3A_1365 = vector.extract_strided_slice %and3A_357 {offsets = [14], sizes = [1], strides = [1]} : vector<16xi32> to vector<1xi32>
      %squeeze3A_1366 = vector.extract %slice3A_1365[0] : i32 from vector<1xi32>
      %broadcast_in_dim3A_1367 = vector.broadcast %squeeze3A_1366 : i32 to vector<16xi32>
      %mul3A_1368 = arith.constant 16 : i32
      %mul3A_1369 = arith.muli %scan3A_341, %mul3A_1368 : i32
      %add3A_1370 = arith.constant 14 : i32
      %add3A_1371 = arith.addi %mul3A_1369, %add3A_1370 : i32
      %add3A_1372 = arith.constant 0 : i32
      %add3A_1373 = vector.broadcast %add3A_1372 : i32 to vector<16xi32>
      %add3A_1374 = arith.addi %add3A_1373, %iota3A : vector<16xi32>
      %gather3A_1375 = arith.constant 14 : i32
      %gather3A_1376 = arith.constant 0 : i32
      %gather3A_1377 = arith.constant 0 : i32
      %gather3A_1378 = tpu.memref_slice %arg9[%rem3A_342, %gather3A_1375, %gather3A_1376, %gather3A_1377] : memref<2x16x64x16xf32, #tpu.memory_space<vmem>> -> memref<1x1x64x16xf32, #tpu.memory_space<vmem>>
      %gather3A_1379 = tpu.memref_squeeze %gather3A_1378 : memref<1x1x64x16xf32, #tpu.memory_space<vmem>> -> memref<64x16xf32, #tpu.memory_space<vmem>>
      %gather3A_1380 = tpu.vector_load_idx %gather3A_1379[%add3A_1374, %broadcast_in_dim3A_1367] : memref<64x16xf32, #tpu.memory_space<vmem>>[vector<16xi32>, vector<16xi32>], vector<16xf32>,
      %swap3A_1381 = arith.index_cast %add3A_1371 : i32 to index
      %swap3A_1382 = arith.constant 0 : index
      %swap3A_1383 = tpu.vector_load %arg10[%swap3A_1381, %swap3A_1382] {strides = array<i32>} : memref<512x64xf32, #tpu.memory_space<vmem>>, vector<16xf32>,
      tpu.vector_store %arg10[%swap3A_1381, %swap3A_1382], %gather3A_1380 {strides = array<i32>} : memref<512x64xf32, #tpu.memory_space<vmem>>, vector<16xf32>,
      %add3A_1384 = arith.constant 16 : i32
      %add3A_1385 = vector.broadcast %add3A_1384 : i32 to vector<16xi32>
      %add3A_1386 = arith.addi %add3A_1385, %iota3A : vector<16xi32>
      %gather3A_1387 = arith.constant 14 : i32
      %gather3A_1388 = arith.constant 0 : i32
      %gather3A_1389 = arith.constant 0 : i32
      %gather3A_1390 = tpu.memref_slice %arg9[%rem3A_342, %gather3A_1387, %gather3A_1388, %gather3A_1389] : memref<2x16x64x16xf32, #tpu.memory_space<vmem>> -> memref<1x1x64x16xf32, #tpu.memory_space<vmem>>
      %gather3A_1391 = tpu.memref_squeeze %gather3A_1390 : memref<1x1x64x16xf32, #tpu.memory_space<vmem>> -> memref<64x16xf32, #tpu.memory_space<vmem>>
      %gather3A_1392 = tpu.vector_load_idx %gather3A_1391[%add3A_1386, %broadcast_in_dim3A_1367] : memref<64x16xf32, #tpu.memory_space<vmem>>[vector<16xi32>, vector<16xi32>], vector<16xf32>,
      %swap3A_1393 = arith.index_cast %add3A_1371 : i32 to index
      %swap3A_1394 = arith.constant 16 : index
      %swap3A_1395 = tpu.vector_load %arg10[%swap3A_1393, %swap3A_1394] {strides = array<i32>} : memref<512x64xf32, #tpu.memory_space<vmem>>, vector<16xf32>,
      tpu.vector_store %arg10[%swap3A_1393, %swap3A_1394], %gather3A_1392 {strides = array<i32>} : memref<512x64xf32, #tpu.memory_space<vmem>>, vector<16xf32>,
      %add3A_1396 = arith.constant 32 : i32
      %add3A_1397 = vector.broadcast %add3A_1396 : i32 to vector<16xi32>
      %add3A_1398 = arith.addi %add3A_1397, %iota3A : vector<16xi32>
      %gather3A_1399 = arith.constant 14 : i32
      %gather3A_1400 = arith.constant 0 : i32
      %gather3A_1401 = arith.constant 0 : i32
      %gather3A_1402 = tpu.memref_slice %arg9[%rem3A_342, %gather3A_1399, %gather3A_1400, %gather3A_1401] : memref<2x16x64x16xf32, #tpu.memory_space<vmem>> -> memref<1x1x64x16xf32, #tpu.memory_space<vmem>>
      %gather3A_1403 = tpu.memref_squeeze %gather3A_1402 : memref<1x1x64x16xf32, #tpu.memory_space<vmem>> -> memref<64x16xf32, #tpu.memory_space<vmem>>
      %gather3A_1404 = tpu.vector_load_idx %gather3A_1403[%add3A_1398, %broadcast_in_dim3A_1367] : memref<64x16xf32, #tpu.memory_space<vmem>>[vector<16xi32>, vector<16xi32>], vector<16xf32>,
      %swap3A_1405 = arith.index_cast %add3A_1371 : i32 to index
      %swap3A_1406 = arith.constant 32 : index
      %swap3A_1407 = tpu.vector_load %arg10[%swap3A_1405, %swap3A_1406] {strides = array<i32>} : memref<512x64xf32, #tpu.memory_space<vmem>>, vector<16xf32>,
      tpu.vector_store %arg10[%swap3A_1405, %swap3A_1406], %gather3A_1404 {strides = array<i32>} : memref<512x64xf32, #tpu.memory_space<vmem>>, vector<16xf32>,
      %add3A_1408 = arith.constant 48 : i32
      %add3A_1409 = vector.broadcast %add3A_1408 : i32 to vector<16xi32>
      %add3A_1410 = arith.addi %add3A_1409, %iota3A : vector<16xi32>
      %gather3A_1411 = arith.constant 14 : i32
      %gather3A_1412 = arith.constant 0 : i32
      %gather3A_1413 = arith.constant 0 : i32
      %gather3A_1414 = tpu.memref_slice %arg9[%rem3A_342, %gather3A_1411, %gather3A_1412, %gather3A_1413] : memref<2x16x64x16xf32, #tpu.memory_space<vmem>> -> memref<1x1x64x16xf32, #tpu.memory_space<vmem>>
      %gather3A_1415 = tpu.memref_squeeze %gather3A_1414 : memref<1x1x64x16xf32, #tpu.memory_space<vmem>> -> memref<64x16xf32, #tpu.memory_space<vmem>>
      %gather3A_1416 = tpu.vector_load_idx %gather3A_1415[%add3A_1410, %broadcast_in_dim3A_1367] : memref<64x16xf32, #tpu.memory_space<vmem>>[vector<16xi32>, vector<16xi32>], vector<16xf32>,
      %swap3A_1417 = arith.index_cast %add3A_1371 : i32 to index
      %swap3A_1418 = arith.constant 48 : index
      %swap3A_1419 = tpu.vector_load %arg10[%swap3A_1417, %swap3A_1418] {strides = array<i32>} : memref<512x64xf32, #tpu.memory_space<vmem>>, vector<16xf32>,
      tpu.vector_store %arg10[%swap3A_1417, %swap3A_1418], %gather3A_1416 {strides = array<i32>} : memref<512x64xf32, #tpu.memory_space<vmem>>, vector<16xf32>,
      %slice3A_1420 = vector.extract_strided_slice %and3A_357 {offsets = [15], sizes = [1], strides = [1]} : vector<16xi32> to vector<1xi32>
      %squeeze3A_1421 = vector.extract %slice3A_1420[0] : i32 from vector<1xi32>
      %broadcast_in_dim3A_1422 = vector.broadcast %squeeze3A_1421 : i32 to vector<16xi32>
      %mul3A_1423 = arith.constant 16 : i32
      %mul3A_1424 = arith.muli %scan3A_341, %mul3A_1423 : i32
      %add3A_1425 = arith.constant 15 : i32
      %add3A_1426 = arith.addi %mul3A_1424, %add3A_1425 : i32
      %add3A_1427 = arith.constant 0 : i32
      %add3A_1428 = vector.broadcast %add3A_1427 : i32 to vector<16xi32>
      %add3A_1429 = arith.addi %add3A_1428, %iota3A : vector<16xi32>
      %gather3A_1430 = arith.constant 15 : i32
      %gather3A_1431 = arith.constant 0 : i32
      %gather3A_1432 = arith.constant 0 : i32
      %gather3A_1433 = tpu.memref_slice %arg9[%rem3A_342, %gather3A_1430, %gather3A_1431, %gather3A_1432] : memref<2x16x64x16xf32, #tpu.memory_space<vmem>> -> memref<1x1x64x16xf32, #tpu.memory_space<vmem>>
      %gather3A_1434 = tpu.memref_squeeze %gather3A_1433 : memref<1x1x64x16xf32, #tpu.memory_space<vmem>> -> memref<64x16xf32, #tpu.memory_space<vmem>>
      %gather3A_1435 = tpu.vector_load_idx %gather3A_1434[%add3A_1429, %broadcast_in_dim3A_1422] : memref<64x16xf32, #tpu.memory_space<vmem>>[vector<16xi32>, vector<16xi32>], vector<16xf32>,
      %swap3A_1436 = arith.index_cast %add3A_1426 : i32 to index
      %swap3A_1437 = arith.constant 0 : index
      %swap3A_1438 = tpu.vector_load %arg10[%swap3A_1436, %swap3A_1437] {strides = array<i32>} : memref<512x64xf32, #tpu.memory_space<vmem>>, vector<16xf32>,
      tpu.vector_store %arg10[%swap3A_1436, %swap3A_1437], %gather3A_1435 {strides = array<i32>} : memref<512x64xf32, #tpu.memory_space<vmem>>, vector<16xf32>,
      %add3A_1439 = arith.constant 16 : i32
      %add3A_1440 = vector.broadcast %add3A_1439 : i32 to vector<16xi32>
      %add3A_1441 = arith.addi %add3A_1440, %iota3A : vector<16xi32>
      %gather3A_1442 = arith.constant 15 : i32
      %gather3A_1443 = arith.constant 0 : i32
      %gather3A_1444 = arith.constant 0 : i32
      %gather3A_1445 = tpu.memref_slice %arg9[%rem3A_342, %gather3A_1442, %gather3A_1443, %gather3A_1444] : memref<2x16x64x16xf32, #tpu.memory_space<vmem>> -> memref<1x1x64x16xf32, #tpu.memory_space<vmem>>
      %gather3A_1446 = tpu.memref_squeeze %gather3A_1445 : memref<1x1x64x16xf32, #tpu.memory_space<vmem>> -> memref<64x16xf32, #tpu.memory_space<vmem>>
      %gather3A_1447 = tpu.vector_load_idx %gather3A_1446[%add3A_1441, %broadcast_in_dim3A_1422] : memref<64x16xf32, #tpu.memory_space<vmem>>[vector<16xi32>, vector<16xi32>], vector<16xf32>,
      %swap3A_1448 = arith.index_cast %add3A_1426 : i32 to index
      %swap3A_1449 = arith.constant 16 : index
      %swap3A_1450 = tpu.vector_load %arg10[%swap3A_1448, %swap3A_1449] {strides = array<i32>} : memref<512x64xf32, #tpu.memory_space<vmem>>, vector<16xf32>,
      tpu.vector_store %arg10[%swap3A_1448, %swap3A_1449], %gather3A_1447 {strides = array<i32>} : memref<512x64xf32, #tpu.memory_space<vmem>>, vector<16xf32>,
      %add3A_1451 = arith.constant 32 : i32
      %add3A_1452 = vector.broadcast %add3A_1451 : i32 to vector<16xi32>
      %add3A_1453 = arith.addi %add3A_1452, %iota3A : vector<16xi32>
      %gather3A_1454 = arith.constant 15 : i32
      %gather3A_1455 = arith.constant 0 : i32
      %gather3A_1456 = arith.constant 0 : i32
      %gather3A_1457 = tpu.memref_slice %arg9[%rem3A_342, %gather3A_1454, %gather3A_1455, %gather3A_1456] : memref<2x16x64x16xf32, #tpu.memory_space<vmem>> -> memref<1x1x64x16xf32, #tpu.memory_space<vmem>>
      %gather3A_1458 = tpu.memref_squeeze %gather3A_1457 : memref<1x1x64x16xf32, #tpu.memory_space<vmem>> -> memref<64x16xf32, #tpu.memory_space<vmem>>
      %gather3A_1459 = tpu.vector_load_idx %gather3A_1458[%add3A_1453, %broadcast_in_dim3A_1422] : memref<64x16xf32, #tpu.memory_space<vmem>>[vector<16xi32>, vector<16xi32>], vector<16xf32>,
      %swap3A_1460 = arith.index_cast %add3A_1426 : i32 to index
      %swap3A_1461 = arith.constant 32 : index
      %swap3A_1462 = tpu.vector_load %arg10[%swap3A_1460, %swap3A_1461] {strides = array<i32>} : memref<512x64xf32, #tpu.memory_space<vmem>>, vector<16xf32>,
      tpu.vector_store %arg10[%swap3A_1460, %swap3A_1461], %gather3A_1459 {strides = array<i32>} : memref<512x64xf32, #tpu.memory_space<vmem>>, vector<16xf32>,
      %add3A_1463 = arith.constant 48 : i32
      %add3A_1464 = vector.broadcast %add3A_1463 : i32 to vector<16xi32>
      %add3A_1465 = arith.addi %add3A_1464, %iota3A : vector<16xi32>
      %gather3A_1466 = arith.constant 15 : i32
      %gather3A_1467 = arith.constant 0 : i32
      %gather3A_1468 = arith.constant 0 : i32
      %gather3A_1469 = tpu.memref_slice %arg9[%rem3A_342, %gather3A_1466, %gather3A_1467, %gather3A_1468] : memref<2x16x64x16xf32, #tpu.memory_space<vmem>> -> memref<1x1x64x16xf32, #tpu.memory_space<vmem>>
      %gather3A_1470 = tpu.memref_squeeze %gather3A_1469 : memref<1x1x64x16xf32, #tpu.memory_space<vmem>> -> memref<64x16xf32, #tpu.memory_space<vmem>>
      %gather3A_1471 = tpu.vector_load_idx %gather3A_1470[%add3A_1465, %broadcast_in_dim3A_1422] : memref<64x16xf32, #tpu.memory_space<vmem>>[vector<16xi32>, vector<16xi32>], vector<16xf32>,
      %swap3A_1472 = arith.index_cast %add3A_1426 : i32 to index
      %swap3A_1473 = arith.constant 48 : index
      %swap3A_1474 = tpu.vector_load %arg10[%swap3A_1472, %swap3A_1473] {strides = array<i32>} : memref<512x64xf32, #tpu.memory_space<vmem>>, vector<16xf32>,
      tpu.vector_store %arg10[%swap3A_1472, %swap3A_1473], %gather3A_1471 {strides = array<i32>} : memref<512x64xf32, #tpu.memory_space<vmem>>, vector<16xf32>,
    }
    %scan3A_309 = arith.constant 32 : i32
    %dma_wait3A = arith.constant 0 : i32
    %dma_wait3A_310 = arith.constant 0 : i32
    %dma_wait3A_311 = tpu.memref_slice %arg12[%dma_wait3A, %dma_wait3A_310] : memref<512x64xf32, #tpu.memory_space<vmem>> -> memref<128x64xf32, #tpu.memory_space<vmem>>
    %dma_wait3A_312 = arith.constant 0 : i32
    %dma_wait3A_313 = tpu.memref_slice %arg11[%dma_wait3A_312] : memref<512xi32, #tpu.memory_space<vmem>> -> memref<128xi32, #tpu.memory_space<vmem>>
    %dma_wait3A_314 = arith.constant 0 : i32
    %dma_wait3A_315 = arith.constant 0 : i32
    %dma_wait3A_316 = tpu.memref_slice %arg3[%dma_wait3A_314, %dma_wait3A_315] : memref<100000x64xf32, #tpu.memory_space<hbm>> -> memref<100000x64xf32, #tpu.memory_space<hbm>>
    tpu.wait_indirect_dma semaphore(%arg14 : memref<!tpu.dma_semaphore, #tpu.memory_space<semaphore_mem>>) src(%dma_wait3A_316 : memref<100000x64xf32, #tpu.memory_space<hbm>>) dst(%dma_wait3A_311 : memref<128x64xf32, #tpu.memory_space<vmem>>)
    %dma_wait3A_317 = arith.constant 128 : i32
    %dma_wait3A_318 = arith.constant 0 : i32
    %dma_wait3A_319 = tpu.memref_slice %arg12[%dma_wait3A_317, %dma_wait3A_318] : memref<512x64xf32, #tpu.memory_space<vmem>> -> memref<128x64xf32, #tpu.memory_space<vmem>>
    %dma_wait3A_320 = arith.constant 128 : i32
    %dma_wait3A_321 = tpu.memref_slice %arg11[%dma_wait3A_320] : memref<512xi32, #tpu.memory_space<vmem>> -> memref<128xi32, #tpu.memory_space<vmem>>
    %dma_wait3A_322 = arith.constant 0 : i32
    %dma_wait3A_323 = arith.constant 0 : i32
    %dma_wait3A_324 = tpu.memref_slice %arg3[%dma_wait3A_322, %dma_wait3A_323] : memref<100000x64xf32, #tpu.memory_space<hbm>> -> memref<100000x64xf32, #tpu.memory_space<hbm>>
    tpu.wait_indirect_dma semaphore(%arg14 : memref<!tpu.dma_semaphore, #tpu.memory_space<semaphore_mem>>) src(%dma_wait3A_324 : memref<100000x64xf32, #tpu.memory_space<hbm>>) dst(%dma_wait3A_319 : memref<128x64xf32, #tpu.memory_space<vmem>>)
    %dma_wait3A_325 = arith.constant 256 : i32
    %dma_wait3A_326 = arith.constant 0 : i32
    %dma_wait3A_327 = tpu.memref_slice %arg12[%dma_wait3A_325, %dma_wait3A_326] : memref<512x64xf32, #tpu.memory_space<vmem>> -> memref<128x64xf32, #tpu.memory_space<vmem>>
    %dma_wait3A_328 = arith.constant 256 : i32
    %dma_wait3A_329 = tpu.memref_slice %arg11[%dma_wait3A_328] : memref<512xi32, #tpu.memory_space<vmem>> -> memref<128xi32, #tpu.memory_space<vmem>>
    %dma_wait3A_330 = arith.constant 0 : i32
    %dma_wait3A_331 = arith.constant 0 : i32
    %dma_wait3A_332 = tpu.memref_slice %arg3[%dma_wait3A_330, %dma_wait3A_331] : memref<100000x64xf32, #tpu.memory_space<hbm>> -> memref<100000x64xf32, #tpu.memory_space<hbm>>
    tpu.wait_indirect_dma semaphore(%arg14 : memref<!tpu.dma_semaphore, #tpu.memory_space<semaphore_mem>>) src(%dma_wait3A_332 : memref<100000x64xf32, #tpu.memory_space<hbm>>) dst(%dma_wait3A_327 : memref<128x64xf32, #tpu.memory_space<vmem>>)
    %dma_wait3A_333 = arith.constant 384 : i32
    %dma_wait3A_334 = arith.constant 0 : i32
    %dma_wait3A_335 = tpu.memref_slice %arg12[%dma_wait3A_333, %dma_wait3A_334] : memref<512x64xf32, #tpu.memory_space<vmem>> -> memref<128x64xf32, #tpu.memory_space<vmem>>
    %dma_wait3A_336 = arith.constant 384 : i32
    %dma_wait3A_337 = tpu.memref_slice %arg11[%dma_wait3A_336] : memref<512xi32, #tpu.memory_space<vmem>> -> memref<128xi32, #tpu.memory_space<vmem>>
    %dma_wait3A_338 = arith.constant 0 : i32
    %dma_wait3A_339 = arith.constant 0 : i32
    %dma_wait3A_340 = tpu.memref_slice %arg3[%dma_wait3A_338, %dma_wait3A_339] : memref<100000x64xf32, #tpu.memory_space<hbm>> -> memref<100000x64xf32, #tpu.memory_space<hbm>>
    tpu.wait_indirect_dma semaphore(%arg14 : memref<!tpu.dma_semaphore, #tpu.memory_space<semaphore_mem>>) src(%dma_wait3A_340 : memref<100000x64xf32, #tpu.memory_space<hbm>>) dst(%dma_wait3A_335 : memref<128x64xf32, #tpu.memory_space<vmem>>)
    "tpu.region"() ({
      %run_scoped3A = tpu.sem_alloc : memref<!tpu.dma_semaphore, #tpu.memory_space<semaphore_mem>>
      %dma_start3A_341 = arith.constant 0 : i32
      %dma_start3A_342 = tpu.memref_slice %arg6[%mul3A_2, %dma_start3A_341] : memref<16384x64xf32, #tpu.memory_space<hbm>> -> memref<512x64xf32, #tpu.memory_space<hbm>>
      %dma_start3A_343 = arith.constant 0 : i32
      %dma_start3A_344 = tpu.memref_slice %arg6[%mul3A_2, %dma_start3A_343] : memref<16384x64xf32, #tpu.memory_space<hbm>> -> memref<512x64xf32, #tpu.memory_space<hbm>>
      tpu.enqueue_dma source(%arg10 : memref<512x64xf32, #tpu.memory_space<vmem>>) target(%dma_start3A_344 : memref<512x64xf32, #tpu.memory_space<hbm>>) target_semaphore(%run_scoped3A : memref<!tpu.dma_semaphore, #tpu.memory_space<semaphore_mem>>)
      %dma_wait3A_345 = arith.constant 0 : i32
      %dma_wait3A_346 = tpu.memref_slice %arg6[%mul3A_2, %dma_wait3A_345] : memref<16384x64xf32, #tpu.memory_space<hbm>> -> memref<512x64xf32, #tpu.memory_space<hbm>>
      %dma_wait3A_347 = arith.constant 0 : i32
      %dma_wait3A_348 = tpu.memref_slice %arg6[%mul3A_2, %dma_wait3A_347] : memref<16384x64xf32, #tpu.memory_space<hbm>> -> memref<512x64xf32, #tpu.memory_space<hbm>>
      tpu.wait_dma2 semaphore(%run_scoped3A : memref<!tpu.dma_semaphore, #tpu.memory_space<semaphore_mem>>) src(%arg10 : memref<512x64xf32, #tpu.memory_space<vmem>>) dst(%dma_wait3A_348 : memref<512x64xf32, #tpu.memory_space<hbm>>)
      tpu.yield
    }) : () -> ()
    "tpu.region"() ({
      %run_scoped3A = tpu.sem_alloc : memref<!tpu.dma_semaphore, #tpu.memory_space<semaphore_mem>>
      %dma_start3A_341 = arith.constant 0 : i32
      %dma_start3A_342 = tpu.memref_slice %arg7[%mul3A_2, %dma_start3A_341] : memref<16384x64xf32, #tpu.memory_space<hbm>> -> memref<512x64xf32, #tpu.memory_space<hbm>>
      %dma_start3A_343 = arith.constant 0 : i32
      %dma_start3A_344 = tpu.memref_slice %arg7[%mul3A_2, %dma_start3A_343] : memref<16384x64xf32, #tpu.memory_space<hbm>> -> memref<512x64xf32, #tpu.memory_space<hbm>>
      tpu.enqueue_dma source(%arg12 : memref<512x64xf32, #tpu.memory_space<vmem>>) target(%dma_start3A_344 : memref<512x64xf32, #tpu.memory_space<hbm>>) target_semaphore(%run_scoped3A : memref<!tpu.dma_semaphore, #tpu.memory_space<semaphore_mem>>)
      %dma_wait3A_345 = arith.constant 0 : i32
      %dma_wait3A_346 = tpu.memref_slice %arg7[%mul3A_2, %dma_wait3A_345] : memref<16384x64xf32, #tpu.memory_space<hbm>> -> memref<512x64xf32, #tpu.memory_space<hbm>>
      %dma_wait3A_347 = arith.constant 0 : i32
      %dma_wait3A_348 = tpu.memref_slice %arg7[%mul3A_2, %dma_wait3A_347] : memref<16384x64xf32, #tpu.memory_space<hbm>> -> memref<512x64xf32, #tpu.memory_space<hbm>>
      tpu.wait_dma2 semaphore(%run_scoped3A : memref<!tpu.dma_semaphore, #tpu.memory_space<semaphore_mem>>) src(%arg12 : memref<512x64xf32, #tpu.memory_space<vmem>>) dst(%dma_wait3A_348 : memref<512x64xf32, #tpu.memory_space<hbm>>)
      tpu.yield
    }) : () -> ()
    return
  }
}

module attributes {stable_mosaic.version = 14 : i64} {
  func.func @_tc_body(%arg0: i32, %arg1: memref<2048x20xf32, #tpu.memory_space<vmem>>, %arg2: memref<20x64xf32, #tpu.memory_space<vmem>>, %arg3: memref<1x64xf32, #tpu.memory_space<vmem>>, %arg4: memref<2048x64xf32, #tpu.memory_space<vmem>>, %arg5: memref<2048x64xf32, #tpu.memory_space<vmem>>) attributes {dimension_semantics = [#tpu.dimension_semantics<arbitrary>], iteration_bounds = array<i64: 8>, scalar_prefetch = 0 : i64, scratch_operands = 0 : i64, tpu.core_type = #tpu.core_type<tc>, window_params = [{transform_indices = @transform_0, window_bounds = array<i64: 2048, 20>}, {pipeline_mode = #tpu.pipeline_mode<synchronous>, transform_indices = @transform_1, window_bounds = array<i64: 20, 64>}, {pipeline_mode = #tpu.pipeline_mode<synchronous>, transform_indices = @transform_2, window_bounds = array<i64: 1, 64>}, {transform_indices = @transform_3, window_bounds = array<i64: 2048, 64>}, {transform_indices = @transform_4, window_bounds = array<i64: 2048, 64>}]} {
    %get3A = arith.constant 0 : index
    %get3A_0 = arith.constant 0 : index
    %get3A_1 = vector.load %arg1[%get3A, %get3A_0] : memref<2048x20xf32, #tpu.memory_space<vmem>>, vector<2048x20xf32>
    %get3A_2 = arith.constant 0 : index
    %get3A_3 = arith.constant 0 : index
    %get3A_4 = vector.load %arg2[%get3A_2, %get3A_3] : memref<20x64xf32, #tpu.memory_space<vmem>>, vector<20x64xf32>
    %dot_general3A = arith.constant dense<0.000000e+00> : vector<2048x64xf32>
    %dot_general3A_5 = tpu.matmul %get3A_1, %get3A_4, %dot_general3A {dimension_numbers = #tpu.dot_dimension_numbers<[1], [0], [0], [1], [0, 0, 1, 1], [], []>, transpose_lhs_hint = false} : vector<2048x20xf32>, vector<20x64xf32>, vector<2048x64xf32> -> vector<2048x64xf32>
    %get3A_6 = arith.constant 0 : index
    %get3A_7 = arith.constant 0 : index
    %get3A_8 = vector.load %arg3[%get3A_6, %get3A_7] : memref<1x64xf32, #tpu.memory_space<vmem>>, vector<1x64xf32>
    %add3A = vector.broadcast %get3A_8 : vector<1x64xf32> to vector<2048x64xf32>
    %add3A_9 = arith.addf %dot_general3A_5, %add3A : vector<2048x64xf32>
    %get3A_10 = arith.constant 0 : index
    %get3A_11 = arith.constant 0 : index
    %get3A_12 = vector.load %arg4[%get3A_10, %get3A_11] : memref<2048x64xf32, #tpu.memory_space<vmem>>, vector<2048x64xf32>
    %add3A_13 = arith.addf %add3A_9, %get3A_12 : vector<2048x64xf32>
    %swap3A = arith.constant 0 : index
    %swap3A_14 = arith.constant 0 : index
    %swap3A_15 = vector.load %arg5[%swap3A, %swap3A_14] : memref<2048x64xf32, #tpu.memory_space<vmem>>, vector<2048x64xf32>
    tpu.vector_store %arg5[%swap3A, %swap3A_14], %add3A_13 {strides = array<i32>} : memref<2048x64xf32, #tpu.memory_space<vmem>>, vector<2048x64xf32>,
    return
  }
  func.func @transform_0(%arg0: i32) -> (i32, i32) {
    %c0_i32 = arith.constant 0 : i32
    %c0_i32_0 = arith.constant 0 : i32
    return %arg0, %c0_i32 : i32, i32
  }
  func.func @transform_1(%arg0: i32) -> (i32, i32) {
    %c0_i32 = arith.constant 0 : i32
    %c0_i32_0 = arith.constant 0 : i32
    %c0_i32_1 = arith.constant 0 : i32
    return %c0_i32, %c0_i32_0 : i32, i32
  }
  func.func @transform_2(%arg0: i32) -> (i32, i32) {
    %c0_i32 = arith.constant 0 : i32
    %c0_i32_0 = arith.constant 0 : i32
    %c0_i32_1 = arith.constant 0 : i32
    return %c0_i32, %c0_i32_0 : i32, i32
  }
  func.func @transform_3(%arg0: i32) -> (i32, i32) {
    %c0_i32 = arith.constant 0 : i32
    %c0_i32_0 = arith.constant 0 : i32
    return %arg0, %c0_i32 : i32, i32
  }
  func.func @transform_4(%arg0: i32) -> (i32, i32) {
    %c0_i32 = arith.constant 0 : i32
    %c0_i32_0 = arith.constant 0 : i32
    return %arg0, %c0_i32 : i32, i32
  }
}

</mosaic_0001>

<sc_bundles>
// kernel: kernel.4.cloned.1.call-start
scs
__scs_entry_jumppad:
0x0: {  	(pc) =	sbr.rel $0x88, $3  }
0x1: {  	(tag) =	ssettag $0x0;
	lr =	simm.s32 $0x1  }
0x2: {  	[smem:$0x3F9A] =	sst lr;
	_ =	strace $0xD0000000  }
0x3: {  	_ = 	snop  }
0x4: {  	_ = 	snop  }
0x5: {  	_ = 	snop  }
0x6: {  	_ = 	snop  }
0x7: {  	_ = 	snop  }
__scs_overlays_trampoline_lowered:
0x8: {  	[smem:$0x3FA9] =	sst s0  }
0x9: {  	[smem:$0x3FAA] =	sst s1  }
0xa: {  	[smem:$0x3FAB] =	sst s2  }
0xb: {  	[smem:$0x3FAC] =	sst s3  }
0xc: {  	[smem:$0x3FAD] =	sst s4  }
0xd: {  	[smem:$0x3FAE] =	sst s5  }
0xe: {  	[smem:$0x3FAF] =	sst s6  }
0xf: {  	[smem:$0x3FB0] =	sst s7  }
0x10: {  	[smem:$0x3FB1] =	sst s8  }
0x11: {  	[smem:$0x3FB2] =	sst s9;
	s0 =	simm.s32 @!p0 $0x0  }
0x12: {  	s1 =	sld [smem:$0x3F98];
	s0 =	simm.s32 @p0 $0x1  }
0x13: {  	[smem:$0x3FB3] =	sst s0;
	s0 =	simm.s32 @!p1 $0x0  }
0x14: {  	s2 =	sld [smem:$0x3F97];
	s0 =	simm.s32 @p1 $0x1  }
0x15: {  	[smem:$0x3FB4] =	sst s0;
	s0 =	simm.s32 @!p2 $0x0  }
0x16: {  	s3 =	sld [smem:$0x3FDB];
	s0 =	simm.s32 @p2 $0x1  }
0x17: {  	s4 =	simm.s32 $0x1BF5;
	[smem:$0x3FB6] =	sst s0  }
0x18: {  	s0 =	sld [smem:$0x3F99];
	_ =	swait.ge [sflag:s4], $0x0  }
0x19: {  	s7 =	sld [smem:$0x3F9A]  }
0x1a: {  	s8 =	sadd.s32 $0xFFFFE003, lr  }
0x1b: {  	s9 =	sadd.s32 $0xFFFFFEF7, lr;
	s5 =	simm.s32 $0xFFFFFFFF;
	p2 =	slt.u32 s8, $0xFFFFF086  }
0x1c: {  	p1 =	slt.u32 s9, $0xF7A;
	s5 =	simm.s32 @!p2 $0x0  }
0x1d: {  	s5 =	simm.s32 @p1 $0x1;
	p0 =	seq.s32 s7, s2  }
0x1e: {  	s7 =	smul.u32 @!p0 $0xF7A, s2;
	p2 =	seq.s32 @!p0 s5, $0x0  }
0x1f: {  	s9 =	smul.u32 $0xF7A, s1;
	s8 =	simm.s32 @!p0 $0x1BF5;
	p2 =	por !p2, p0  }
0x20: {  	[sflag:s8] =	ssyncset.s32 @!p0 $0xFFFFF086;
	s6 =	sadd.s32 @!p0 s3, s7;
	s7 =	simm.s32 @!p0 $0x108  }
0x21: {  	s3 =	sadd.s32 s3, s9;
	s6 =	sadd.s32 @!p0 $0x88, s6;
	s7 =	simm.s32 @p2 $0x1082  }
0x22: {  	[simem:s7], [sflag:s8] =	dma.local @!p0 [hbm:s6], $0xF7A  }
0x23: {  	s9 =	sor.u32 $0xD0000000, s2;
	s6 =	simm.s32 $0x108;
	_ =	swait.ge @!p0 [sflag:s8], $0x0  }
0x24: {  	s3 =	sadd.s32 $0x88, s3;
	s6 =	simm.s32 @!p1 $0x1082;
	[sflag:s4] =	ssyncset.s32 $0xFFFFF086  }
0x25: {  	[simem:s6], [sflag:s4] =	dma.local [hbm:s3], $0xF7A  }
0x26: {  	[smem:$0x3F9A] =	sst s1;
	(tag) =	ssettag s2;
	_ =	strace s9  }
0x27: {  	s1 =	sld [smem:$0x3FAA]  }
0x28: {  	s2 =	sld [smem:$0x3FAB]  }
0x29: {  	s4 =	sld [smem:$0x3FAD]  }
0x2a: {  	p0 =	seq.s32 s5, $0x0;
	s5 =	sld [smem:$0x3FAE]  }
0x2b: {  	s6 =	sld [smem:$0x3FAF]  }
0x2c: {  	s7 =	sld [smem:$0x3FB0]  }
0x2d: {  	s3 =	simm.s32 $0x108;
	s8 =	sld [smem:$0x3FB1]  }
0x2e: {  	s3 =	simm.s32 @!p0 $0x1082;
	s9 =	sld [smem:$0x3FB2]  }
0x2f: {  	lr =	sadd.s32 s0, s3;
	s0 =	sld [smem:$0x3FA9]  }
0x30: {  	s3 =	sld [smem:$0x3FAC]  }
0x31: {  	[smem:$0x3FB5] =	sst s10  }
0x32: {  	s10 =	sld [smem:$0x3FB3];
	_ =	sdelay $0x3  }
0x33: {  	p0 =	seq.s32 s10, $0x1;
	s10 =	sld [smem:$0x3FB5];
	_ =	sdelay $0x3  }
0x34: {  	[smem:$0x3FB5] =	sst s10  }
0x35: {  	s10 =	sld [smem:$0x3FB4];
	_ =	sdelay $0x3  }
0x36: {  	p1 =	seq.s32 s10, $0x1;
	s10 =	sld [smem:$0x3FB5];
	_ =	sdelay $0x3  }
0x37: {  	[smem:$0x3FB5] =	sst s10  }
0x38: {  	s10 =	sld [smem:$0x3FB6]  }
0x39: {  	_ = 	snop;
	(pc) =	sbr.ind lr, $3  }
0x3a: {  	_ = 	snop  }
0x3b: {  	_ = 	snop  }
0x3c: {  	p2 =	seq.s32 s10, $0x1;
	s10 =	sld [smem:$0x3FB5]  }
0x3d: {  	_ =	shalt  }
0x3e: {  	_ =	shalt  }
0x3f: {  	_ =	shalt  }
0x40: {  	_ =	shalt  }
0x41: {  	_ =	shalt  }
0x42: {  	_ =	shalt  }
0x43: {  	_ =	shalt  }
0x44: {  	_ =	shalt  }
0x45: {  	_ =	shalt  }
0x46: {  	_ =	shalt  }
0x47: {  	_ =	shalt  }
0x48: {  	_ =	shalt  }
0x49: {  	_ =	shalt  }
0x4a: {  	_ =	shalt  }
0x4b: {  	_ =	shalt  }
0x4c: {  	_ =	shalt  }
0x4d: {  	_ =	shalt  }
0x4e: {  	_ =	shalt  }
0x4f: {  	_ =	shalt  }
0x50: {  	_ =	shalt  }
0x51: {  	_ =	shalt  }
0x52: {  	_ =	shalt  }
0x53: {  	_ =	shalt  }
0x54: {  	_ =	shalt  }
0x55: {  	_ =	shalt  }
0x56: {  	_ =	shalt  }
0x57: {  	_ =	shalt  }
0x58: {  	_ =	shalt  }
0x59: {  	_ =	shalt  }
0x5a: {  	_ =	shalt  }
0x5b: {  	_ =	shalt  }
0x5c: {  	_ =	shalt  }
0x5d: {  	_ =	shalt  }
0x5e: {  	_ =	shalt  }
0x5f: {  	_ =	shalt  }
0x60: {  	_ =	shalt  }
0x61: {  	_ =	shalt  }
0x62: {  	_ =	shalt  }
0x63: {  	_ =	shalt  }
0x64: {  	_ =	shalt  }
0x65: {  	_ =	shalt  }
0x66: {  	_ =	shalt  }
0x67: {  	_ =	shalt  }
0x68: {  	_ =	shalt  }
0x69: {  	_ =	shalt  }
0x6a: {  	_ =	shalt  }
0x6b: {  	_ =	shalt  }
0x6c: {  	_ =	shalt  }
0x6d: {  	_ =	shalt  }
0x6e: {  	_ =	shalt  }
0x6f: {  	_ =	shalt  }
0x70: {  	_ =	shalt  }
0x71: {  	_ =	shalt  }
0x72: {  	_ =	shalt  }
0x73: {  	_ =	shalt  }
0x74: {  	_ =	shalt  }
0x75: {  	_ =	shalt  }
0x76: {  	_ =	shalt  }
0x77: {  	_ =	shalt  }
0x78: {  	_ =	shalt  }
0x79: {  	_ =	shalt  }
0x7a: {  	_ =	shalt  }
0x7b: {  	_ =	shalt  }
0x7c: {  	_ =	shalt  }
0x7d: {  	_ =	shalt  }
0x7e: {  	_ =	shalt  }
0x7f: {  	_ =	shalt  }
0x80: {  	_ =	shalt  }
0x81: {  	_ =	shalt  }
0x82: {  	_ =	shalt  }
0x83: {  	_ =	shalt  }
0x84: {  	_ =	shalt  }
0x85: {  	_ =	shalt  }
0x86: {  	_ =	shalt  }
0x87: {  	_ =	shalt  }
.Lfunc_end0:
.L_simem_size_0:
called_computation_lowered:
.L_overlay_start_0:
0x88: {  	s2 =	sld [smem:$0x3FD9]  }
0x89: {  	s3 =	sld [smem:$0x3FFE];
	_ =	sdelay $0x1  }
0x8a: {  	s1 =	srdreg.scid  }
0x8b: {  	s0 =	sand.u32 $0x1, s1  }
0x8c: {  	s14 =	sshll.u32 s0, $0xA;
	s2 =	sadd.s32 s3, s2  }
0x8d: {  	s2 =	sadd.s32 s2, s14  }
0x8e: {  	[smem:$0x3FC1] =	sst s2  }
0x8f: {  	_ = 	snop  }
0x90: {  	s2 =	sld [smem:$0x3FD0];
	_ =	sdelay $0x1  }
0x91: {  	s15 =	sld [smem:$0x3FC4]  }
0x92: {  	s5 =	simm.s32 $0xA;
	s6 =	simm.s32 $0x10;
	s4 =	sld [smem:$0x3FC3]  }
0x93: {  	[smem:s6], [sflag:s5] =	dma.local [hbm:s2], $0x1  }
0x94: {  	_ =	swait.eq [sflag:s5], $0x1  }
0x95: {  	[sflag:s5] =	ssyncset.done $0x0  }
0x96: {  	s16 =	sld [smem:$0x10];
	[sflag:s5] =	ssyncadd.s32 $0xFFFFFFFF  }
0x97: {  	s17 =	sld [smem:$0x11];
	(tm) =	ssettm $0x1  }
0x98: {  	s18 =	sld [smem:$0x3FFB];
	_ =	sdelay $0x3  }
0x99: {  	_ =	strace s18  }
0x9a: {  	s6 =	sld [smem:$0x3FFC];
	_ =	sdelay $0x3  }
0x9b: {  	_ =	strace s6  }
0x9c: {  	s6 =	sld [smem:$0x3FFD];
	_ =	sdelay $0x3  }
0x9d: {  	_ =	strace s6  }
0x9e: {  	_ =	strace $0x8FFFFFFF  }
0x9f: {  	s19 =	sld [smem:$0x3FDB];
	_ =	sdelay $0x1  }
0xa0: {  	s7 =	simm.s32 $_scs_section_size  }
0xa1: {  	s8 =	simm.s32 $_size__tile_overlayer_lowered;
	s9 =	simm.s32 $_tile_overlayer_lowered  }
0xa2: {  	s22 =	simm.s32 $0x1BFF;
	s21 =	sshll.u32 s9, $0x1;
	s6 =	sadd.s32 s7, s19  }
0xa3: {  	s10 =	simm.s32 $0x0;
	s20 =	sshll.u32 s8, $0x1;
	s8 =	sadd.s32 s21, s6  }
0xa4: {  	[timem:s10], [sflag:s22] =	dma.local [hbm:s8], s20  }
0xa5: {  	_ =	swait.ge [sflag:s22], s20  }
0xa6: {  	s7 =	ssub.s32 $0x0, s20;
	[sflag:s22] =	ssyncset.done $0x0  }
0xa7: {  	[sflag:s22] =	ssyncadd.s32 s7;
	_ =	sdelay $0x1  }
0xa8: {  	s23 =	simm.s32 $0x1B8B  }
0xa9: {  	_ =	swait.ge [sflag:s23], $0x1  }
0xaa: {  	[sflag:s23] =	ssyncset.done $0x0  }
0xab: {  	s25 =	simm.s32 $0x1B8E;
	s24 =	sld [smem:$0x3FFE];
	[sflag:s23] =	ssyncadd.s32 $0xFFFFFFFF  }
0xac: {  	s26 =	simm.s32 $execute0_lowered;
	[smem:$0x3FD2] =	sst s25  }
0xad: {  	s8 =	sshll.u32 s26, $0x1;
	_ =	strace $0x80000046;
	[dreg:$0x1] =	wrdreg $0xFFFFFFFF  }
0xae: {  	s28 =	simm.s32 $_size_execute0_lowered;
	s6 =	sadd.s32 s6, s8;
	[dreg:$0x0] =	wrdreg $0x0  }
0xaf: {  	s8 =	sshll.u32 s28, $0x1;
	[dreg:$0x2] =	wrdreg s6  }
0xb0: {  	[dreg:$0x3] =	wrdreg s8  }
0xb1: {  	[dreg:$0x4] =	wrdreg $0xC0  }
0xb2: {  	_ =	task [dreg:s10], $0x5FFFF  }
0xb3: {  	[dreg:$0x1] =	wrdreg $0xFFFFFFFF  }
0xb4: {  	[dreg:$0x0] =	wrdreg $0x60  }
0xb5: {  	[dreg:$0x2] =	wrdreg s24  }
0xb6: {  	[dreg:$0x3] =	wrdreg s15  }
0xb7: {  	[dreg:$0x4] =	wrdreg s4  }
0xb8: {  	[dreg:$0x5] =	wrdreg s16  }
0xb9: {  	[dreg:$0x6] =	wrdreg s17  }
0xba: {  	[dreg:$0x7] =	wrdreg $0x9  }
0xbb: {  	_ =	task.clear_ibuf [dreg:s10], $0x8FFFF;
	_ =	strace $0x90000046  }
0xbc: {  	s29 =	simm.s32 $0x9;
	_ =	strace $0x80000048  }
0xbd: {  	_ =	swait.ge [sflag:s29], $0x1  }
0xbe: {  	[sflag:s29] =	ssyncadd.s32 $0xFFFFFFFF  }
0xbf: {  	_ =	strace $0x90000048  }
0xc0: {  	_ =	sfence  }
0xc1: {  	s30 =	sld [smem:$0x0];
	_ =	sdelay $0x2  }
0xc2: {  	s31 =	sshll.u32 s1, $0xD;
	s1 =	sshrl.u32 s1, $0x2  }
0xc3: {  	s3 =	sand.u32 $0x4000, s31;
	s1 =	sadd.s32 s1, s30  }
0xc4: {  	s0 =	sor.u32 s3, s0;
	s1 =	sshll.u32 s1, $0x11  }
0xc5: {  	s0 =	sor.u32 s1, s0  }
0xc6: {  	s0 =	sadd.s32 $0x8F2B, s0  }
0xc7: {  	[sflag:s0] =	ssyncadd.remote.s32 $0x1  }
0xc8: {  	_ =	sfence.sel $0xFFFF  }
0xc9: {  	[dreg:$0x0] =	wrdreg $0xFFFFFFFF;
	(pc) =	sbr.abs _section_cstart, $3  }
0xca: {  	[dreg:$0x1] =	wrdreg $0xFFFFFFFF  }
0xcb: {  	_ =	task.clear_ibuf [dreg:s10], $0x2FFFF;
	_ =	strace $0x9FFFFFFF  }
0xcc: {  	(tm) =	ssettm $0x7FFFFFFF  }
0xcd: {  	_ =	shalt  }
tec
execute0_lowered:
.L_overlay_start_1:
0x0: {  	(tag) =	ssettag $0x1  }
0x1: {  	s0 =	rddreg [dreg:$0x0]  }
0x2: {  	s1 =	rddreg [dreg:$0x1]  }
0x3: {  	s6 =	rddreg [dreg:$0x2]  }
0x4: {  	s7 =	rddreg [dreg:$0x3]  }
0x5: {  	s8 =	rddreg [dreg:$0x4]  }
0x6: {  	s2 =	simm.s32 $0x0;
	s3 =	srdreg.scid;
	s5 =	stileid.u32  }
0x7: {  	s12 =	simm.s32 $0x80;
	s13 =	simm.s32 $0x10400;
	s20 =	simm.s32 $0xF4240  }
0x8: {  	s31 =	simm.s32 $0x2600;
	s14 =	simm.s32 $0x3200;
	s15 =	simm.s32 $0x3600  }
0x9: {  	s16 =	simm.s32 $0x3A00;
	s17 =	simm.s32 $0x3E00;
	s18 =	simm.s32 $0x1  }
0xa: {  	s19 =	simm.s32 $0x2;
	s21 =	simm.s32 $0x8200;
	s22 =	simm.s32 $0x10  }
0xb: {  	s23 =	simm.s32 $0x0;
	[smem:$0x7FF] =	sst s2;
	s4 =	sand.u32 $0x1, s3  }
0xc: {  	s5 =	sshll.u32 s5, $0xA;
	s3 =	sadd.s32 $0xE00, s0;
	_ =	strace $0x80000047  }
0xd: {  	s9 =	sshll.u32 s4, $0x9;
	s10 =	ssub.s32 $0x2, s4;
	s4 =	sadd.s32 $0x928A00, s0  }
.Ltmp0:
0xe: {  	s9 =	sor.u32 s9, s5;
	s29 =	sshrl.u32 s10, $0x1;
	(pc) =	sbr.rel .LBB2_1-.Ltmp0, $4  }
0xf: {  	v0 =	vlaneseq.u32;
	s11 =	sshrl.u32 s9, $0x3;
	s0 =	ssub.s32 s10, s29;
	s30 =	sshll.u32 s9, $0x3  }
0x10: {  	v0 =	vmul.u32 $0x10, v0;
	s10 =	simm.s32 $0x3;
	s5 =	sadd.s32 s1, s11;
	s6 =	sadd.s32 s6, s11  }
0x11: {  	s7 =	sadd.s32 s7, s30;
	s8 =	sadd.s32 s8, s30;
	s9 =	smax.u32 s0, $0x1  }
0x12: {  	v1 =	vor.u32 $0x100, v0;
	v2 =	vor.u32 $0x200, v0;
	v3 =	vor.u32 $0x300, v0;
	s11 =	simm.s32 $0x10200;
	s0 =	simm.s32 $0x2A00;
	s1 =	simm.s32 $0x2E00  }
.LBB2_5:
0x13: {  	_ =	swait.ge [sflag:s19], $0x2000  }
0x14: {  	[sflag:s19] =	ssyncset.done $0x0  }
0x15: {  	[sflag:s19] =	ssyncadd.s32 $0xFFFFE000  }
0x16: {  	_ =	swait.ge [sflag:s19], $0x2000  }
0x17: {  	[sflag:s19] =	ssyncset.done $0x0  }
0x18: {  	[sflag:s19] =	ssyncadd.s32 $0xFFFFE000  }
0x19: {  	_ =	swait.ge [sflag:s19], $0x2000  }
0x1a: {  	[sflag:s19] =	ssyncset.done $0x0  }
0x1b: {  	[sflag:s19] =	ssyncadd.s32 $0xFFFFE000  }
0x1c: {  	_ =	swait.ge [sflag:s19], $0x2000  }
0x1d: {  	[sflag:s19] =	ssyncset.done $0x0  }
0x1e: {  	[sflag:s19] =	ssyncadd.s32 $0xFFFFE000  }
0x1f: {  	[hbm4b:s7+s2] =	stream.linear.scatter [tilespmem:s21], [sflag:$0x3], $0x8000, $0x38;
	[tilespmem:$0x18400] =	vst v63  }
0x20: {  	s23 =	sadd.s32 $0x1, s23;
	_ =	swait.ge [sflag:s10], $0x8000  }
0x21: {  	p0 =	sne.s32 s23, s9;
	[sflag:s10] =	ssyncset.done $0x0  }
.Ltmp1:
0x22: {  	[sflag:s10] =	ssyncadd.s32 $0xFFFF8000;
	(pc) =	sbr.rel @!p0 .LBB2_6-.Ltmp1, $4  }
0x23: {  	[hbm4b:s8+s2] =	stream.linear.scatter [tilespmem:s13], [sflag:$0x3], $0x8000, $0x38;
	[tilespmem:$0x18400] =	vst v63  }
0x24: {  	_ =	swait.ge [sflag:s10], $0x8000  }
0x25: {  	[sflag:s10] =	ssyncset.done $0x0  }
0x26: {  	[sflag:s10] =	ssyncadd.s32 $0xFFFF8000  }
.LBB2_1:
0x27: {  	[tilespmem:s2], [sflag:$0x3] =	stream.linear.gather [hbm4b:s5+s2], $0x200, $0x38;
	[tilespmem:$0x18400] =	vst v63  }
0x28: {  	_ =	swait.ge [sflag:s10], $0x200  }
0x29: {  	[sflag:s10] =	ssyncset.done $0x0  }
0x2a: {  	[sflag:s10] =	ssyncadd.s32 $0xFFFFFE00  }
0x2b: {  	[tilespmem:s11], [sflag:$0x3] =	stream.linear.gather [hbm4b:s6+s2], $0x200, $0x38;
	[tilespmem:$0x18400] =	vst v63  }
0x2c: {  	_ =	swait.ge [sflag:s10], $0x200  }
0x2d: {  	[sflag:s10] =	ssyncset.done $0x0  }
0x2e: {  	[sflag:s10] =	ssyncadd.s32 $0xFFFFFE00  }
0x2f: {  	[tilespmem:s13], [sflag:$0x2] =	stream.indirect.gather [hbm4b:s4+s12], $0x40, s11, s12, $0xb8;
	[tilespmem:$0x18400] =	vst v63  }
0x30: {  	s24 =	simm.s32 $0x10280;
	s25 =	simm.s32 $0x12400  }
0x31: {  	[tilespmem:s25], [sflag:$0x2] =	stream.indirect.gather [hbm4b:s4+s12], $0x40, s24, s12, $0xb8;
	[tilespmem:$0x18400] =	vst v63  }
0x32: {  	s26 =	simm.s32 $0x10300;
	s28 =	simm.s32 $0x14400  }
0x33: {  	[tilespmem:s28], [sflag:$0x2] =	stream.indirect.gather [hbm4b:s4+s12], $0x40, s26, s12, $0xb8;
	[tilespmem:$0x18400] =	vst v63  }
0x34: {  	s29 =	simm.s32 $0x10380;
	s30 =	simm.s32 $0x16400  }
0x35: {  	[tilespmem:s30], [sflag:$0x2] =	stream.indirect.gather [hbm4b:s4+s12], $0x40, s29, s12, $0xb8;
	[tilespmem:$0x18400] =	vst v63  }
0x36: {  	v4 =	vld [tilespmem:$0x0];
	_ =	sdelay $0x4  }
0x37: {  	v4 =	vand.u32 $0xFFFFFFF0, v4  }
0x38: {  	v4 =	vshrl.u32 v4, $0x3  }
0x39: {  	v4 =	vadd.s32 s3, v4  }
0x3a: {  	(v2sf) =	vpush v4, $0x0;
	_ =	sdelay $0x1  }
0x3b: {  	(v2sf) =	vpush v4, $0x1;
	_ =	sdelay $0x1  }
0x3c: {  	(v2sf) =	vpush v4, $0x2;
	_ =	sdelay $0x1  }
0x3d: {  	(v2sf) =	vpush v4, $0x3;
	_ =	sdelay $0x1  }
0x3e: {  	(v2sf) =	vpush v4, $0x4;
	_ =	sdelay $0x1  }
0x3f: {  	(v2sf) =	vpush v4, $0x5;
	_ =	sdelay $0x1  }
0x40: {  	(v2sf) =	vpush v4, $0x6;
	_ =	sdelay $0x1  }
0x41: {  	(v2sf) =	vpush v4, $0x7  }
0x42: {  	s28 =	simm.s32 $0x200;
	s26 =	spop (v2sf)  }
0x43: {  	(v2sf) =	vpush v4, $0x8;
	[tilespmem:s28], [sflag:$0x1] =	stream.strided.gather [hbm4b:s26+s22], $0x400, s20, s22, $0x38;
	[tilespmem:$0x18400] =	vst v63  }
0x44: {  	s30 =	simm.s32 $0x600;
	s29 =	spop (v2sf)  }
0x45: {  	(v2sf) =	vpush v4, $0x9;
	[tilespmem:s30], [sflag:$0x1] =	stream.strided.gather [hbm4b:s29+s22], $0x400, s20, s22, $0x38;
	[tilespmem:$0x18400] =	vst v63  }
0x46: {  	s28 =	simm.s32 $0xA00;
	s26 =	spop (v2sf)  }
0x47: {  	(v2sf) =	vpush v4, $0xA;
	[tilespmem:s28], [sflag:$0x1] =	stream.strided.gather [hbm4b:s26+s22], $0x400, s20, s22, $0x38;
	[tilespmem:$0x18400] =	vst v63  }
0x48: {  	s29 =	spop (v2sf);
	s30 =	simm.s32 $0xE00  }
0x49: {  	(v2sf) =	vpush v4, $0xB;
	[tilespmem:s30], [sflag:$0x1] =	stream.strided.gather [hbm4b:s29+s22], $0x400, s20, s22, $0x38;
	[tilespmem:$0x18400] =	vst v63  }
0x4a: {  	s26 =	spop (v2sf);
	s28 =	simm.s32 $0x1200  }
0x4b: {  	(v2sf) =	vpush v4, $0xC;
	[tilespmem:s28], [sflag:$0x1] =	stream.strided.gather [hbm4b:s26+s22], $0x400, s20, s22, $0x38;
	[tilespmem:$0x18400] =	vst v63  }
0x4c: {  	s29 =	spop (v2sf);
	s30 =	simm.s32 $0x1600  }
0x4d: {  	(v2sf) =	vpush v4, $0xD;
	[tilespmem:s30], [sflag:$0x1] =	stream.strided.gather [hbm4b:s29+s22], $0x400, s20, s22, $0x38;
	[tilespmem:$0x18400] =	vst v63  }
0x4e: {  	s26 =	spop (v2sf);
	s28 =	simm.s32 $0x1A00  }
0x4f: {  	[tilespmem:s28], [sflag:$0x1] =	stream.strided.gather [hbm4b:s26+s22], $0x400, s20, s22, $0x38;
	[tilespmem:$0x18400] =	vst v63  }
0x50: {  	(v2sf) =	vpush v4, $0xE;
	s29 =	spop (v2sf);
	s30 =	simm.s32 $0x1E00  }
0x51: {  	[tilespmem:s30], [sflag:$0x1] =	stream.strided.gather [hbm4b:s29+s22], $0x400, s20, s22, $0x38;
	[tilespmem:$0x18400] =	vst v63  }
0x52: {  	(v2sf) =	vpush v4, $0xF;
	s28 =	simm.s32 $0x2200;
	s26 =	spop (v2sf)  }
0x53: {  	[tilespmem:s28], [sflag:$0x1] =	stream.strided.gather [hbm4b:s26+s22], $0x400, s20, s22, $0x38;
	[tilespmem:$0x18400] =	vst v63  }
0x54: {  	s29 =	spop (v2sf)  }
0x55: {  	[tilespmem:s31], [sflag:$0x1] =	stream.strided.gather [hbm4b:s29+s22], $0x400, s20, s22, $0x38;
	[tilespmem:$0x18400] =	vst v63  }
0x56: {  	s30 =	spop (v2sf)  }
0x57: {  	[tilespmem:s0], [sflag:$0x1] =	stream.strided.gather [hbm4b:s30+s22], $0x400, s20, s22, $0x38;
	[tilespmem:$0x18400] =	vst v63  }
0x58: {  	s25 =	spop (v2sf)  }
0x59: {  	[tilespmem:s1], [sflag:$0x1] =	stream.strided.gather [hbm4b:s25+s22], $0x400, s20, s22, $0x38;
	[tilespmem:$0x18400] =	vst v63  }
0x5a: {  	s26 =	spop (v2sf)  }
0x5b: {  	[tilespmem:s14], [sflag:$0x1] =	stream.strided.gather [hbm4b:s26+s22], $0x400, s20, s22, $0x38;
	[tilespmem:$0x18400] =	vst v63  }
0x5c: {  	s28 =	spop (v2sf)  }
0x5d: {  	[tilespmem:s15], [sflag:$0x1] =	stream.strided.gather [hbm4b:s28+s22], $0x400, s20, s22, $0x38;
	[tilespmem:$0x18400] =	vst v63  }
.Ltmp2:
0x5e: {  	_ = 	snop;
	(pc) =	sbr.rel .LBB2_2-.Ltmp2, $4  }
0x5f: {  	s24 =	simm.s32 $0x8400;
	s29 =	spop (v2sf)  }
0x60: {  	[tilespmem:s16], [sflag:$0x1] =	stream.strided.gather [hbm4b:s29+s22], $0x400, s20, s22, $0x38;
	[tilespmem:$0x18400] =	vst v63  }
0x61: {  	s25 =	simm.s32 $0x4000;
	s26 =	simm.s32 $0x10;
	s30 =	spop (v2sf)  }
0x62: {  	[tilespmem:s17], [sflag:$0x1] =	stream.strided.gather [hbm4b:s30+s22], $0x400, s20, s22, $0x38;
	[tilespmem:$0x18400] =	vst v63  }
.LBB2_4:
0x63: {  	v4 =	vld [tilespmem:s26+$0xFFFFFFF0];
	_ =	swait.ge [sflag:s18], $0x400  }
0x64: {  	[sflag:s18] =	ssyncset.done $0x0  }
0x65: {  	[sflag:s18] =	ssyncadd.s32 $0xFFFFFC00  }
0x66: {  	_ =	swait.ge [sflag:s18], $0x400  }
0x67: {  	[sflag:s18] =	ssyncset.done $0x0  }
0x68: {  	[sflag:s18] =	ssyncadd.s32 $0xFFFFFC00  }
0x69: {  	_ =	swait.ge [sflag:s18], $0x400  }
0x6a: {  	[sflag:s18] =	ssyncset.done $0x0  }
0x6b: {  	[sflag:s18] =	ssyncadd.s32 $0xFFFFFC00  }
0x6c: {  	_ =	swait.ge [sflag:s18], $0x400  }
0x6d: {  	[sflag:s18] =	ssyncset.done $0x0  }
0x6e: {  	[sflag:s18] =	ssyncadd.s32 $0xFFFFFC00  }
0x6f: {  	_ =	swait.ge [sflag:s18], $0x400  }
0x70: {  	[sflag:s18] =	ssyncset.done $0x0  }
0x71: {  	[sflag:s18] =	ssyncadd.s32 $0xFFFFFC00  }
0x72: {  	_ =	swait.ge [sflag:s18], $0x400  }
0x73: {  	[sflag:s18] =	ssyncset.done $0x0  }
0x74: {  	[sflag:s18] =	ssyncadd.s32 $0xFFFFFC00  }
0x75: {  	_ =	swait.ge [sflag:s18], $0x400  }
0x76: {  	[sflag:s18] =	ssyncset.done $0x0  }
0x77: {  	[sflag:s18] =	ssyncadd.s32 $0xFFFFFC00  }
0x78: {  	_ =	swait.ge [sflag:s18], $0x400  }
0x79: {  	[sflag:s18] =	ssyncset.done $0x0  }
0x7a: {  	[sflag:s18] =	ssyncadd.s32 $0xFFFFFC00  }
0x7b: {  	_ =	swait.ge [sflag:s18], $0x400  }
0x7c: {  	[sflag:s18] =	ssyncset.done $0x0  }
0x7d: {  	[sflag:s18] =	ssyncadd.s32 $0xFFFFFC00  }
0x7e: {  	_ =	swait.ge [sflag:s18], $0x400  }
0x7f: {  	[sflag:s18] =	ssyncset.done $0x0  }
0x80: {  	[sflag:s18] =	ssyncadd.s32 $0xFFFFFC00  }
0x81: {  	_ =	swait.ge [sflag:s18], $0x400  }
0x82: {  	[sflag:s18] =	ssyncset.done $0x0  }
0x83: {  	[sflag:s18] =	ssyncadd.s32 $0xFFFFFC00  }
0x84: {  	_ =	swait.ge [sflag:s18], $0x400  }
0x85: {  	[sflag:s18] =	ssyncset.done $0x0  }
0x86: {  	[sflag:s18] =	ssyncadd.s32 $0xFFFFFC00  }
0x87: {  	_ =	swait.ge [sflag:s18], $0x400  }
0x88: {  	[sflag:s18] =	ssyncset.done $0x0  }
0x89: {  	[sflag:s18] =	ssyncadd.s32 $0xFFFFFC00  }
0x8a: {  	_ =	swait.ge [sflag:s18], $0x400  }
0x8b: {  	v4 =	vand.u32 $0xF, v4;
	[sflag:s18] =	ssyncset.done $0x0  }
0x8c: {  	v5 =	vbroadcast v4, $0x0;
	[sflag:s18] =	ssyncadd.s32 $0xFFFFFC00  }
0x8d: {  	_ =	swait.ge [sflag:s18], $0x400  }
0x8e: {  	v6 =	vor.u32 v0, v5;
	[sflag:s18] =	ssyncset.done $0x0  }
0x8f: {  	[sflag:s18] =	ssyncadd.s32 $0xFFFFFC00  }
0x90: {  	s28 =	sadd.s32 $0xFFFFC000, s25;
	_ =	swait.ge [sflag:s18], $0x400  }
0x91: {  	s28 =	sand.u32 $0x4000, s28;
	[sflag:s18] =	ssyncset.done $0x0  }
0x92: {  	s29 =	sor.u32 $0x200, s28;
	[sflag:s18] =	ssyncadd.s32 $0xFFFFFC00  }
0x93: {  	v6 =	vld.idx.msk [tilespmem:v6+s29+$0x0], $0xffff  }
0x94: {  	v7 =	vor.u32 v1, v5;
	_ =	sdelay $0x3  }
0x95: {  	[tilespmem:s24+$0xFFFFFE00] =	vst v6  }
0x96: {  	v6 =	vld.idx.msk [tilespmem:v7+s29+$0x0], $0xffff  }
0x97: {  	v11 =	vor.u32 v2, v5;
	_ =	sdelay $0x3  }
0x98: {  	[tilespmem:s24+$0xFFFFFE10] =	vst v6  }
0x99: {  	v6 =	vld.idx.msk [tilespmem:v11+s29+$0x0], $0xffff  }
0x9a: {  	v5 =	vor.u32 v3, v5;
	_ =	sdelay $0x3  }
0x9b: {  	v12 =	vbroadcast v4, $0x1;
	[tilespmem:s24+$0xFFFFFE20] =	vst v6  }
0x9c: {  	v5 =	vld.idx.msk [tilespmem:v5+s29+$0x0], $0xffff  }
0x9d: {  	v13 =	vor.u32 v0, v12;
	_ =	sdelay $0x3  }
0x9e: {  	s30 =	sor.u32 $0x600, s28;
	[tilespmem:s24+$0xFFFFFE30] =	vst v5  }
0x9f: {  	v5 =	vld.idx.msk [tilespmem:v13+s30+$0x0], $0xffff  }
0xa0: {  	v14 =	vor.u32 v1, v12;
	_ =	sdelay $0x3  }
0xa1: {  	[tilespmem:s24+$0xFFFFFE40] =	vst v5  }
0xa2: {  	v5 =	vld.idx.msk [tilespmem:v14+s30+$0x0], $0xffff  }
0xa3: {  	v15 =	vor.u32 v2, v12;
	_ =	sdelay $0x3  }
0xa4: {  	[tilespmem:s24+$0xFFFFFE50] =	vst v5  }
0xa5: {  	v5 =	vld.idx.msk [tilespmem:v15+s30+$0x0], $0xffff  }
0xa6: {  	v6 =	vor.u32 v3, v12;
	_ =	sdelay $0x3  }
0xa7: {  	[tilespmem:s24+$0xFFFFFE60] =	vst v5;
	v5 =	vbroadcast v4, $0x2  }
0xa8: {  	v6 =	vld.idx.msk [tilespmem:v6+s30+$0x0], $0xffff  }
0xa9: {  	v16 =	vor.u32 v0, v5;
	_ =	sdelay $0x3  }
0xaa: {  	s30 =	sor.u32 $0xA00, s28;
	[tilespmem:s24+$0xFFFFFE70] =	vst v6  }
0xab: {  	v6 =	vld.idx.msk [tilespmem:v16+s30+$0x0], $0xffff  }
0xac: {  	v17 =	vor.u32 v1, v5;
	_ =	sdelay $0x3  }
0xad: {  	[tilespmem:s24+$0xFFFFFE80] =	vst v6  }
0xae: {  	v6 =	vld.idx.msk [tilespmem:v17+s30+$0x0], $0xffff  }
0xaf: {  	v18 =	vor.u32 v2, v5;
	_ =	sdelay $0x3  }
0xb0: {  	[tilespmem:s24+$0xFFFFFE90] =	vst v6  }
0xb1: {  	v6 =	vld.idx.msk [tilespmem:v18+s30+$0x0], $0xffff  }
0xb2: {  	v5 =	vor.u32 v3, v5;
	_ =	sdelay $0x3  }
0xb3: {  	v19 =	vbroadcast v4, $0x3;
	[tilespmem:s24+$0xFFFFFEA0] =	vst v6  }
0xb4: {  	v5 =	vld.idx.msk [tilespmem:v5+s30+$0x0], $0xffff  }
0xb5: {  	v20 =	vor.u32 v0, v19;
	_ =	sdelay $0x3  }
0xb6: {  	s30 =	sor.u32 $0xE00, s28;
	[tilespmem:s24+$0xFFFFFEB0] =	vst v5  }
0xb7: {  	v5 =	vld.idx.msk [tilespmem:v20+s30+$0x0], $0xffff  }
0xb8: {  	v21 =	vor.u32 v1, v19;
	_ =	sdelay $0x3  }
0xb9: {  	[tilespmem:s24+$0xFFFFFEC0] =	vst v5  }
0xba: {  	v5 =	vld.idx.msk [tilespmem:v21+s30+$0x0], $0xffff  }
0xbb: {  	v22 =	vor.u32 v2, v19;
	_ =	sdelay $0x3  }
0xbc: {  	[tilespmem:s24+$0xFFFFFED0] =	vst v5  }
0xbd: {  	v5 =	vld.idx.msk [tilespmem:v22+s30+$0x0], $0xffff  }
0xbe: {  	v6 =	vor.u32 v3, v19;
	_ =	sdelay $0x3  }
0xbf: {  	[tilespmem:s24+$0xFFFFFEE0] =	vst v5;
	v5 =	vbroadcast v4, $0x4  }
0xc0: {  	v6 =	vld.idx.msk [tilespmem:v6+s30+$0x0], $0xffff  }
0xc1: {  	v23 =	vor.u32 v0, v5;
	_ =	sdelay $0x3  }
0xc2: {  	s30 =	sor.u32 $0x1200, s28;
	[tilespmem:s24+$0xFFFFFEF0] =	vst v6  }
0xc3: {  	v6 =	vld.idx.msk [tilespmem:v23+s30+$0x0], $0xffff  }
0xc4: {  	v24 =	vor.u32 v1, v5;
	_ =	sdelay $0x3  }
0xc5: {  	[tilespmem:s24+$0xFFFFFF00] =	vst v6  }
0xc6: {  	v6 =	vld.idx.msk [tilespmem:v24+s30+$0x0], $0xffff  }
0xc7: {  	v25 =	vor.u32 v2, v5;
	_ =	sdelay $0x3  }
0xc8: {  	[tilespmem:s24+$0xFFFFFF10] =	vst v6  }
0xc9: {  	v6 =	vld.idx.msk [tilespmem:v25+s30+$0x0], $0xffff  }
0xca: {  	v5 =	vor.u32 v3, v5;
	_ =	sdelay $0x3  }
0xcb: {  	v26 =	vbroadcast v4, $0x5;
	[tilespmem:s24+$0xFFFFFF20] =	vst v6  }
0xcc: {  	v5 =	vld.idx.msk [tilespmem:v5+s30+$0x0], $0xffff  }
0xcd: {  	v27 =	vor.u32 v0, v26;
	_ =	sdelay $0x3  }
0xce: {  	s30 =	sor.u32 $0x1600, s28;
	[tilespmem:s24+$0xFFFFFF30] =	vst v5  }
0xcf: {  	v5 =	vld.idx.msk [tilespmem:v27+s30+$0x0], $0xffff  }
0xd0: {  	v28 =	vor.u32 v1, v26;
	_ =	sdelay $0x3  }
0xd1: {  	[tilespmem:s24+$0xFFFFFF40] =	vst v5  }
0xd2: {  	v5 =	vld.idx.msk [tilespmem:v28+s30+$0x0], $0xffff  }
0xd3: {  	v29 =	vor.u32 v2, v26;
	_ =	sdelay $0x3  }
0xd4: {  	[tilespmem:s24+$0xFFFFFF50] =	vst v5  }
0xd5: {  	v5 =	vld.idx.msk [tilespmem:v29+s30+$0x0], $0xffff  }
0xd6: {  	v6 =	vor.u32 v3, v26;
	_ =	sdelay $0x3  }
0xd7: {  	[tilespmem:s24+$0xFFFFFF60] =	vst v5;
	v5 =	vbroadcast v4, $0x6  }
0xd8: {  	v6 =	vld.idx.msk [tilespmem:v6+s30+$0x0], $0xffff  }
0xd9: {  	v30 =	vor.u32 v0, v5;
	_ =	sdelay $0x3  }
0xda: {  	s30 =	sor.u32 $0x1A00, s28;
	[tilespmem:s24+$0xFFFFFF70] =	vst v6  }
0xdb: {  	v6 =	vld.idx.msk [tilespmem:v30+s30+$0x0], $0xffff  }
0xdc: {  	v31 =	vor.u32 v1, v5;
	_ =	sdelay $0x3  }
0xdd: {  	[tilespmem:s24+$0xFFFFFF80] =	vst v6  }
0xde: {  	v6 =	vld.idx.msk [tilespmem:v31+s30+$0x0], $0xffff  }
0xdf: {  	v32 =	vor.u32 v2, v5;
	_ =	sdelay $0x3  }
0xe0: {  	[tilespmem:s24+$0xFFFFFF90] =	vst v6  }
0xe1: {  	v6 =	vld.idx.msk [tilespmem:v32+s30+$0x0], $0xffff  }
0xe2: {  	v5 =	vor.u32 v3, v5;
	_ =	sdelay $0x3  }
0xe3: {  	v33 =	vbroadcast v4, $0x7;
	[tilespmem:s24+$0xFFFFFFA0] =	vst v6  }
0xe4: {  	v5 =	vld.idx.msk [tilespmem:v5+s30+$0x0], $0xffff  }
0xe5: {  	v34 =	vor.u32 v0, v33;
	_ =	sdelay $0x3  }
0xe6: {  	s30 =	sor.u32 $0x1E00, s28;
	[tilespmem:s24+$0xFFFFFFB0] =	vst v5  }
0xe7: {  	v5 =	vld.idx.msk [tilespmem:v34+s30+$0x0], $0xffff  }
0xe8: {  	v35 =	vor.u32 v1, v33;
	_ =	sdelay $0x3  }
0xe9: {  	[tilespmem:s24+$0xFFFFFFC0] =	vst v5  }
0xea: {  	v5 =	vld.idx.msk [tilespmem:v35+s30+$0x0], $0xffff  }
0xeb: {  	v36 =	vor.u32 v2, v33;
	_ =	sdelay $0x3  }
0xec: {  	[tilespmem:s24+$0xFFFFFFD0] =	vst v5  }
0xed: {  	v5 =	vld.idx.msk [tilespmem:v36+s30+$0x0], $0xffff  }
0xee: {  	v6 =	vor.u32 v3, v33;
	_ =	sdelay $0x3  }
0xef: {  	[tilespmem:s24+$0xFFFFFFE0] =	vst v5;
	v5 =	vbroadcast v4, $0x8  }
0xf0: {  	v6 =	vld.idx.msk [tilespmem:v6+s30+$0x0], $0xffff  }
0xf1: {  	v37 =	vor.u32 v0, v5;
	_ =	sdelay $0x3  }
0xf2: {  	s30 =	sor.u32 $0x2200, s28;
	[tilespmem:s24+$0xFFFFFFF0] =	vst v6  }
0xf3: {  	v6 =	vld.idx.msk [tilespmem:v37+s30+$0x0], $0xffff  }
0xf4: {  	v38 =	vor.u32 v1, v5;
	_ =	sdelay $0x3  }
0xf5: {  	[tilespmem:s24+$0x0] =	vst v6  }
0xf6: {  	v6 =	vld.idx.msk [tilespmem:v38+s30+$0x0], $0xffff  }
0xf7: {  	v39 =	vor.u32 v2, v5;
	_ =	sdelay $0x3  }
0xf8: {  	[tilespmem:s24+$0x10] =	vst v6  }
0xf9: {  	v6 =	vld.idx.msk [tilespmem:v39+s30+$0x0], $0xffff  }
0xfa: {  	v5 =	vor.u32 v3, v5;
	_ =	sdelay $0x3  }
0xfb: {  	v40 =	vbroadcast v4, $0x9;
	[tilespmem:s24+$0x20] =	vst v6  }
0xfc: {  	v5 =	vld.idx.msk [tilespmem:v5+s30+$0x0], $0xffff  }
0xfd: {  	v41 =	vor.u32 v0, v40;
	_ =	sdelay $0x3  }
0xfe: {  	s30 =	sor.u32 $0x2600, s28;
	[tilespmem:s24+$0x30] =	vst v5  }
0xff: {  	v5 =	vld.idx.msk [tilespmem:v41+s30+$0x0], $0xffff  }
0x100: {  	v42 =	vor.u32 v1, v40;
	_ =	sdelay $0x3  }
0x101: {  	[tilespmem:s24+$0x40] =	vst v5  }
0x102: {  	v5 =	vld.idx.msk [tilespmem:v42+s30+$0x0], $0xffff  }
0x103: {  	v43 =	vor.u32 v2, v40;
	_ =	sdelay $0x3  }
0x104: {  	[tilespmem:s24+$0x50] =	vst v5  }
0x105: {  	v5 =	vld.idx.msk [tilespmem:v43+s30+$0x0], $0xffff  }
0x106: {  	v6 =	vor.u32 v3, v40;
	_ =	sdelay $0x3  }
0x107: {  	[tilespmem:s24+$0x60] =	vst v5;
	v5 =	vbroadcast v4, $0xA  }
0x108: {  	v6 =	vld.idx.msk [tilespmem:v6+s30+$0x0], $0xffff  }
0x109: {  	v44 =	vor.u32 v0, v5;
	_ =	sdelay $0x3  }
0x10a: {  	s30 =	sor.u32 $0x2A00, s28;
	[tilespmem:s24+$0x70] =	vst v6  }
0x10b: {  	v6 =	vld.idx.msk [tilespmem:v44+s30+$0x0], $0xffff  }
0x10c: {  	v45 =	vor.u32 v1, v5;
	_ =	sdelay $0x3  }
0x10d: {  	[tilespmem:s24+$0x80] =	vst v6  }
0x10e: {  	v6 =	vld.idx.msk [tilespmem:v45+s30+$0x0], $0xffff  }
0x10f: {  	v46 =	vor.u32 v2, v5;
	_ =	sdelay $0x3  }
0x110: {  	[tilespmem:s24+$0x90] =	vst v6  }
0x111: {  	v6 =	vld.idx.msk [tilespmem:v46+s30+$0x0], $0xffff  }
0x112: {  	v5 =	vor.u32 v3, v5;
	_ =	sdelay $0x3  }
0x113: {  	v47 =	vbroadcast v4, $0xB;
	[tilespmem:s24+$0xA0] =	vst v6  }
0x114: {  	v5 =	vld.idx.msk [tilespmem:v5+s30+$0x0], $0xffff  }
0x115: {  	v48 =	vor.u32 v0, v47;
	_ =	sdelay $0x3  }
0x116: {  	s30 =	sor.u32 $0x2E00, s28;
	[tilespmem:s24+$0xB0] =	vst v5  }
0x117: {  	v5 =	vld.idx.msk [tilespmem:v48+s30+$0x0], $0xffff  }
0x118: {  	v49 =	vor.u32 v1, v47;
	_ =	sdelay $0x3  }
0x119: {  	[tilespmem:s24+$0xC0] =	vst v5  }
0x11a: {  	v5 =	vld.idx.msk [tilespmem:v49+s30+$0x0], $0xffff  }
0x11b: {  	v50 =	vor.u32 v2, v47;
	_ =	sdelay $0x3  }
0x11c: {  	[tilespmem:s24+$0xD0] =	vst v5  }
0x11d: {  	v5 =	vld.idx.msk [tilespmem:v50+s30+$0x0], $0xffff  }
0x11e: {  	v6 =	vor.u32 v3, v47;
	_ =	sdelay $0x3  }
0x11f: {  	[tilespmem:s24+$0xE0] =	vst v5;
	v5 =	vbroadcast v4, $0xC  }
0x120: {  	v6 =	vld.idx.msk [tilespmem:v6+s30+$0x0], $0xffff  }
0x121: {  	v51 =	vor.u32 v0, v5;
	_ =	sdelay $0x3  }
0x122: {  	s30 =	sor.u32 $0x3200, s28;
	[tilespmem:s24+$0xF0] =	vst v6  }
0x123: {  	v6 =	vld.idx.msk [tilespmem:v51+s30+$0x0], $0xffff  }
0x124: {  	v52 =	vor.u32 v1, v5;
	_ =	sdelay $0x3  }
0x125: {  	[tilespmem:s24+$0x100] =	vst v6  }
0x126: {  	v6 =	vld.idx.msk [tilespmem:v52+s30+$0x0], $0xffff  }
0x127: {  	v53 =	vor.u32 v2, v5;
	_ =	sdelay $0x3  }
0x128: {  	[tilespmem:s24+$0x110] =	vst v6  }
0x129: {  	v6 =	vld.idx.msk [tilespmem:v53+s30+$0x0], $0xffff  }
0x12a: {  	v5 =	vor.u32 v3, v5;
	_ =	sdelay $0x3  }
0x12b: {  	v54 =	vbroadcast v4, $0xD;
	[tilespmem:s24+$0x120] =	vst v6  }
0x12c: {  	v5 =	vld.idx.msk [tilespmem:v5+s30+$0x0], $0xffff  }
0x12d: {  	v55 =	vor.u32 v0, v54;
	_ =	sdelay $0x3  }
0x12e: {  	s30 =	sor.u32 $0x3600, s28;
	[tilespmem:s24+$0x130] =	vst v5  }
0x12f: {  	v5 =	vld.idx.msk [tilespmem:v55+s30+$0x0], $0xffff  }
0x130: {  	v56 =	vor.u32 v1, v54;
	_ =	sdelay $0x3  }
0x131: {  	[tilespmem:s24+$0x140] =	vst v5  }
0x132: {  	v5 =	vld.idx.msk [tilespmem:v56+s30+$0x0], $0xffff  }
0x133: {  	v57 =	vor.u32 v2, v54;
	_ =	sdelay $0x3  }
0x134: {  	[tilespmem:s24+$0x150] =	vst v5  }
0x135: {  	v5 =	vld.idx.msk [tilespmem:v57+s30+$0x0], $0xffff  }
0x136: {  	v6 =	vor.u32 v3, v54;
	_ =	sdelay $0x3  }
0x137: {  	[tilespmem:s24+$0x160] =	vst v5;
	v5 =	vbroadcast v4, $0xE  }
0x138: {  	v6 =	vld.idx.msk [tilespmem:v6+s30+$0x0], $0xffff  }
0x139: {  	v58 =	vor.u32 v0, v5;
	_ =	sdelay $0x3  }
0x13a: {  	s30 =	sor.u32 $0x3A00, s28;
	[tilespmem:s24+$0x170] =	vst v6  }
0x13b: {  	v6 =	vld.idx.msk [tilespmem:v58+s30+$0x0], $0xffff  }
0x13c: {  	v59 =	vor.u32 v1, v5;
	_ =	sdelay $0x3  }
0x13d: {  	[tilespmem:s24+$0x180] =	vst v6  }
0x13e: {  	v6 =	vld.idx.msk [tilespmem:v59+s30+$0x0], $0xffff  }
0x13f: {  	v60 =	vor.u32 v2, v5;
	_ =	sdelay $0x3  }
0x140: {  	[tilespmem:s24+$0x190] =	vst v6  }
0x141: {  	v6 =	vld.idx.msk [tilespmem:v60+s30+$0x0], $0xffff  }
0x142: {  	v5 =	vor.u32 v3, v5;
	_ =	sdelay $0x3  }
0x143: {  	v4 =	vbroadcast v4, $0xF;
	[tilespmem:s24+$0x1A0] =	vst v6  }
0x144: {  	v5 =	vld.idx.msk [tilespmem:v5+s30+$0x0], $0xffff  }
0x145: {  	v61 =	vor.u32 v0, v4;
	_ =	sdelay $0x3  }
0x146: {  	s28 =	sor.u32 $0x3E00, s28;
	[tilespmem:s24+$0x1B0] =	vst v5  }
0x147: {  	v5 =	vld.idx.msk [tilespmem:v61+s28+$0x0], $0xffff  }
0x148: {  	v62 =	vor.u32 v1, v4;
	_ =	sdelay $0x3  }
0x149: {  	[tilespmem:s24+$0x1C0] =	vst v5  }
0x14a: {  	v5 =	vld.idx.msk [tilespmem:v62+s28+$0x0], $0xffff  }
0x14b: {  	v63 =	vor.u32 v2, v4;
	_ =	sdelay $0x3  }
0x14c: {  	[tilespmem:s24+$0x1D0] =	vst v5  }
0x14d: {  	v5 =	vld.idx.msk [tilespmem:v63+s28+$0x0], $0xffff  }
0x14e: {  	v4 =	vor.u32 v3, v4;
	_ =	sdelay $0x3  }
0x14f: {  	s25 =	sadd.s32 $0x4000, s25;
	[tilespmem:s24+$0x1E0] =	vst v5  }
0x150: {  	p0 =	sne.s32 s25, $0x84000;
	v4 =	vld.idx.msk [tilespmem:v4+s28+$0x0], $0xffff  }
.Ltmp3:
0x151: {  	_ = 	snop;
	(pc) =	sbr.rel @!p0 .LBB2_5-.Ltmp3, $2  }
0x152: {  	_ =	sdelay $0x2  }
0x153: {  	s26 =	sadd.s32 $0x10, s26;
	[tilespmem:s24+$0x1F0] =	vst v4;
	s24 =	sadd.s32 $0x400, s24  }
.LBB2_2:
0x154: {  	p0 =	seq.s32 s25, $0x80000  }
.Ltmp4:
0x155: {  	_ = 	snop;
	(pc) =	sbr.rel @p0 .LBB2_4-.Ltmp4, $1  }
0x156: {  	_ =	sdelay $0x3  }
0x157: {  	v4 =	vld [tilespmem:s26+$0x0];
	_ =	sdelay $0x4  }
0x158: {  	v4 =	vand.u32 $0xFFFFFFF0, v4  }
0x159: {  	v4 =	vshrl.u32 v4, $0x3  }
0x15a: {  	v4 =	vadd.s32 s3, v4  }
0x15b: {  	(v2sf) =	vpush v4, $0x0;
	_ =	sdelay $0x1  }
0x15c: {  	(v2sf) =	vpush v4, $0x1;
	_ =	sdelay $0x1  }
0x15d: {  	(v2sf) =	vpush v4, $0x2;
	_ =	sdelay $0x1  }
0x15e: {  	(v2sf) =	vpush v4, $0x3;
	_ =	sdelay $0x1  }
0x15f: {  	(v2sf) =	vpush v4, $0x4;
	_ =	sdelay $0x1  }
0x160: {  	(v2sf) =	vpush v4, $0x5;
	_ =	sdelay $0x1  }
0x161: {  	(v2sf) =	vpush v4, $0x6;
	_ =	sdelay $0x1  }
0x162: {  	s28 =	sand.u32 $0x4000, s25;
	(v2sf) =	vpush v4, $0x7  }
0x163: {  	s29 =	sor.u32 $0x200, s28;
	s30 =	spop (v2sf)  }
0x164: {  	(v2sf) =	vpush v4, $0x8;
	[tilespmem:s29], [sflag:$0x1] =	stream.strided.gather [hbm4b:s30+s22], $0x400, s20, s22, $0x38;
	[tilespmem:$0x18400] =	vst v63  }
0x165: {  	s29 =	sor.u32 $0x600, s28;
	s30 =	spop (v2sf)  }
0x166: {  	(v2sf) =	vpush v4, $0x9;
	[tilespmem:s29], [sflag:$0x1] =	stream.strided.gather [hbm4b:s30+s22], $0x400, s20, s22, $0x38;
	[tilespmem:$0x18400] =	vst v63  }
0x167: {  	s29 =	sor.u32 $0xA00, s28;
	s30 =	spop (v2sf)  }
0x168: {  	(v2sf) =	vpush v4, $0xA;
	[tilespmem:s29], [sflag:$0x1] =	stream.strided.gather [hbm4b:s30+s22], $0x400, s20, s22, $0x38;
	[tilespmem:$0x18400] =	vst v63  }
0x169: {  	s29 =	sor.u32 $0xE00, s28;
	s30 =	spop (v2sf)  }
0x16a: {  	(v2sf) =	vpush v4, $0xB;
	[tilespmem:s29], [sflag:$0x1] =	stream.strided.gather [hbm4b:s30+s22], $0x400, s20, s22, $0x38;
	[tilespmem:$0x18400] =	vst v63  }
0x16b: {  	s29 =	sor.u32 $0x1200, s28;
	s30 =	spop (v2sf)  }
0x16c: {  	(v2sf) =	vpush v4, $0xC;
	[tilespmem:s29], [sflag:$0x1] =	stream.strided.gather [hbm4b:s30+s22], $0x400, s20, s22, $0x38;
	[tilespmem:$0x18400] =	vst v63  }
0x16d: {  	s29 =	sor.u32 $0x1600, s28;
	s30 =	spop (v2sf)  }
0x16e: {  	(v2sf) =	vpush v4, $0xD;
	[tilespmem:s29], [sflag:$0x1] =	stream.strided.gather [hbm4b:s30+s22], $0x400, s20, s22, $0x38;
	[tilespmem:$0x18400] =	vst v63  }
0x16f: {  	s29 =	sor.u32 $0x1A00, s28;
	s30 =	spop (v2sf)  }
0x170: {  	[tilespmem:s29], [sflag:$0x1] =	stream.strided.gather [hbm4b:s30+s22], $0x400, s20, s22, $0x38;
	[tilespmem:$0x18400] =	vst v63  }
0x171: {  	(v2sf) =	vpush v4, $0xE;
	s29 =	sor.u32 $0x1E00, s28;
	s30 =	spop (v2sf)  }
0x172: {  	[tilespmem:s29], [sflag:$0x1] =	stream.strided.gather [hbm4b:s30+s22], $0x400, s20, s22, $0x38;
	[tilespmem:$0x18400] =	vst v63  }
0x173: {  	(v2sf) =	vpush v4, $0xF;
	s29 =	spop (v2sf);
	s30 =	sor.u32 $0x2200, s28  }
0x174: {  	[tilespmem:s30], [sflag:$0x1] =	stream.strided.gather [hbm4b:s29+s22], $0x400, s20, s22, $0x38;
	[tilespmem:$0x18400] =	vst v63  }
0x175: {  	s29 =	spop (v2sf);
	s30 =	sor.u32 $0x2600, s28  }
0x176: {  	[tilespmem:s30], [sflag:$0x1] =	stream.strided.gather [hbm4b:s29+s22], $0x400, s20, s22, $0x38;
	[tilespmem:$0x18400] =	vst v63  }
0x177: {  	s29 =	spop (v2sf);
	s30 =	sor.u32 $0x2A00, s28  }
0x178: {  	[tilespmem:s30], [sflag:$0x1] =	stream.strided.gather [hbm4b:s29+s22], $0x400, s20, s22, $0x38;
	[tilespmem:$0x18400] =	vst v63  }
0x179: {  	s29 =	spop (v2sf);
	s30 =	sor.u32 $0x2E00, s28  }
0x17a: {  	[tilespmem:s30], [sflag:$0x1] =	stream.strided.gather [hbm4b:s29+s22], $0x400, s20, s22, $0x38;
	[tilespmem:$0x18400] =	vst v63  }
0x17b: {  	s29 =	spop (v2sf);
	s30 =	sor.u32 $0x3200, s28  }
0x17c: {  	[tilespmem:s30], [sflag:$0x1] =	stream.strided.gather [hbm4b:s29+s22], $0x400, s20, s22, $0x38;
	[tilespmem:$0x18400] =	vst v63  }
0x17d: {  	s29 =	spop (v2sf);
	s30 =	sor.u32 $0x3600, s28  }
0x17e: {  	[tilespmem:s30], [sflag:$0x1] =	stream.strided.gather [hbm4b:s29+s22], $0x400, s20, s22, $0x38;
	[tilespmem:$0x18400] =	vst v63  }
.Ltmp5:
0x17f: {  	_ = 	snop;
	(pc) =	sbr.rel .LBB2_4-.Ltmp5, $4  }
0x180: {  	s29 =	spop (v2sf);
	s30 =	sor.u32 $0x3A00, s28  }
0x181: {  	[tilespmem:s30], [sflag:$0x1] =	stream.strided.gather [hbm4b:s29+s22], $0x400, s20, s22, $0x38;
	[tilespmem:$0x18400] =	vst v63  }
0x182: {  	s28 =	sor.u32 $0x3E00, s28;
	s30 =	spop (v2sf)  }
0x183: {  	[tilespmem:s28], [sflag:$0x1] =	stream.strided.gather [hbm4b:s30+s22], $0x400, s20, s22, $0x38;
	[tilespmem:$0x18400] =	vst v63  }
.LBB2_6:
0x184: {  	_ =	sfence.sel $0x180000  }
0x185: {  	[bflag:$0x0] =	sbarrier.arrive $0xFFFF  }
0x186: {  	_ =	strace $0x90000047  }
0x187: {  	s0 =	stileid.u32;
	[bflag:$0x2] =	sbarrier.arrive $0xFFFF  }
0x188: {  	p0 =	sne.s32 s0, $0x0;
	s0 =	rddreg [dreg:$0x5]  }
0x189: {  	s0 =	sadd.s32 @!p0 $0x100000, s0  }
0x18a: {  	[sflag:s0] =	ssyncadd.tile.s32 @!p0 $0x1;
	_ =	shalt  }
.Lfunc_end2:
_tile_overlayer_lowered:
.L_overlay_start_2:
0x18b: {  	(tag) =	ssettag $0x2  }
0x18c: {  	s0 =	rddreg [dreg:$0x0];
	s2 =	stileid.u32  }
0x18d: {  	s1 =	rddreg [dreg:$0x1];
	p0 =	sne.s32 s2, $0x0  }
0x18e: {  	s3 =	rddreg [dreg:$0x2];
	[bflag:$0x3] =	sbarrier.arrive $0xFFFF;
	s2 =	simm.s32 @!p0 $0x1C03  }
0x18f: {  	[timem:s3], [sflag:s2] =	dma.local @!p0 [hbm:s0], s1  }
0x190: {  	s0 =	simm.s32 @!p0 $0x3  }
0x191: {  	_ =	swait.ge @!p0 [sflag:s0], s1  }
0x192: {  	s1 =	ssub.s32 @!p0 $0x0, s1;
	[sflag:s0] =	ssyncset.done @!p0 $0x0  }
0x193: {  	[sflag:s0] =	ssyncadd.s32 @!p0 s1  }
0x194: {  	[bflag:$0x3] =	sbarrier.arrive $0xFFFF  }
0x195: {  	_ =	shalt  }

</sc_bundles>
